<compile_context>
chip_gen: v7x
topology: tpu7x:2x2x1
jax: 0.10.2.dev20260603
libtpu: 0.0.44.dev20260713+nightly
codegen_flags: <defaults>
</compile_context>

<pallas_src>
import functools

import jax
import jax.numpy as jnp
from jax import lax
from jax.experimental import pallas as pl
from jax.experimental.pallas import tpu as pltpu
from jax.experimental.pallas import tpu_sc as plsc

RADIUS = 0.05
NSC = 16384


def _pack_kernel(p_ref, osc_ref, otc_ref, *, nsc):
    pt = p_ref[...]
    pnn = -0.5 * (pt[0:1, :] * pt[0:1, :] + pt[1:2, :] * pt[1:2, :]
                  + pt[2:3, :] * pt[2:3, :])
    pk = jnp.concatenate([pt, pnn], axis=0)
    osc_ref[...] = pk[:, :nsc]
    otc_ref[...] = jnp.broadcast_to(pk[:, None, nsc:], otc_ref.shape)


def _nn_tc_kernel(x_ref, pall_ref, o_ref, xb0_ref, xb1_ref, xb2_ref,
                  acc_ref, *, pc, n, tm):
    xt = x_ref[...]
    xb0_ref[...] = jnp.broadcast_to(xt[:, 0:1], (tm, 128))
    xb1_ref[...] = jnp.broadcast_to(xt[:, 1:2], (tm, 128))
    xb2_ref[...] = jnp.broadcast_to(xt[:, 2:3], (tm, 128))
    acc_ref[...] = jnp.full((tm, 128), -jnp.inf, jnp.float32)

    def ploop(k, _):
        base = k * pc
        p0 = pall_ref[0, :, pl.ds(base, pc)]
        p1 = pall_ref[1, :, pl.ds(base, pc)]
        p2 = pall_ref[2, :, pl.ds(base, pc)]
        pnn = pall_ref[3, :, pl.ds(base, pc)]

        def qloop(qb, _):
            r = qb * 8
            x0 = xb0_ref[pl.ds(r, 8), :]
            x1 = xb1_ref[pl.ds(r, 8), :]
            x2 = xb2_ref[pl.ds(r, 8), :]
            m = None
            for j in range(pc // 128):
                s = slice(j * 128, (j + 1) * 128)
                u = x0 * p0[:, s] + (x1 * p1[:, s]
                                     + (x2 * p2[:, s] + pnn[:, s]))
                m = u if m is None else jnp.maximum(m, u)
            acc_ref[pl.ds(r, 8), :] = jnp.maximum(acc_ref[pl.ds(r, 8), :], m)
            return 0

        lax.fori_loop(0, tm // 8, qloop, 0, unroll=8)
        return 0

    lax.fori_loop(0, n // pc, ploop, 0)
    o_ref[:, 0] = jnp.max(acc_ref[...], axis=1)


def _combine_kernel(x_ref, utc_ref, usc_ref, o_ref):
    xt = x_ref[...]
    xn = (xt[:, 0] * xt[:, 0] + xt[:, 1] * xt[:, 1] + xt[:, 2] * xt[:, 2])
    u = jnp.maximum(utc_ref[:, 0], jnp.max(usc_ref[...], axis=1))
    d2 = jnp.maximum(xn - 2.0 * u, 0.0)
    o_ref[:, 0] = jnp.sqrt(d2) - RADIUS


def _make_sc_kernel(m, nsc):
    mq = m // 32
    mesh = plsc.VectorSubcoreMesh(core_axis_name="c", subcore_axis_name="s")

    @functools.partial(
        pl.kernel, mesh=mesh,
        out_type=jax.ShapeDtypeStruct((m, 16), jnp.float32),
        scratch_types=[
            pltpu.VMEM((4, mq), jnp.float32),
            pltpu.VMEM((4, nsc), jnp.float32),
            pltpu.VMEM((mq, 16), jnp.float32),
        ],
    )
    def sck(x_hbm, p_hbm, out_hbm, x_v, p_v, out_v):
        wid = lax.axis_index("s") * 2 + lax.axis_index("c")
        base = wid * mq
        pltpu.sync_copy(x_hbm.at[:, pl.ds(base, mq)], x_v)
        pltpu.sync_copy(p_hbm, p_v)

        def qloop(qs, _):
            q = qs * 16
            x0v = x_v[0, pl.ds(q, 16)]
            x1v = x_v[1, pl.ds(q, 16)]
            x2v = x_v[2, pl.ds(q, 16)]
            for sub in range(4):
                xs = []
                for i in range(4):
                    e = sub * 4 + i
                    xs.append((jnp.broadcast_to(x0v[e], (16,)),
                               jnp.broadcast_to(x1v[e], (16,)),
                               jnp.broadcast_to(x2v[e], (16,))))

                def jloop(j, accs):
                    c = j * 16
                    p0 = p_v[0, pl.ds(c, 16)]
                    p1 = p_v[1, pl.ds(c, 16)]
                    p2 = p_v[2, pl.ds(c, 16)]
                    pnn = p_v[3, pl.ds(c, 16)]
                    return tuple(
                        jnp.maximum(a, b0 * p0 + (b1 * p1 + (b2 * p2 + pnn)))
                        for a, (b0, b1, b2) in zip(accs, xs))

                neg = jnp.full((16,), -jnp.inf, jnp.float32)
                accs = lax.fori_loop(0, nsc // 16, jloop,
                                     (neg, neg, neg, neg))
                for i in range(4):
                    out_v[qs * 16 + sub * 4 + i, :] = accs[i]
            return 0

        lax.fori_loop(0, mq // 16, qloop, 0)
        pltpu.sync_copy(out_v, out_hbm.at[pl.ds(base, mq), :])

    return sck


@functools.partial(jax.jit, static_argnames=("tm", "pc", "nsc"))
def _nn(x, pcd_t, tm=4096, pc=1536, nsc=NSC):
    m, _ = x.shape
    _, n = pcd_t.shape
    ntc = n - nsc
    pall_sc, pall8 = pl.pallas_call(
        functools.partial(_pack_kernel, nsc=nsc),
        in_specs=[pl.BlockSpec((3, n), lambda: (0, 0))],
        out_specs=[pl.BlockSpec((4, nsc), lambda: (0, 0)),
                   pl.BlockSpec((4, 8, ntc), lambda: (0, 0, 0))],
        out_shape=[jax.ShapeDtypeStruct((4, nsc), jnp.float32),
                   jax.ShapeDtypeStruct((4, 8, ntc), jnp.float32)],
    )(pcd_t)

    xT4 = jnp.pad(x.T, ((0, 1), (0, 0)))
    usc = _make_sc_kernel(m, nsc)(xT4, pall_sc)

    utc = pl.pallas_call(
        functools.partial(_nn_tc_kernel, pc=pc, n=ntc, tm=tm),
        grid=(m // tm,),
        in_specs=[
            pl.BlockSpec((tm, 3), lambda i: (i, 0)),
            pl.BlockSpec((4, 8, ntc), lambda i: (0, 0, 0)),
        ],
        out_specs=pl.BlockSpec((tm, 1), lambda i: (i, 0)),
        out_shape=jax.ShapeDtypeStruct((m, 1), jnp.float32),
        scratch_shapes=[pltpu.VMEM((tm, 128), jnp.float32),
                        pltpu.VMEM((tm, 128), jnp.float32),
                        pltpu.VMEM((tm, 128), jnp.float32),
                        pltpu.VMEM((tm, 128), jnp.float32)],
    )(x, pall8)

    return pl.pallas_call(
        _combine_kernel,
        grid=(m // tm,),
        in_specs=[
            pl.BlockSpec((tm, 3), lambda i: (i, 0)),
            pl.BlockSpec((tm, 1), lambda i: (i, 0)),
            pl.BlockSpec((tm, 16), lambda i: (i, 0)),
        ],
        out_specs=pl.BlockSpec((tm, 1), lambda i: (i, 0)),
        out_shape=jax.ShapeDtypeStruct((m, 1), jnp.float32),
    )(x, utc, usc)


def kernel(x, pcd):
    return _nn(x, pcd.T)

# --- scband reference (transcript-rebuilt; emitter-appended) ---
"""Pipeline reference for scband-point-cloud-sdf-86182813761644 (READ-ONLY COPY).

The authoritative reference and input builder live on the scoring server;
editing this copy changes nothing except your own understanding.
"""

import jax, jax.numpy as jnp
import numpy as np

M = 8192
N = 65536
CHUNK = 1024
RADIUS = 0.05


def setup_inputs(seed: int = 0) -> dict:
    key = jax.random.key(seed)
    k1, k2 = jax.random.split(key)
    x = jax.random.normal(k1, (M, 3), dtype=jnp.float32)
    # point cloud is constructor data (a fixed 'parameter' of the module)
    pcd = jax.random.normal(k2, (N, 3), dtype=jnp.float32)
    return {"x": x, "pcd": pcd}


def reference(x, pcd):
    # Brute-force nearest-neighbor squared distance (ChamferDistance x->pcd),
    # chunked over queries to bound the M x N distance tile.
    def chunk_min(xc):
        d2 = jnp.sum((xc[:, None, :] - pcd[None, :, :]) ** 2, axis=-1)  # [CHUNK, N]
        return jnp.min(d2, axis=1)  # [CHUNK]

    xr = x.reshape(M // CHUNK, CHUNK, 3)
    d2 = jax.lax.map(chunk_min, xr).reshape(M, 1)
    dist = jnp.sqrt(d2) - RADIUS  # M x 1 signed-distance estimate
    return dist

if __name__ == "__main__":
    import jax
    _d = setup_inputs()
    print(jax.jit(kernel)(*tuple(_d.values())))

</pallas_src>

<mosaic_0001>
#map = affine_map<(d0, d1) -> (0, 0)>
module attributes {stable_mosaic.version = 14 : i64} {
  func.func @sck(%arg0: i32, %arg1: i32, %arg2: memref<4x8192xf32, #tpu.memory_space<hbm>>, %arg3: memref<4x16384xf32, #tpu.memory_space<hbm>>, %arg4: memref<8192x16xf32, #tpu.memory_space<hbm>>, %arg5: memref<4x256xf32, #tpu.memory_space<vmem>>, %arg6: memref<4x16384xf32, #tpu.memory_space<vmem>>, %arg7: memref<256x16xf32, #tpu.memory_space<vmem>>) attributes {dimension_semantics = [#tpu.dimension_semantics<core_parallel>, #tpu.dimension_semantics<subcore_parallel>], iteration_bounds = array<i64: 2, 16>, scalar_prefetch = 0 : i64, scratch_operands = 3 : i64, tpu.core_type = #tpu.core_type<sc_vector_subcore>, window_params = [{transform_indices = #map}, {transform_indices = #map}, {transform_indices = #map}]} {
    %mul3A = arith.constant 2 : i32
    %mul3A_0 = arith.muli %arg1, %mul3A : i32
    %add3A = arith.addi %mul3A_0, %arg0 : i32
    %mul3A_1 = arith.constant 256 : i32
    %mul3A_2 = arith.muli %add3A, %mul3A_1 : i32
    "tpu.region"() ({
      %run_scoped3A = tpu.sem_alloc : memref<!tpu.dma_semaphore, #tpu.memory_space<semaphore_mem>>
      %dma_start3A = arith.constant 0 : i32
      %dma_start3A_9 = tpu.memref_slice %arg2[%dma_start3A, %mul3A_2] : memref<4x8192xf32, #tpu.memory_space<hbm>> -> memref<4x256xf32, #tpu.memory_space<hbm>>
      %dma_start3A_10 = arith.constant 0 : i32
      %dma_start3A_11 = tpu.memref_slice %arg2[%dma_start3A_10, %mul3A_2] : memref<4x8192xf32, #tpu.memory_space<hbm>> -> memref<4x256xf32, #tpu.memory_space<hbm>>
      tpu.enqueue_dma source(%dma_start3A_11 : memref<4x256xf32, #tpu.memory_space<hbm>>) target(%arg5 : memref<4x256xf32, #tpu.memory_space<vmem>>) target_semaphore(%run_scoped3A : memref<!tpu.dma_semaphore, #tpu.memory_space<semaphore_mem>>)
      %dma_wait3A = arith.constant 0 : i32
      %dma_wait3A_12 = tpu.memref_slice %arg2[%dma_wait3A, %mul3A_2] : memref<4x8192xf32, #tpu.memory_space<hbm>> -> memref<4x256xf32, #tpu.memory_space<hbm>>
      %dma_wait3A_13 = arith.constant 0 : i32
      %dma_wait3A_14 = tpu.memref_slice %arg2[%dma_wait3A_13, %mul3A_2] : memref<4x8192xf32, #tpu.memory_space<hbm>> -> memref<4x256xf32, #tpu.memory_space<hbm>>
      tpu.wait_dma2 semaphore(%run_scoped3A : memref<!tpu.dma_semaphore, #tpu.memory_space<semaphore_mem>>) src(%dma_wait3A_14 : memref<4x256xf32, #tpu.memory_space<hbm>>) dst(%arg5 : memref<4x256xf32, #tpu.memory_space<vmem>>)
      tpu.yield
    }) : () -> ()
    "tpu.region"() ({
      %run_scoped3A = tpu.sem_alloc : memref<!tpu.dma_semaphore, #tpu.memory_space<semaphore_mem>>
      tpu.enqueue_dma source(%arg3 : memref<4x16384xf32, #tpu.memory_space<hbm>>) target(%arg6 : memref<4x16384xf32, #tpu.memory_space<vmem>>) target_semaphore(%run_scoped3A : memref<!tpu.dma_semaphore, #tpu.memory_space<semaphore_mem>>)
      tpu.wait_dma2 semaphore(%run_scoped3A : memref<!tpu.dma_semaphore, #tpu.memory_space<semaphore_mem>>) src(%arg3 : memref<4x16384xf32, #tpu.memory_space<hbm>>) dst(%arg6 : memref<4x16384xf32, #tpu.memory_space<vmem>>)
      tpu.yield
    }) : () -> ()
    %scan3A = arith.constant 0 : i32
    %scan3A_3 = arith.constant 0 : i32
    %scan3A_4 = arith.constant 16 : i32
    %scan3A_5 = arith.addi %scan3A_3, %scan3A_4 : i32
    %scan3A_6 = arith.constant 1 : i32
    %scan3A_7 = scf.for %scan3A_9 = %scan3A_3 to %scan3A_5 step %scan3A_6 iter_args(%scan3A_10 = %scan3A) -> (i32)  : i32 {
      %mul3A_11 = arith.constant 16 : i32
      %mul3A_12 = arith.muli %scan3A_9, %mul3A_11 : i32
      %get3A = arith.constant 0 : i32
      %get3A_13 = arith.index_cast %get3A : i32 to index
      %get3A_14 = arith.index_cast %mul3A_12 : i32 to index
      %get3A_15 = tpu.vector_load %arg5[%get3A_13, %get3A_14] {strides = array<i32>} : memref<4x256xf32, #tpu.memory_space<vmem>>, vector<1x16xf32>,
      %get3A_16 = vector.shape_cast %get3A_15 : vector<1x16xf32> to vector<16xf32>
      %get3A_17 = arith.constant 1 : i32
      %get3A_18 = arith.index_cast %get3A_17 : i32 to index
      %get3A_19 = arith.index_cast %mul3A_12 : i32 to index
      %get3A_20 = tpu.vector_load %arg5[%get3A_18, %get3A_19] {strides = array<i32>} : memref<4x256xf32, #tpu.memory_space<vmem>>, vector<1x16xf32>,
      %get3A_21 = vector.shape_cast %get3A_20 : vector<1x16xf32> to vector<16xf32>
      %get3A_22 = arith.constant 2 : i32
      %get3A_23 = arith.index_cast %get3A_22 : i32 to index
      %get3A_24 = arith.index_cast %mul3A_12 : i32 to index
      %get3A_25 = tpu.vector_load %arg5[%get3A_23, %get3A_24] {strides = array<i32>} : memref<4x256xf32, #tpu.memory_space<vmem>>, vector<1x16xf32>,
      %get3A_26 = vector.shape_cast %get3A_25 : vector<1x16xf32> to vector<16xf32>
      %slice3A = vector.extract_strided_slice %get3A_16 {offsets = [0], sizes = [1], strides = [1]} : vector<16xf32> to vector<1xf32>
      %squeeze3A = vector.extract %slice3A[0] : f32 from vector<1xf32>
      %broadcast_in_dim3A = vector.broadcast %squeeze3A : f32 to vector<16xf32>
      %slice3A_27 = vector.extract_strided_slice %get3A_21 {offsets = [0], sizes = [1], strides = [1]} : vector<16xf32> to vector<1xf32>
      %squeeze3A_28 = vector.extract %slice3A_27[0] : f32 from vector<1xf32>
      %broadcast_in_dim3A_29 = vector.broadcast %squeeze3A_28 : f32 to vector<16xf32>
      %slice3A_30 = vector.extract_strided_slice %get3A_26 {offsets = [0], sizes = [1], strides = [1]} : vector<16xf32> to vector<1xf32>
      %squeeze3A_31 = vector.extract %slice3A_30[0] : f32 from vector<1xf32>
      %broadcast_in_dim3A_32 = vector.broadcast %squeeze3A_31 : f32 to vector<16xf32>
      %slice3A_33 = vector.extract_strided_slice %get3A_16 {offsets = [1], sizes = [1], strides = [1]} : vector<16xf32> to vector<1xf32>
      %squeeze3A_34 = vector.extract %slice3A_33[0] : f32 from vector<1xf32>
      %broadcast_in_dim3A_35 = vector.broadcast %squeeze3A_34 : f32 to vector<16xf32>
      %slice3A_36 = vector.extract_strided_slice %get3A_21 {offsets = [1], sizes = [1], strides = [1]} : vector<16xf32> to vector<1xf32>
      %squeeze3A_37 = vector.extract %slice3A_36[0] : f32 from vector<1xf32>
      %broadcast_in_dim3A_38 = vector.broadcast %squeeze3A_37 : f32 to vector<16xf32>
      %slice3A_39 = vector.extract_strided_slice %get3A_26 {offsets = [1], sizes = [1], strides = [1]} : vector<16xf32> to vector<1xf32>
      %squeeze3A_40 = vector.extract %slice3A_39[0] : f32 from vector<1xf32>
      %broadcast_in_dim3A_41 = vector.broadcast %squeeze3A_40 : f32 to vector<16xf32>
      %slice3A_42 = vector.extract_strided_slice %get3A_16 {offsets = [2], sizes = [1], strides = [1]} : vector<16xf32> to vector<1xf32>
      %squeeze3A_43 = vector.extract %slice3A_42[0] : f32 from vector<1xf32>
      %broadcast_in_dim3A_44 = vector.broadcast %squeeze3A_43 : f32 to vector<16xf32>
      %slice3A_45 = vector.extract_strided_slice %get3A_21 {offsets = [2], sizes = [1], strides = [1]} : vector<16xf32> to vector<1xf32>
      %squeeze3A_46 = vector.extract %slice3A_45[0] : f32 from vector<1xf32>
      %broadcast_in_dim3A_47 = vector.broadcast %squeeze3A_46 : f32 to vector<16xf32>
      %slice3A_48 = vector.extract_strided_slice %get3A_26 {offsets = [2], sizes = [1], strides = [1]} : vector<16xf32> to vector<1xf32>
      %squeeze3A_49 = vector.extract %slice3A_48[0] : f32 from vector<1xf32>
      %broadcast_in_dim3A_50 = vector.broadcast %squeeze3A_49 : f32 to vector<16xf32>
      %slice3A_51 = vector.extract_strided_slice %get3A_16 {offsets = [3], sizes = [1], strides = [1]} : vector<16xf32> to vector<1xf32>
      %squeeze3A_52 = vector.extract %slice3A_51[0] : f32 from vector<1xf32>
      %broadcast_in_dim3A_53 = vector.broadcast %squeeze3A_52 : f32 to vector<16xf32>
      %slice3A_54 = vector.extract_strided_slice %get3A_21 {offsets = [3], sizes = [1], strides = [1]} : vector<16xf32> to vector<1xf32>
      %squeeze3A_55 = vector.extract %slice3A_54[0] : f32 from vector<1xf32>
      %broadcast_in_dim3A_56 = vector.broadcast %squeeze3A_55 : f32 to vector<16xf32>
      %slice3A_57 = vector.extract_strided_slice %get3A_26 {offsets = [3], sizes = [1], strides = [1]} : vector<16xf32> to vector<1xf32>
      %squeeze3A_58 = vector.extract %slice3A_57[0] : f32 from vector<1xf32>
      %broadcast_in_dim3A_59 = vector.broadcast %squeeze3A_58 : f32 to vector<16xf32>
      %broadcast_in_dim3A_60 = arith.constant 0xFF800000 : f32
      %broadcast_in_dim3A_61 = vector.broadcast %broadcast_in_dim3A_60 : f32 to vector<16xf32>
      %scan3A_62 = arith.constant 0 : i32
      %scan3A_63 = arith.constant 1024 : i32
      %scan3A_64 = arith.addi %scan3A_62, %scan3A_63 : i32
      %scan3A_65 = arith.constant 1 : i32
      %scan3A_66:4 = scf.for %scan3A_376 = %scan3A_62 to %scan3A_64 step %scan3A_65 iter_args(%scan3A_377 = %broadcast_in_dim3A_61, %scan3A_378 = %broadcast_in_dim3A_61, %scan3A_379 = %broadcast_in_dim3A_61, %scan3A_380 = %broadcast_in_dim3A_61) -> (vector<16xf32>, vector<16xf32>, vector<16xf32>, vector<16xf32>)  : i32 {
        %mul3A_381 = arith.constant 16 : i32
        %mul3A_382 = arith.muli %scan3A_376, %mul3A_381 : i32
        %get3A_383 = arith.constant 0 : i32
        %get3A_384 = arith.index_cast %get3A_383 : i32 to index
        %get3A_385 = arith.index_cast %mul3A_382 : i32 to index
        %get3A_386 = tpu.vector_load %arg6[%get3A_384, %get3A_385] {strides = array<i32>} : memref<4x16384xf32, #tpu.memory_space<vmem>>, vector<1x16xf32>,
        %get3A_387 = vector.shape_cast %get3A_386 : vector<1x16xf32> to vector<16xf32>
        %get3A_388 = arith.constant 1 : i32
        %get3A_389 = arith.index_cast %get3A_388 : i32 to index
        %get3A_390 = arith.index_cast %mul3A_382 : i32 to index
        %get3A_391 = tpu.vector_load %arg6[%get3A_389, %get3A_390] {strides = array<i32>} : memref<4x16384xf32, #tpu.memory_space<vmem>>, vector<1x16xf32>,
        %get3A_392 = vector.shape_cast %get3A_391 : vector<1x16xf32> to vector<16xf32>
        %get3A_393 = arith.constant 2 : i32
        %get3A_394 = arith.index_cast %get3A_393 : i32 to index
        %get3A_395 = arith.index_cast %mul3A_382 : i32 to index
        %get3A_396 = tpu.vector_load %arg6[%get3A_394, %get3A_395] {strides = array<i32>} : memref<4x16384xf32, #tpu.memory_space<vmem>>, vector<1x16xf32>,
        %get3A_397 = vector.shape_cast %get3A_396 : vector<1x16xf32> to vector<16xf32>
        %get3A_398 = arith.constant 3 : i32
        %get3A_399 = arith.index_cast %get3A_398 : i32 to index
        %get3A_400 = arith.index_cast %mul3A_382 : i32 to index
        %get3A_401 = tpu.vector_load %arg6[%get3A_399, %get3A_400] {strides = array<i32>} : memref<4x16384xf32, #tpu.memory_space<vmem>>, vector<1x16xf32>,
        %get3A_402 = vector.shape_cast %get3A_401 : vector<1x16xf32> to vector<16xf32>
        %mul3A_403 = arith.mulf %broadcast_in_dim3A, %get3A_387 : vector<16xf32>
        %mul3A_404 = arith.mulf %broadcast_in_dim3A_29, %get3A_392 : vector<16xf32>
        %mul3A_405 = arith.mulf %broadcast_in_dim3A_32, %get3A_397 : vector<16xf32>
        %add3A_406 = arith.addf %mul3A_405, %get3A_402 : vector<16xf32>
        %add3A_407 = arith.addf %mul3A_404, %add3A_406 : vector<16xf32>
        %add3A_408 = arith.addf %mul3A_403, %add3A_407 : vector<16xf32>
        %max3A = arith.maximumf %scan3A_377, %add3A_408 : vector<16xf32>
        %mul3A_409 = arith.mulf %broadcast_in_dim3A_35, %get3A_387 : vector<16xf32>
        %mul3A_410 = arith.mulf %broadcast_in_dim3A_38, %get3A_392 : vector<16xf32>
        %mul3A_411 = arith.mulf %broadcast_in_dim3A_41, %get3A_397 : vector<16xf32>
        %add3A_412 = arith.addf %mul3A_411, %get3A_402 : vector<16xf32>
        %add3A_413 = arith.addf %mul3A_410, %add3A_412 : vector<16xf32>
        %add3A_414 = arith.addf %mul3A_409, %add3A_413 : vector<16xf32>
        %max3A_415 = arith.maximumf %scan3A_378, %add3A_414 : vector<16xf32>
        %mul3A_416 = arith.mulf %broadcast_in_dim3A_44, %get3A_387 : vector<16xf32>
        %mul3A_417 = arith.mulf %broadcast_in_dim3A_47, %get3A_392 : vector<16xf32>
        %mul3A_418 = arith.mulf %broadcast_in_dim3A_50, %get3A_397 : vector<16xf32>
        %add3A_419 = arith.addf %mul3A_418, %get3A_402 : vector<16xf32>
        %add3A_420 = arith.addf %mul3A_417, %add3A_419 : vector<16xf32>
        %add3A_421 = arith.addf %mul3A_416, %add3A_420 : vector<16xf32>
        %max3A_422 = arith.maximumf %scan3A_379, %add3A_421 : vector<16xf32>
        %mul3A_423 = arith.mulf %broadcast_in_dim3A_53, %get3A_387 : vector<16xf32>
        %mul3A_424 = arith.mulf %broadcast_in_dim3A_56, %get3A_392 : vector<16xf32>
        %mul3A_425 = arith.mulf %broadcast_in_dim3A_59, %get3A_397 : vector<16xf32>
        %add3A_426 = arith.addf %mul3A_425, %get3A_402 : vector<16xf32>
        %add3A_427 = arith.addf %mul3A_424, %add3A_426 : vector<16xf32>
        %add3A_428 = arith.addf %mul3A_423, %add3A_427 : vector<16xf32>
        %max3A_429 = arith.maximumf %scan3A_380, %add3A_428 : vector<16xf32>
        scf.yield %max3A, %max3A_415, %max3A_422, %max3A_429 : vector<16xf32>, vector<16xf32>, vector<16xf32>, vector<16xf32>
      }
      %scan3A_67 = arith.constant 1024 : i32
      %mul3A_68 = arith.constant 16 : i32
      %mul3A_69 = arith.muli %scan3A_9, %mul3A_68 : i32
      %add3A_70 = arith.constant 0 : i32
      %add3A_71 = arith.addi %mul3A_69, %add3A_70 : i32
      %add3A_72 = arith.constant 0 : i32
      %add3A_73 = arith.addi %add3A_71, %add3A_72 : i32
      %swap3A = arith.index_cast %add3A_73 : i32 to index
      %swap3A_74 = arith.constant 0 : index
      %swap3A_75 = tpu.vector_load %arg7[%swap3A, %swap3A_74] {strides = array<i32>} : memref<256x16xf32, #tpu.memory_space<vmem>>, vector<1x16xf32>,
      %swap3A_76 = vector.shape_cast %swap3A_75 : vector<1x16xf32> to vector<16xf32>
      %swap3A_77 = vector.shape_cast %scan3A_66#0 : vector<16xf32> to vector<1x16xf32>
      tpu.vector_store %arg7[%swap3A, %swap3A_74], %swap3A_77 {strides = array<i32>} : memref<256x16xf32, #tpu.memory_space<vmem>>, vector<1x16xf32>,
      %mul3A_78 = arith.constant 16 : i32
      %mul3A_79 = arith.muli %scan3A_9, %mul3A_78 : i32
      %add3A_80 = arith.constant 0 : i32
      %add3A_81 = arith.addi %mul3A_79, %add3A_80 : i32
      %add3A_82 = arith.constant 1 : i32
      %add3A_83 = arith.addi %add3A_81, %add3A_82 : i32
      %swap3A_84 = arith.index_cast %add3A_83 : i32 to index
      %swap3A_85 = arith.constant 0 : index
      %swap3A_86 = tpu.vector_load %arg7[%swap3A_84, %swap3A_85] {strides = array<i32>} : memref<256x16xf32, #tpu.memory_space<vmem>>, vector<1x16xf32>,
      %swap3A_87 = vector.shape_cast %swap3A_86 : vector<1x16xf32> to vector<16xf32>
      %swap3A_88 = vector.shape_cast %scan3A_66#1 : vector<16xf32> to vector<1x16xf32>
      tpu.vector_store %arg7[%swap3A_84, %swap3A_85], %swap3A_88 {strides = array<i32>} : memref<256x16xf32, #tpu.memory_space<vmem>>, vector<1x16xf32>,
      %mul3A_89 = arith.constant 16 : i32
      %mul3A_90 = arith.muli %scan3A_9, %mul3A_89 : i32
      %add3A_91 = arith.constant 0 : i32
      %add3A_92 = arith.addi %mul3A_90, %add3A_91 : i32
      %add3A_93 = arith.constant 2 : i32
      %add3A_94 = arith.addi %add3A_92, %add3A_93 : i32
      %swap3A_95 = arith.index_cast %add3A_94 : i32 to index
      %swap3A_96 = arith.constant 0 : index
      %swap3A_97 = tpu.vector_load %arg7[%swap3A_95, %swap3A_96] {strides = array<i32>} : memref<256x16xf32, #tpu.memory_space<vmem>>, vector<1x16xf32>,
      %swap3A_98 = vector.shape_cast %swap3A_97 : vector<1x16xf32> to vector<16xf32>
      %swap3A_99 = vector.shape_cast %scan3A_66#2 : vector<16xf32> to vector<1x16xf32>
      tpu.vector_store %arg7[%swap3A_95, %swap3A_96], %swap3A_99 {strides = array<i32>} : memref<256x16xf32, #tpu.memory_space<vmem>>, vector<1x16xf32>,
      %mul3A_100 = arith.constant 16 : i32
      %mul3A_101 = arith.muli %scan3A_9, %mul3A_100 : i32
      %add3A_102 = arith.constant 0 : i32
      %add3A_103 = arith.addi %mul3A_101, %add3A_102 : i32
      %add3A_104 = arith.constant 3 : i32
      %add3A_105 = arith.addi %add3A_103, %add3A_104 : i32
      %swap3A_106 = arith.index_cast %add3A_105 : i32 to index
      %swap3A_107 = arith.constant 0 : index
      %swap3A_108 = tpu.vector_load %arg7[%swap3A_106, %swap3A_107] {strides = array<i32>} : memref<256x16xf32, #tpu.memory_space<vmem>>, vector<1x16xf32>,
      %swap3A_109 = vector.shape_cast %swap3A_108 : vector<1x16xf32> to vector<16xf32>
      %swap3A_110 = vector.shape_cast %scan3A_66#3 : vector<16xf32> to vector<1x16xf32>
      tpu.vector_store %arg7[%swap3A_106, %swap3A_107], %swap3A_110 {strides = array<i32>} : memref<256x16xf32, #tpu.memory_space<vmem>>, vector<1x16xf32>,
      %slice3A_111 = vector.extract_strided_slice %get3A_16 {offsets = [4], sizes = [1], strides = [1]} : vector<16xf32> to vector<1xf32>
      %squeeze3A_112 = vector.extract %slice3A_111[0] : f32 from vector<1xf32>
      %broadcast_in_dim3A_113 = vector.broadcast %squeeze3A_112 : f32 to vector<16xf32>
      %slice3A_114 = vector.extract_strided_slice %get3A_21 {offsets = [4], sizes = [1], strides = [1]} : vector<16xf32> to vector<1xf32>
      %squeeze3A_115 = vector.extract %slice3A_114[0] : f32 from vector<1xf32>
      %broadcast_in_dim3A_116 = vector.broadcast %squeeze3A_115 : f32 to vector<16xf32>
      %slice3A_117 = vector.extract_strided_slice %get3A_26 {offsets = [4], sizes = [1], strides = [1]} : vector<16xf32> to vector<1xf32>
      %squeeze3A_118 = vector.extract %slice3A_117[0] : f32 from vector<1xf32>
      %broadcast_in_dim3A_119 = vector.broadcast %squeeze3A_118 : f32 to vector<16xf32>
      %slice3A_120 = vector.extract_strided_slice %get3A_16 {offsets = [5], sizes = [1], strides = [1]} : vector<16xf32> to vector<1xf32>
      %squeeze3A_121 = vector.extract %slice3A_120[0] : f32 from vector<1xf32>
      %broadcast_in_dim3A_122 = vector.broadcast %squeeze3A_121 : f32 to vector<16xf32>
      %slice3A_123 = vector.extract_strided_slice %get3A_21 {offsets = [5], sizes = [1], strides = [1]} : vector<16xf32> to vector<1xf32>
      %squeeze3A_124 = vector.extract %slice3A_123[0] : f32 from vector<1xf32>
      %broadcast_in_dim3A_125 = vector.broadcast %squeeze3A_124 : f32 to vector<16xf32>
      %slice3A_126 = vector.extract_strided_slice %get3A_26 {offsets = [5], sizes = [1], strides = [1]} : vector<16xf32> to vector<1xf32>
      %squeeze3A_127 = vector.extract %slice3A_126[0] : f32 from vector<1xf32>
      %broadcast_in_dim3A_128 = vector.broadcast %squeeze3A_127 : f32 to vector<16xf32>
      %slice3A_129 = vector.extract_strided_slice %get3A_16 {offsets = [6], sizes = [1], strides = [1]} : vector<16xf32> to vector<1xf32>
      %squeeze3A_130 = vector.extract %slice3A_129[0] : f32 from vector<1xf32>
      %broadcast_in_dim3A_131 = vector.broadcast %squeeze3A_130 : f32 to vector<16xf32>
      %slice3A_132 = vector.extract_strided_slice %get3A_21 {offsets = [6], sizes = [1], strides = [1]} : vector<16xf32> to vector<1xf32>
      %squeeze3A_133 = vector.extract %slice3A_132[0] : f32 from vector<1xf32>
      %broadcast_in_dim3A_134 = vector.broadcast %squeeze3A_133 : f32 to vector<16xf32>
      %slice3A_135 = vector.extract_strided_slice %get3A_26 {offsets = [6], sizes = [1], strides = [1]} : vector<16xf32> to vector<1xf32>
      %squeeze3A_136 = vector.extract %slice3A_135[0] : f32 from vector<1xf32>
      %broadcast_in_dim3A_137 = vector.broadcast %squeeze3A_136 : f32 to vector<16xf32>
      %slice3A_138 = vector.extract_strided_slice %get3A_16 {offsets = [7], sizes = [1], strides = [1]} : vector<16xf32> to vector<1xf32>
      %squeeze3A_139 = vector.extract %slice3A_138[0] : f32 from vector<1xf32>
      %broadcast_in_dim3A_140 = vector.broadcast %squeeze3A_139 : f32 to vector<16xf32>
      %slice3A_141 = vector.extract_strided_slice %get3A_21 {offsets = [7], sizes = [1], strides = [1]} : vector<16xf32> to vector<1xf32>
      %squeeze3A_142 = vector.extract %slice3A_141[0] : f32 from vector<1xf32>
      %broadcast_in_dim3A_143 = vector.broadcast %squeeze3A_142 : f32 to vector<16xf32>
      %slice3A_144 = vector.extract_strided_slice %get3A_26 {offsets = [7], sizes = [1], strides = [1]} : vector<16xf32> to vector<1xf32>
      %squeeze3A_145 = vector.extract %slice3A_144[0] : f32 from vector<1xf32>
      %broadcast_in_dim3A_146 = vector.broadcast %squeeze3A_145 : f32 to vector<16xf32>
      %broadcast_in_dim3A_147 = arith.constant 0xFF800000 : f32
      %broadcast_in_dim3A_148 = vector.broadcast %broadcast_in_dim3A_147 : f32 to vector<16xf32>
      %scan3A_149 = arith.constant 0 : i32
      %scan3A_150 = arith.constant 1024 : i32
      %scan3A_151 = arith.addi %scan3A_149, %scan3A_150 : i32
      %scan3A_152 = arith.constant 1 : i32
      %scan3A_153:4 = scf.for %scan3A_376 = %scan3A_149 to %scan3A_151 step %scan3A_152 iter_args(%scan3A_377 = %broadcast_in_dim3A_148, %scan3A_378 = %broadcast_in_dim3A_148, %scan3A_379 = %broadcast_in_dim3A_148, %scan3A_380 = %broadcast_in_dim3A_148) -> (vector<16xf32>, vector<16xf32>, vector<16xf32>, vector<16xf32>)  : i32 {
        %mul3A_381 = arith.constant 16 : i32
        %mul3A_382 = arith.muli %scan3A_376, %mul3A_381 : i32
        %get3A_383 = arith.constant 0 : i32
        %get3A_384 = arith.index_cast %get3A_383 : i32 to index
        %get3A_385 = arith.index_cast %mul3A_382 : i32 to index
        %get3A_386 = tpu.vector_load %arg6[%get3A_384, %get3A_385] {strides = array<i32>} : memref<4x16384xf32, #tpu.memory_space<vmem>>, vector<1x16xf32>,
        %get3A_387 = vector.shape_cast %get3A_386 : vector<1x16xf32> to vector<16xf32>
        %get3A_388 = arith.constant 1 : i32
        %get3A_389 = arith.index_cast %get3A_388 : i32 to index
        %get3A_390 = arith.index_cast %mul3A_382 : i32 to index
        %get3A_391 = tpu.vector_load %arg6[%get3A_389, %get3A_390] {strides = array<i32>} : memref<4x16384xf32, #tpu.memory_space<vmem>>, vector<1x16xf32>,
        %get3A_392 = vector.shape_cast %get3A_391 : vector<1x16xf32> to vector<16xf32>
        %get3A_393 = arith.constant 2 : i32
        %get3A_394 = arith.index_cast %get3A_393 : i32 to index
        %get3A_395 = arith.index_cast %mul3A_382 : i32 to index
        %get3A_396 = tpu.vector_load %arg6[%get3A_394, %get3A_395] {strides = array<i32>} : memref<4x16384xf32, #tpu.memory_space<vmem>>, vector<1x16xf32>,
        %get3A_397 = vector.shape_cast %get3A_396 : vector<1x16xf32> to vector<16xf32>
        %get3A_398 = arith.constant 3 : i32
        %get3A_399 = arith.index_cast %get3A_398 : i32 to index
        %get3A_400 = arith.index_cast %mul3A_382 : i32 to index
        %get3A_401 = tpu.vector_load %arg6[%get3A_399, %get3A_400] {strides = array<i32>} : memref<4x16384xf32, #tpu.memory_space<vmem>>, vector<1x16xf32>,
        %get3A_402 = vector.shape_cast %get3A_401 : vector<1x16xf32> to vector<16xf32>
        %mul3A_403 = arith.mulf %broadcast_in_dim3A_113, %get3A_387 : vector<16xf32>
        %mul3A_404 = arith.mulf %broadcast_in_dim3A_116, %get3A_392 : vector<16xf32>
        %mul3A_405 = arith.mulf %broadcast_in_dim3A_119, %get3A_397 : vector<16xf32>
        %add3A_406 = arith.addf %mul3A_405, %get3A_402 : vector<16xf32>
        %add3A_407 = arith.addf %mul3A_404, %add3A_406 : vector<16xf32>
        %add3A_408 = arith.addf %mul3A_403, %add3A_407 : vector<16xf32>
        %max3A = arith.maximumf %scan3A_377, %add3A_408 : vector<16xf32>
        %mul3A_409 = arith.mulf %broadcast_in_dim3A_122, %get3A_387 : vector<16xf32>
        %mul3A_410 = arith.mulf %broadcast_in_dim3A_125, %get3A_392 : vector<16xf32>
        %mul3A_411 = arith.mulf %broadcast_in_dim3A_128, %get3A_397 : vector<16xf32>
        %add3A_412 = arith.addf %mul3A_411, %get3A_402 : vector<16xf32>
        %add3A_413 = arith.addf %mul3A_410, %add3A_412 : vector<16xf32>
        %add3A_414 = arith.addf %mul3A_409, %add3A_413 : vector<16xf32>
        %max3A_415 = arith.maximumf %scan3A_378, %add3A_414 : vector<16xf32>
        %mul3A_416 = arith.mulf %broadcast_in_dim3A_131, %get3A_387 : vector<16xf32>
        %mul3A_417 = arith.mulf %broadcast_in_dim3A_134, %get3A_392 : vector<16xf32>
        %mul3A_418 = arith.mulf %broadcast_in_dim3A_137, %get3A_397 : vector<16xf32>
        %add3A_419 = arith.addf %mul3A_418, %get3A_402 : vector<16xf32>
        %add3A_420 = arith.addf %mul3A_417, %add3A_419 : vector<16xf32>
        %add3A_421 = arith.addf %mul3A_416, %add3A_420 : vector<16xf32>
        %max3A_422 = arith.maximumf %scan3A_379, %add3A_421 : vector<16xf32>
        %mul3A_423 = arith.mulf %broadcast_in_dim3A_140, %get3A_387 : vector<16xf32>
        %mul3A_424 = arith.mulf %broadcast_in_dim3A_143, %get3A_392 : vector<16xf32>
        %mul3A_425 = arith.mulf %broadcast_in_dim3A_146, %get3A_397 : vector<16xf32>
        %add3A_426 = arith.addf %mul3A_425, %get3A_402 : vector<16xf32>
        %add3A_427 = arith.addf %mul3A_424, %add3A_426 : vector<16xf32>
        %add3A_428 = arith.addf %mul3A_423, %add3A_427 : vector<16xf32>
        %max3A_429 = arith.maximumf %scan3A_380, %add3A_428 : vector<16xf32>
        scf.yield %max3A, %max3A_415, %max3A_422, %max3A_429 : vector<16xf32>, vector<16xf32>, vector<16xf32>, vector<16xf32>
      }
      %scan3A_154 = arith.constant 1024 : i32
      %mul3A_155 = arith.constant 16 : i32
      %mul3A_156 = arith.muli %scan3A_9, %mul3A_155 : i32
      %add3A_157 = arith.constant 4 : i32
      %add3A_158 = arith.addi %mul3A_156, %add3A_157 : i32
      %add3A_159 = arith.constant 0 : i32
      %add3A_160 = arith.addi %add3A_158, %add3A_159 : i32
      %swap3A_161 = arith.index_cast %add3A_160 : i32 to index
      %swap3A_162 = arith.constant 0 : index
      %swap3A_163 = tpu.vector_load %arg7[%swap3A_161, %swap3A_162] {strides = array<i32>} : memref<256x16xf32, #tpu.memory_space<vmem>>, vector<1x16xf32>,
      %swap3A_164 = vector.shape_cast %swap3A_163 : vector<1x16xf32> to vector<16xf32>
      %swap3A_165 = vector.shape_cast %scan3A_153#0 : vector<16xf32> to vector<1x16xf32>
      tpu.vector_store %arg7[%swap3A_161, %swap3A_162], %swap3A_165 {strides = array<i32>} : memref<256x16xf32, #tpu.memory_space<vmem>>, vector<1x16xf32>,
      %mul3A_166 = arith.constant 16 : i32
      %mul3A_167 = arith.muli %scan3A_9, %mul3A_166 : i32
      %add3A_168 = arith.constant 4 : i32
      %add3A_169 = arith.addi %mul3A_167, %add3A_168 : i32
      %add3A_170 = arith.constant 1 : i32
      %add3A_171 = arith.addi %add3A_169, %add3A_170 : i32
      %swap3A_172 = arith.index_cast %add3A_171 : i32 to index
      %swap3A_173 = arith.constant 0 : index
      %swap3A_174 = tpu.vector_load %arg7[%swap3A_172, %swap3A_173] {strides = array<i32>} : memref<256x16xf32, #tpu.memory_space<vmem>>, vector<1x16xf32>,
      %swap3A_175 = vector.shape_cast %swap3A_174 : vector<1x16xf32> to vector<16xf32>
      %swap3A_176 = vector.shape_cast %scan3A_153#1 : vector<16xf32> to vector<1x16xf32>
      tpu.vector_store %arg7[%swap3A_172, %swap3A_173], %swap3A_176 {strides = array<i32>} : memref<256x16xf32, #tpu.memory_space<vmem>>, vector<1x16xf32>,
      %mul3A_177 = arith.constant 16 : i32
      %mul3A_178 = arith.muli %scan3A_9, %mul3A_177 : i32
      %add3A_179 = arith.constant 4 : i32
      %add3A_180 = arith.addi %mul3A_178, %add3A_179 : i32
      %add3A_181 = arith.constant 2 : i32
      %add3A_182 = arith.addi %add3A_180, %add3A_181 : i32
      %swap3A_183 = arith.index_cast %add3A_182 : i32 to index
      %swap3A_184 = arith.constant 0 : index
      %swap3A_185 = tpu.vector_load %arg7[%swap3A_183, %swap3A_184] {strides = array<i32>} : memref<256x16xf32, #tpu.memory_space<vmem>>, vector<1x16xf32>,
      %swap3A_186 = vector.shape_cast %swap3A_185 : vector<1x16xf32> to vector<16xf32>
      %swap3A_187 = vector.shape_cast %scan3A_153#2 : vector<16xf32> to vector<1x16xf32>
      tpu.vector_store %arg7[%swap3A_183, %swap3A_184], %swap3A_187 {strides = array<i32>} : memref<256x16xf32, #tpu.memory_space<vmem>>, vector<1x16xf32>,
      %mul3A_188 = arith.constant 16 : i32
      %mul3A_189 = arith.muli %scan3A_9, %mul3A_188 : i32
      %add3A_190 = arith.constant 4 : i32
      %add3A_191 = arith.addi %mul3A_189, %add3A_190 : i32
      %add3A_192 = arith.constant 3 : i32
      %add3A_193 = arith.addi %add3A_191, %add3A_192 : i32
      %swap3A_194 = arith.index_cast %add3A_193 : i32 to index
      %swap3A_195 = arith.constant 0 : index
      %swap3A_196 = tpu.vector_load %arg7[%swap3A_194, %swap3A_195] {strides = array<i32>} : memref<256x16xf32, #tpu.memory_space<vmem>>, vector<1x16xf32>,
      %swap3A_197 = vector.shape_cast %swap3A_196 : vector<1x16xf32> to vector<16xf32>
      %swap3A_198 = vector.shape_cast %scan3A_153#3 : vector<16xf32> to vector<1x16xf32>
      tpu.vector_store %arg7[%swap3A_194, %swap3A_195], %swap3A_198 {strides = array<i32>} : memref<256x16xf32, #tpu.memory_space<vmem>>, vector<1x16xf32>,
      %slice3A_199 = vector.extract_strided_slice %get3A_16 {offsets = [8], sizes = [1], strides = [1]} : vector<16xf32> to vector<1xf32>
      %squeeze3A_200 = vector.extract %slice3A_199[0] : f32 from vector<1xf32>
      %broadcast_in_dim3A_201 = vector.broadcast %squeeze3A_200 : f32 to vector<16xf32>
      %slice3A_202 = vector.extract_strided_slice %get3A_21 {offsets = [8], sizes = [1], strides = [1]} : vector<16xf32> to vector<1xf32>
      %squeeze3A_203 = vector.extract %slice3A_202[0] : f32 from vector<1xf32>
      %broadcast_in_dim3A_204 = vector.broadcast %squeeze3A_203 : f32 to vector<16xf32>
      %slice3A_205 = vector.extract_strided_slice %get3A_26 {offsets = [8], sizes = [1], strides = [1]} : vector<16xf32> to vector<1xf32>
      %squeeze3A_206 = vector.extract %slice3A_205[0] : f32 from vector<1xf32>
      %broadcast_in_dim3A_207 = vector.broadcast %squeeze3A_206 : f32 to vector<16xf32>
      %slice3A_208 = vector.extract_strided_slice %get3A_16 {offsets = [9], sizes = [1], strides = [1]} : vector<16xf32> to vector<1xf32>
      %squeeze3A_209 = vector.extract %slice3A_208[0] : f32 from vector<1xf32>
      %broadcast_in_dim3A_210 = vector.broadcast %squeeze3A_209 : f32 to vector<16xf32>
      %slice3A_211 = vector.extract_strided_slice %get3A_21 {offsets = [9], sizes = [1], strides = [1]} : vector<16xf32> to vector<1xf32>
      %squeeze3A_212 = vector.extract %slice3A_211[0] : f32 from vector<1xf32>
      %broadcast_in_dim3A_213 = vector.broadcast %squeeze3A_212 : f32 to vector<16xf32>
      %slice3A_214 = vector.extract_strided_slice %get3A_26 {offsets = [9], sizes = [1], strides = [1]} : vector<16xf32> to vector<1xf32>
      %squeeze3A_215 = vector.extract %slice3A_214[0] : f32 from vector<1xf32>
      %broadcast_in_dim3A_216 = vector.broadcast %squeeze3A_215 : f32 to vector<16xf32>
      %slice3A_217 = vector.extract_strided_slice %get3A_16 {offsets = [10], sizes = [1], strides = [1]} : vector<16xf32> to vector<1xf32>
      %squeeze3A_218 = vector.extract %slice3A_217[0] : f32 from vector<1xf32>
      %broadcast_in_dim3A_219 = vector.broadcast %squeeze3A_218 : f32 to vector<16xf32>
      %slice3A_220 = vector.extract_strided_slice %get3A_21 {offsets = [10], sizes = [1], strides = [1]} : vector<16xf32> to vector<1xf32>
      %squeeze3A_221 = vector.extract %slice3A_220[0] : f32 from vector<1xf32>
      %broadcast_in_dim3A_222 = vector.broadcast %squeeze3A_221 : f32 to vector<16xf32>
      %slice3A_223 = vector.extract_strided_slice %get3A_26 {offsets = [10], sizes = [1], strides = [1]} : vector<16xf32> to vector<1xf32>
      %squeeze3A_224 = vector.extract %slice3A_223[0] : f32 from vector<1xf32>
      %broadcast_in_dim3A_225 = vector.broadcast %squeeze3A_224 : f32 to vector<16xf32>
      %slice3A_226 = vector.extract_strided_slice %get3A_16 {offsets = [11], sizes = [1], strides = [1]} : vector<16xf32> to vector<1xf32>
      %squeeze3A_227 = vector.extract %slice3A_226[0] : f32 from vector<1xf32>
      %broadcast_in_dim3A_228 = vector.broadcast %squeeze3A_227 : f32 to vector<16xf32>
      %slice3A_229 = vector.extract_strided_slice %get3A_21 {offsets = [11], sizes = [1], strides = [1]} : vector<16xf32> to vector<1xf32>
      %squeeze3A_230 = vector.extract %slice3A_229[0] : f32 from vector<1xf32>
      %broadcast_in_dim3A_231 = vector.broadcast %squeeze3A_230 : f32 to vector<16xf32>
      %slice3A_232 = vector.extract_strided_slice %get3A_26 {offsets = [11], sizes = [1], strides = [1]} : vector<16xf32> to vector<1xf32>
      %squeeze3A_233 = vector.extract %slice3A_232[0] : f32 from vector<1xf32>
      %broadcast_in_dim3A_234 = vector.broadcast %squeeze3A_233 : f32 to vector<16xf32>
      %broadcast_in_dim3A_235 = arith.constant 0xFF800000 : f32
      %broadcast_in_dim3A_236 = vector.broadcast %broadcast_in_dim3A_235 : f32 to vector<16xf32>
      %scan3A_237 = arith.constant 0 : i32
      %scan3A_238 = arith.constant 1024 : i32
      %scan3A_239 = arith.addi %scan3A_237, %scan3A_238 : i32
      %scan3A_240 = arith.constant 1 : i32
      %scan3A_241:4 = scf.for %scan3A_376 = %scan3A_237 to %scan3A_239 step %scan3A_240 iter_args(%scan3A_377 = %broadcast_in_dim3A_236, %scan3A_378 = %broadcast_in_dim3A_236, %scan3A_379 = %broadcast_in_dim3A_236, %scan3A_380 = %broadcast_in_dim3A_236) -> (vector<16xf32>, vector<16xf32>, vector<16xf32>, vector<16xf32>)  : i32 {
        %mul3A_381 = arith.constant 16 : i32
        %mul3A_382 = arith.muli %scan3A_376, %mul3A_381 : i32
        %get3A_383 = arith.constant 0 : i32
        %get3A_384 = arith.index_cast %get3A_383 : i32 to index
        %get3A_385 = arith.index_cast %mul3A_382 : i32 to index
        %get3A_386 = tpu.vector_load %arg6[%get3A_384, %get3A_385] {strides = array<i32>} : memref<4x16384xf32, #tpu.memory_space<vmem>>, vector<1x16xf32>,
        %get3A_387 = vector.shape_cast %get3A_386 : vector<1x16xf32> to vector<16xf32>
        %get3A_388 = arith.constant 1 : i32
        %get3A_389 = arith.index_cast %get3A_388 : i32 to index
        %get3A_390 = arith.index_cast %mul3A_382 : i32 to index
        %get3A_391 = tpu.vector_load %arg6[%get3A_389, %get3A_390] {strides = array<i32>} : memref<4x16384xf32, #tpu.memory_space<vmem>>, vector<1x16xf32>,
        %get3A_392 = vector.shape_cast %get3A_391 : vector<1x16xf32> to vector<16xf32>
        %get3A_393 = arith.constant 2 : i32
        %get3A_394 = arith.index_cast %get3A_393 : i32 to index
        %get3A_395 = arith.index_cast %mul3A_382 : i32 to index
        %get3A_396 = tpu.vector_load %arg6[%get3A_394, %get3A_395] {strides = array<i32>} : memref<4x16384xf32, #tpu.memory_space<vmem>>, vector<1x16xf32>,
        %get3A_397 = vector.shape_cast %get3A_396 : vector<1x16xf32> to vector<16xf32>
        %get3A_398 = arith.constant 3 : i32
        %get3A_399 = arith.index_cast %get3A_398 : i32 to index
        %get3A_400 = arith.index_cast %mul3A_382 : i32 to index
        %get3A_401 = tpu.vector_load %arg6[%get3A_399, %get3A_400] {strides = array<i32>} : memref<4x16384xf32, #tpu.memory_space<vmem>>, vector<1x16xf32>,
        %get3A_402 = vector.shape_cast %get3A_401 : vector<1x16xf32> to vector<16xf32>
        %mul3A_403 = arith.mulf %broadcast_in_dim3A_201, %get3A_387 : vector<16xf32>
        %mul3A_404 = arith.mulf %broadcast_in_dim3A_204, %get3A_392 : vector<16xf32>
        %mul3A_405 = arith.mulf %broadcast_in_dim3A_207, %get3A_397 : vector<16xf32>
        %add3A_406 = arith.addf %mul3A_405, %get3A_402 : vector<16xf32>
        %add3A_407 = arith.addf %mul3A_404, %add3A_406 : vector<16xf32>
        %add3A_408 = arith.addf %mul3A_403, %add3A_407 : vector<16xf32>
        %max3A = arith.maximumf %scan3A_377, %add3A_408 : vector<16xf32>
        %mul3A_409 = arith.mulf %broadcast_in_dim3A_210, %get3A_387 : vector<16xf32>
        %mul3A_410 = arith.mulf %broadcast_in_dim3A_213, %get3A_392 : vector<16xf32>
        %mul3A_411 = arith.mulf %broadcast_in_dim3A_216, %get3A_397 : vector<16xf32>
        %add3A_412 = arith.addf %mul3A_411, %get3A_402 : vector<16xf32>
        %add3A_413 = arith.addf %mul3A_410, %add3A_412 : vector<16xf32>
        %add3A_414 = arith.addf %mul3A_409, %add3A_413 : vector<16xf32>
        %max3A_415 = arith.maximumf %scan3A_378, %add3A_414 : vector<16xf32>
        %mul3A_416 = arith.mulf %broadcast_in_dim3A_219, %get3A_387 : vector<16xf32>
        %mul3A_417 = arith.mulf %broadcast_in_dim3A_222, %get3A_392 : vector<16xf32>
        %mul3A_418 = arith.mulf %broadcast_in_dim3A_225, %get3A_397 : vector<16xf32>
        %add3A_419 = arith.addf %mul3A_418, %get3A_402 : vector<16xf32>
        %add3A_420 = arith.addf %mul3A_417, %add3A_419 : vector<16xf32>
        %add3A_421 = arith.addf %mul3A_416, %add3A_420 : vector<16xf32>
        %max3A_422 = arith.maximumf %scan3A_379, %add3A_421 : vector<16xf32>
        %mul3A_423 = arith.mulf %broadcast_in_dim3A_228, %get3A_387 : vector<16xf32>
        %mul3A_424 = arith.mulf %broadcast_in_dim3A_231, %get3A_392 : vector<16xf32>
        %mul3A_425 = arith.mulf %broadcast_in_dim3A_234, %get3A_397 : vector<16xf32>
        %add3A_426 = arith.addf %mul3A_425, %get3A_402 : vector<16xf32>
        %add3A_427 = arith.addf %mul3A_424, %add3A_426 : vector<16xf32>
        %add3A_428 = arith.addf %mul3A_423, %add3A_427 : vector<16xf32>
        %max3A_429 = arith.maximumf %scan3A_380, %add3A_428 : vector<16xf32>
        scf.yield %max3A, %max3A_415, %max3A_422, %max3A_429 : vector<16xf32>, vector<16xf32>, vector<16xf32>, vector<16xf32>
      }
      %scan3A_242 = arith.constant 1024 : i32
      %mul3A_243 = arith.constant 16 : i32
      %mul3A_244 = arith.muli %scan3A_9, %mul3A_243 : i32
      %add3A_245 = arith.constant 8 : i32
      %add3A_246 = arith.addi %mul3A_244, %add3A_245 : i32
      %add3A_247 = arith.constant 0 : i32
      %add3A_248 = arith.addi %add3A_246, %add3A_247 : i32
      %swap3A_249 = arith.index_cast %add3A_248 : i32 to index
      %swap3A_250 = arith.constant 0 : index
      %swap3A_251 = tpu.vector_load %arg7[%swap3A_249, %swap3A_250] {strides = array<i32>} : memref<256x16xf32, #tpu.memory_space<vmem>>, vector<1x16xf32>,
      %swap3A_252 = vector.shape_cast %swap3A_251 : vector<1x16xf32> to vector<16xf32>
      %swap3A_253 = vector.shape_cast %scan3A_241#0 : vector<16xf32> to vector<1x16xf32>
      tpu.vector_store %arg7[%swap3A_249, %swap3A_250], %swap3A_253 {strides = array<i32>} : memref<256x16xf32, #tpu.memory_space<vmem>>, vector<1x16xf32>,
      %mul3A_254 = arith.constant 16 : i32
      %mul3A_255 = arith.muli %scan3A_9, %mul3A_254 : i32
      %add3A_256 = arith.constant 8 : i32
      %add3A_257 = arith.addi %mul3A_255, %add3A_256 : i32
      %add3A_258 = arith.constant 1 : i32
      %add3A_259 = arith.addi %add3A_257, %add3A_258 : i32
      %swap3A_260 = arith.index_cast %add3A_259 : i32 to index
      %swap3A_261 = arith.constant 0 : index
      %swap3A_262 = tpu.vector_load %arg7[%swap3A_260, %swap3A_261] {strides = array<i32>} : memref<256x16xf32, #tpu.memory_space<vmem>>, vector<1x16xf32>,
      %swap3A_263 = vector.shape_cast %swap3A_262 : vector<1x16xf32> to vector<16xf32>
      %swap3A_264 = vector.shape_cast %scan3A_241#1 : vector<16xf32> to vector<1x16xf32>
      tpu.vector_store %arg7[%swap3A_260, %swap3A_261], %swap3A_264 {strides = array<i32>} : memref<256x16xf32, #tpu.memory_space<vmem>>, vector<1x16xf32>,
      %mul3A_265 = arith.constant 16 : i32
      %mul3A_266 = arith.muli %scan3A_9, %mul3A_265 : i32
      %add3A_267 = arith.constant 8 : i32
      %add3A_268 = arith.addi %mul3A_266, %add3A_267 : i32
      %add3A_269 = arith.constant 2 : i32
      %add3A_270 = arith.addi %add3A_268, %add3A_269 : i32
      %swap3A_271 = arith.index_cast %add3A_270 : i32 to index
      %swap3A_272 = arith.constant 0 : index
      %swap3A_273 = tpu.vector_load %arg7[%swap3A_271, %swap3A_272] {strides = array<i32>} : memref<256x16xf32, #tpu.memory_space<vmem>>, vector<1x16xf32>,
      %swap3A_274 = vector.shape_cast %swap3A_273 : vector<1x16xf32> to vector<16xf32>
      %swap3A_275 = vector.shape_cast %scan3A_241#2 : vector<16xf32> to vector<1x16xf32>
      tpu.vector_store %arg7[%swap3A_271, %swap3A_272], %swap3A_275 {strides = array<i32>} : memref<256x16xf32, #tpu.memory_space<vmem>>, vector<1x16xf32>,
      %mul3A_276 = arith.constant 16 : i32
      %mul3A_277 = arith.muli %scan3A_9, %mul3A_276 : i32
      %add3A_278 = arith.constant 8 : i32
      %add3A_279 = arith.addi %mul3A_277, %add3A_278 : i32
      %add3A_280 = arith.constant 3 : i32
      %add3A_281 = arith.addi %add3A_279, %add3A_280 : i32
      %swap3A_282 = arith.index_cast %add3A_281 : i32 to index
      %swap3A_283 = arith.constant 0 : index
      %swap3A_284 = tpu.vector_load %arg7[%swap3A_282, %swap3A_283] {strides = array<i32>} : memref<256x16xf32, #tpu.memory_space<vmem>>, vector<1x16xf32>,
      %swap3A_285 = vector.shape_cast %swap3A_284 : vector<1x16xf32> to vector<16xf32>
      %swap3A_286 = vector.shape_cast %scan3A_241#3 : vector<16xf32> to vector<1x16xf32>
      tpu.vector_store %arg7[%swap3A_282, %swap3A_283], %swap3A_286 {strides = array<i32>} : memref<256x16xf32, #tpu.memory_space<vmem>>, vector<1x16xf32>,
      %slice3A_287 = vector.extract_strided_slice %get3A_16 {offsets = [12], sizes = [1], strides = [1]} : vector<16xf32> to vector<1xf32>
      %squeeze3A_288 = vector.extract %slice3A_287[0] : f32 from vector<1xf32>
      %broadcast_in_dim3A_289 = vector.broadcast %squeeze3A_288 : f32 to vector<16xf32>
      %slice3A_290 = vector.extract_strided_slice %get3A_21 {offsets = [12], sizes = [1], strides = [1]} : vector<16xf32> to vector<1xf32>
      %squeeze3A_291 = vector.extract %slice3A_290[0] : f32 from vector<1xf32>
      %broadcast_in_dim3A_292 = vector.broadcast %squeeze3A_291 : f32 to vector<16xf32>
      %slice3A_293 = vector.extract_strided_slice %get3A_26 {offsets = [12], sizes = [1], strides = [1]} : vector<16xf32> to vector<1xf32>
      %squeeze3A_294 = vector.extract %slice3A_293[0] : f32 from vector<1xf32>
      %broadcast_in_dim3A_295 = vector.broadcast %squeeze3A_294 : f32 to vector<16xf32>
      %slice3A_296 = vector.extract_strided_slice %get3A_16 {offsets = [13], sizes = [1], strides = [1]} : vector<16xf32> to vector<1xf32>
      %squeeze3A_297 = vector.extract %slice3A_296[0] : f32 from vector<1xf32>
      %broadcast_in_dim3A_298 = vector.broadcast %squeeze3A_297 : f32 to vector<16xf32>
      %slice3A_299 = vector.extract_strided_slice %get3A_21 {offsets = [13], sizes = [1], strides = [1]} : vector<16xf32> to vector<1xf32>
      %squeeze3A_300 = vector.extract %slice3A_299[0] : f32 from vector<1xf32>
      %broadcast_in_dim3A_301 = vector.broadcast %squeeze3A_300 : f32 to vector<16xf32>
      %slice3A_302 = vector.extract_strided_slice %get3A_26 {offsets = [13], sizes = [1], strides = [1]} : vector<16xf32> to vector<1xf32>
      %squeeze3A_303 = vector.extract %slice3A_302[0] : f32 from vector<1xf32>
      %broadcast_in_dim3A_304 = vector.broadcast %squeeze3A_303 : f32 to vector<16xf32>
      %slice3A_305 = vector.extract_strided_slice %get3A_16 {offsets = [14], sizes = [1], strides = [1]} : vector<16xf32> to vector<1xf32>
      %squeeze3A_306 = vector.extract %slice3A_305[0] : f32 from vector<1xf32>
      %broadcast_in_dim3A_307 = vector.broadcast %squeeze3A_306 : f32 to vector<16xf32>
      %slice3A_308 = vector.extract_strided_slice %get3A_21 {offsets = [14], sizes = [1], strides = [1]} : vector<16xf32> to vector<1xf32>
      %squeeze3A_309 = vector.extract %slice3A_308[0] : f32 from vector<1xf32>
      %broadcast_in_dim3A_310 = vector.broadcast %squeeze3A_309 : f32 to vector<16xf32>
      %slice3A_311 = vector.extract_strided_slice %get3A_26 {offsets = [14], sizes = [1], strides = [1]} : vector<16xf32> to vector<1xf32>
      %squeeze3A_312 = vector.extract %slice3A_311[0] : f32 from vector<1xf32>
      %broadcast_in_dim3A_313 = vector.broadcast %squeeze3A_312 : f32 to vector<16xf32>
      %slice3A_314 = vector.extract_strided_slice %get3A_16 {offsets = [15], sizes = [1], strides = [1]} : vector<16xf32> to vector<1xf32>
      %squeeze3A_315 = vector.extract %slice3A_314[0] : f32 from vector<1xf32>
      %broadcast_in_dim3A_316 = vector.broadcast %squeeze3A_315 : f32 to vector<16xf32>
      %slice3A_317 = vector.extract_strided_slice %get3A_21 {offsets = [15], sizes = [1], strides = [1]} : vector<16xf32> to vector<1xf32>
      %squeeze3A_318 = vector.extract %slice3A_317[0] : f32 from vector<1xf32>
      %broadcast_in_dim3A_319 = vector.broadcast %squeeze3A_318 : f32 to vector<16xf32>
      %slice3A_320 = vector.extract_strided_slice %get3A_26 {offsets = [15], sizes = [1], strides = [1]} : vector<16xf32> to vector<1xf32>
      %squeeze3A_321 = vector.extract %slice3A_320[0] : f32 from vector<1xf32>
      %broadcast_in_dim3A_322 = vector.broadcast %squeeze3A_321 : f32 to vector<16xf32>
      %broadcast_in_dim3A_323 = arith.constant 0xFF800000 : f32
      %broadcast_in_dim3A_324 = vector.broadcast %broadcast_in_dim3A_323 : f32 to vector<16xf32>
      %scan3A_325 = arith.constant 0 : i32
      %scan3A_326 = arith.constant 1024 : i32
      %scan3A_327 = arith.addi %scan3A_325, %scan3A_326 : i32
      %scan3A_328 = arith.constant 1 : i32
      %scan3A_329:4 = scf.for %scan3A_376 = %scan3A_325 to %scan3A_327 step %scan3A_328 iter_args(%scan3A_377 = %broadcast_in_dim3A_324, %scan3A_378 = %broadcast_in_dim3A_324, %scan3A_379 = %broadcast_in_dim3A_324, %scan3A_380 = %broadcast_in_dim3A_324) -> (vector<16xf32>, vector<16xf32>, vector<16xf32>, vector<16xf32>)  : i32 {
        %mul3A_381 = arith.constant 16 : i32
        %mul3A_382 = arith.muli %scan3A_376, %mul3A_381 : i32
        %get3A_383 = arith.constant 0 : i32
        %get3A_384 = arith.index_cast %get3A_383 : i32 to index
        %get3A_385 = arith.index_cast %mul3A_382 : i32 to index
        %get3A_386 = tpu.vector_load %arg6[%get3A_384, %get3A_385] {strides = array<i32>} : memref<4x16384xf32, #tpu.memory_space<vmem>>, vector<1x16xf32>,
        %get3A_387 = vector.shape_cast %get3A_386 : vector<1x16xf32> to vector<16xf32>
        %get3A_388 = arith.constant 1 : i32
        %get3A_389 = arith.index_cast %get3A_388 : i32 to index
        %get3A_390 = arith.index_cast %mul3A_382 : i32 to index
        %get3A_391 = tpu.vector_load %arg6[%get3A_389, %get3A_390] {strides = array<i32>} : memref<4x16384xf32, #tpu.memory_space<vmem>>, vector<1x16xf32>,
        %get3A_392 = vector.shape_cast %get3A_391 : vector<1x16xf32> to vector<16xf32>
        %get3A_393 = arith.constant 2 : i32
        %get3A_394 = arith.index_cast %get3A_393 : i32 to index
        %get3A_395 = arith.index_cast %mul3A_382 : i32 to index
        %get3A_396 = tpu.vector_load %arg6[%get3A_394, %get3A_395] {strides = array<i32>} : memref<4x16384xf32, #tpu.memory_space<vmem>>, vector<1x16xf32>,
        %get3A_397 = vector.shape_cast %get3A_396 : vector<1x16xf32> to vector<16xf32>
        %get3A_398 = arith.constant 3 : i32
        %get3A_399 = arith.index_cast %get3A_398 : i32 to index
        %get3A_400 = arith.index_cast %mul3A_382 : i32 to index
        %get3A_401 = tpu.vector_load %arg6[%get3A_399, %get3A_400] {strides = array<i32>} : memref<4x16384xf32, #tpu.memory_space<vmem>>, vector<1x16xf32>,
        %get3A_402 = vector.shape_cast %get3A_401 : vector<1x16xf32> to vector<16xf32>
        %mul3A_403 = arith.mulf %broadcast_in_dim3A_289, %get3A_387 : vector<16xf32>
        %mul3A_404 = arith.mulf %broadcast_in_dim3A_292, %get3A_392 : vector<16xf32>
        %mul3A_405 = arith.mulf %broadcast_in_dim3A_295, %get3A_397 : vector<16xf32>
        %add3A_406 = arith.addf %mul3A_405, %get3A_402 : vector<16xf32>
        %add3A_407 = arith.addf %mul3A_404, %add3A_406 : vector<16xf32>
        %add3A_408 = arith.addf %mul3A_403, %add3A_407 : vector<16xf32>
        %max3A = arith.maximumf %scan3A_377, %add3A_408 : vector<16xf32>
        %mul3A_409 = arith.mulf %broadcast_in_dim3A_298, %get3A_387 : vector<16xf32>
        %mul3A_410 = arith.mulf %broadcast_in_dim3A_301, %get3A_392 : vector<16xf32>
        %mul3A_411 = arith.mulf %broadcast_in_dim3A_304, %get3A_397 : vector<16xf32>
        %add3A_412 = arith.addf %mul3A_411, %get3A_402 : vector<16xf32>
        %add3A_413 = arith.addf %mul3A_410, %add3A_412 : vector<16xf32>
        %add3A_414 = arith.addf %mul3A_409, %add3A_413 : vector<16xf32>
        %max3A_415 = arith.maximumf %scan3A_378, %add3A_414 : vector<16xf32>
        %mul3A_416 = arith.mulf %broadcast_in_dim3A_307, %get3A_387 : vector<16xf32>
        %mul3A_417 = arith.mulf %broadcast_in_dim3A_310, %get3A_392 : vector<16xf32>
        %mul3A_418 = arith.mulf %broadcast_in_dim3A_313, %get3A_397 : vector<16xf32>
        %add3A_419 = arith.addf %mul3A_418, %get3A_402 : vector<16xf32>
        %add3A_420 = arith.addf %mul3A_417, %add3A_419 : vector<16xf32>
        %add3A_421 = arith.addf %mul3A_416, %add3A_420 : vector<16xf32>
        %max3A_422 = arith.maximumf %scan3A_379, %add3A_421 : vector<16xf32>
        %mul3A_423 = arith.mulf %broadcast_in_dim3A_316, %get3A_387 : vector<16xf32>
        %mul3A_424 = arith.mulf %broadcast_in_dim3A_319, %get3A_392 : vector<16xf32>
        %mul3A_425 = arith.mulf %broadcast_in_dim3A_322, %get3A_397 : vector<16xf32>
        %add3A_426 = arith.addf %mul3A_425, %get3A_402 : vector<16xf32>
        %add3A_427 = arith.addf %mul3A_424, %add3A_426 : vector<16xf32>
        %add3A_428 = arith.addf %mul3A_423, %add3A_427 : vector<16xf32>
        %max3A_429 = arith.maximumf %scan3A_380, %add3A_428 : vector<16xf32>
        scf.yield %max3A, %max3A_415, %max3A_422, %max3A_429 : vector<16xf32>, vector<16xf32>, vector<16xf32>, vector<16xf32>
      }
      %scan3A_330 = arith.constant 1024 : i32
      %mul3A_331 = arith.constant 16 : i32
      %mul3A_332 = arith.muli %scan3A_9, %mul3A_331 : i32
      %add3A_333 = arith.constant 12 : i32
      %add3A_334 = arith.addi %mul3A_332, %add3A_333 : i32
      %add3A_335 = arith.constant 0 : i32
      %add3A_336 = arith.addi %add3A_334, %add3A_335 : i32
      %swap3A_337 = arith.index_cast %add3A_336 : i32 to index
      %swap3A_338 = arith.constant 0 : index
      %swap3A_339 = tpu.vector_load %arg7[%swap3A_337, %swap3A_338] {strides = array<i32>} : memref<256x16xf32, #tpu.memory_space<vmem>>, vector<1x16xf32>,
      %swap3A_340 = vector.shape_cast %swap3A_339 : vector<1x16xf32> to vector<16xf32>
      %swap3A_341 = vector.shape_cast %scan3A_329#0 : vector<16xf32> to vector<1x16xf32>
      tpu.vector_store %arg7[%swap3A_337, %swap3A_338], %swap3A_341 {strides = array<i32>} : memref<256x16xf32, #tpu.memory_space<vmem>>, vector<1x16xf32>,
      %mul3A_342 = arith.constant 16 : i32
      %mul3A_343 = arith.muli %scan3A_9, %mul3A_342 : i32
      %add3A_344 = arith.constant 12 : i32
      %add3A_345 = arith.addi %mul3A_343, %add3A_344 : i32
      %add3A_346 = arith.constant 1 : i32
      %add3A_347 = arith.addi %add3A_345, %add3A_346 : i32
      %swap3A_348 = arith.index_cast %add3A_347 : i32 to index
      %swap3A_349 = arith.constant 0 : index
      %swap3A_350 = tpu.vector_load %arg7[%swap3A_348, %swap3A_349] {strides = array<i32>} : memref<256x16xf32, #tpu.memory_space<vmem>>, vector<1x16xf32>,
      %swap3A_351 = vector.shape_cast %swap3A_350 : vector<1x16xf32> to vector<16xf32>
      %swap3A_352 = vector.shape_cast %scan3A_329#1 : vector<16xf32> to vector<1x16xf32>
      tpu.vector_store %arg7[%swap3A_348, %swap3A_349], %swap3A_352 {strides = array<i32>} : memref<256x16xf32, #tpu.memory_space<vmem>>, vector<1x16xf32>,
      %mul3A_353 = arith.constant 16 : i32
      %mul3A_354 = arith.muli %scan3A_9, %mul3A_353 : i32
      %add3A_355 = arith.constant 12 : i32
      %add3A_356 = arith.addi %mul3A_354, %add3A_355 : i32
      %add3A_357 = arith.constant 2 : i32
      %add3A_358 = arith.addi %add3A_356, %add3A_357 : i32
      %swap3A_359 = arith.index_cast %add3A_358 : i32 to index
      %swap3A_360 = arith.constant 0 : index
      %swap3A_361 = tpu.vector_load %arg7[%swap3A_359, %swap3A_360] {strides = array<i32>} : memref<256x16xf32, #tpu.memory_space<vmem>>, vector<1x16xf32>,
      %swap3A_362 = vector.shape_cast %swap3A_361 : vector<1x16xf32> to vector<16xf32>
      %swap3A_363 = vector.shape_cast %scan3A_329#2 : vector<16xf32> to vector<1x16xf32>
      tpu.vector_store %arg7[%swap3A_359, %swap3A_360], %swap3A_363 {strides = array<i32>} : memref<256x16xf32, #tpu.memory_space<vmem>>, vector<1x16xf32>,
      %mul3A_364 = arith.constant 16 : i32
      %mul3A_365 = arith.muli %scan3A_9, %mul3A_364 : i32
      %add3A_366 = arith.constant 12 : i32
      %add3A_367 = arith.addi %mul3A_365, %add3A_366 : i32
      %add3A_368 = arith.constant 3 : i32
      %add3A_369 = arith.addi %add3A_367, %add3A_368 : i32
      %swap3A_370 = arith.index_cast %add3A_369 : i32 to index
      %swap3A_371 = arith.constant 0 : index
      %swap3A_372 = tpu.vector_load %arg7[%swap3A_370, %swap3A_371] {strides = array<i32>} : memref<256x16xf32, #tpu.memory_space<vmem>>, vector<1x16xf32>,
      %swap3A_373 = vector.shape_cast %swap3A_372 : vector<1x16xf32> to vector<16xf32>
      %swap3A_374 = vector.shape_cast %scan3A_329#3 : vector<16xf32> to vector<1x16xf32>
      tpu.vector_store %arg7[%swap3A_370, %swap3A_371], %swap3A_374 {strides = array<i32>} : memref<256x16xf32, #tpu.memory_space<vmem>>, vector<1x16xf32>,
      %scan3A_375 = arith.constant 0 : i32
      scf.yield %scan3A_375 : i32
    }
    %scan3A_8 = arith.constant 16 : i32
    "tpu.region"() ({
      %run_scoped3A = tpu.sem_alloc : memref<!tpu.dma_semaphore, #tpu.memory_space<semaphore_mem>>
      %dma_start3A = arith.constant 0 : i32
      %dma_start3A_9 = tpu.memref_slice %arg4[%mul3A_2, %dma_start3A] : memref<8192x16xf32, #tpu.memory_space<hbm>> -> memref<256x16xf32, #tpu.memory_space<hbm>>
      %dma_start3A_10 = arith.constant 0 : i32
      %dma_start3A_11 = tpu.memref_slice %arg4[%mul3A_2, %dma_start3A_10] : memref<8192x16xf32, #tpu.memory_space<hbm>> -> memref<256x16xf32, #tpu.memory_space<hbm>>
      tpu.enqueue_dma source(%arg7 : memref<256x16xf32, #tpu.memory_space<vmem>>) target(%dma_start3A_11 : memref<256x16xf32, #tpu.memory_space<hbm>>) target_semaphore(%run_scoped3A : memref<!tpu.dma_semaphore, #tpu.memory_space<semaphore_mem>>)
      %dma_wait3A = arith.constant 0 : i32
      %dma_wait3A_12 = tpu.memref_slice %arg4[%mul3A_2, %dma_wait3A] : memref<8192x16xf32, #tpu.memory_space<hbm>> -> memref<256x16xf32, #tpu.memory_space<hbm>>
      %dma_wait3A_13 = arith.constant 0 : i32
      %dma_wait3A_14 = tpu.memref_slice %arg4[%mul3A_2, %dma_wait3A_13] : memref<8192x16xf32, #tpu.memory_space<hbm>> -> memref<256x16xf32, #tpu.memory_space<hbm>>
      tpu.wait_dma2 semaphore(%run_scoped3A : memref<!tpu.dma_semaphore, #tpu.memory_space<semaphore_mem>>) src(%arg7 : memref<256x16xf32, #tpu.memory_space<vmem>>) dst(%dma_wait3A_14 : memref<256x16xf32, #tpu.memory_space<hbm>>)
      tpu.yield
    }) : () -> ()
    return
  }
}

module attributes {stable_mosaic.version = 14 : i64} {
  func.func @_pack_kernel(%arg0: memref<3x65536xf32, #tpu.memory_space<vmem>>, %arg1: memref<4x16384xf32, #tpu.memory_space<vmem>>, %arg2: memref<4x8x49152xf32, #tpu.memory_space<vmem>>) attributes {dimension_semantics = [], scalar_prefetch = 0 : i64, scratch_operands = 0 : i64, tpu.core_type = #tpu.core_type<tc>} {
    %get3A = arith.constant 0 : index
    %get3A_0 = arith.constant 0 : index
    %get3A_1 = vector.load %arg0[%get3A, %get3A_0] : memref<3x65536xf32, #tpu.memory_space<vmem>>, vector<3x65536xf32>
    %slice3A = vector.extract_strided_slice %get3A_1 {offsets = [0, 0], sizes = [1, 65536], strides = [1, 1]} : vector<3x65536xf32> to vector<1x65536xf32>
    %slice3A_2 = vector.extract_strided_slice %get3A_1 {offsets = [0, 0], sizes = [1, 65536], strides = [1, 1]} : vector<3x65536xf32> to vector<1x65536xf32>
    %mul3A = arith.mulf %slice3A, %slice3A_2 : vector<1x65536xf32>
    %slice3A_3 = vector.extract_strided_slice %get3A_1 {offsets = [1, 0], sizes = [1, 65536], strides = [1, 1]} : vector<3x65536xf32> to vector<1x65536xf32>
    %slice3A_4 = vector.extract_strided_slice %get3A_1 {offsets = [1, 0], sizes = [1, 65536], strides = [1, 1]} : vector<3x65536xf32> to vector<1x65536xf32>
    %mul3A_5 = arith.mulf %slice3A_3, %slice3A_4 : vector<1x65536xf32>
    %add3A = arith.addf %mul3A, %mul3A_5 : vector<1x65536xf32>
    %slice3A_6 = vector.extract_strided_slice %get3A_1 {offsets = [2, 0], sizes = [1, 65536], strides = [1, 1]} : vector<3x65536xf32> to vector<1x65536xf32>
    %slice3A_7 = vector.extract_strided_slice %get3A_1 {offsets = [2, 0], sizes = [1, 65536], strides = [1, 1]} : vector<3x65536xf32> to vector<1x65536xf32>
    %mul3A_8 = arith.mulf %slice3A_6, %slice3A_7 : vector<1x65536xf32>
    %add3A_9 = arith.addf %add3A, %mul3A_8 : vector<1x65536xf32>
    %mul3A_10 = arith.constant -5.000000e-01 : f32
    %mul3A_11 = vector.broadcast %mul3A_10 : f32 to vector<1x65536xf32>
    %mul3A_12 = arith.mulf %mul3A_11, %add3A_9 : vector<1x65536xf32>
    %concatenate3A = tpu.concatenate %get3A_1, %mul3A_12 in 0 : vector<3x65536xf32>, vector<1x65536xf32> -> vector<4x65536xf32>
    %slice3A_13 = vector.extract_strided_slice %concatenate3A {offsets = [0, 0], sizes = [4, 16384], strides = [1, 1]} : vector<4x65536xf32> to vector<4x16384xf32>
    %swap3A = arith.constant 0 : index
    %swap3A_14 = arith.constant 0 : index
    %swap3A_15 = vector.load %arg1[%swap3A, %swap3A_14] : memref<4x16384xf32, #tpu.memory_space<vmem>>, vector<4x16384xf32>
    tpu.vector_store %arg1[%swap3A, %swap3A_14], %slice3A_13 {strides = array<i32>} : memref<4x16384xf32, #tpu.memory_space<vmem>>, vector<4x16384xf32>,
    %slice3A_16 = vector.extract_strided_slice %concatenate3A {offsets = [0, 16384], sizes = [4, 49152], strides = [1, 1]} : vector<4x65536xf32> to vector<4x49152xf32>
    %broadcast_in_dim3A = vector.shape_cast %slice3A_16 : vector<4x49152xf32> to vector<4x1x49152xf32>
    %broadcast_in_dim3A_17 = vector.shape_cast %broadcast_in_dim3A : vector<4x1x49152xf32> to vector<4x1x49152xf32>
    %broadcast_in_dim3A_18 = vector.broadcast %broadcast_in_dim3A_17 : vector<4x1x49152xf32> to vector<4x8x49152xf32>
    %swap3A_19 = arith.constant 0 : index
    %swap3A_20 = arith.constant 0 : index
    %swap3A_21 = arith.constant 0 : index
    %swap3A_22 = vector.load %arg2[%swap3A_19, %swap3A_20, %swap3A_21] : memref<4x8x49152xf32, #tpu.memory_space<vmem>>, vector<4x8x49152xf32>
    tpu.vector_store %arg2[%swap3A_19, %swap3A_20, %swap3A_21], %broadcast_in_dim3A_18 {strides = array<i32>} : memref<4x8x49152xf32, #tpu.memory_space<vmem>>, vector<4x8x49152xf32>,
    return
  }
}

module attributes {stable_mosaic.version = 14 : i64} {
  func.func @_combine_kernel(%arg0: i32, %arg1: memref<4096x3xf32, #tpu.memory_space<vmem>>, %arg2: memref<4096x1xf32, #tpu.memory_space<vmem>>, %arg3: memref<4096x16xf32, #tpu.memory_space<vmem>>, %arg4: memref<4096x1xf32, #tpu.memory_space<vmem>>) attributes {dimension_semantics = [#tpu.dimension_semantics<arbitrary>], iteration_bounds = array<i64: 2>, scalar_prefetch = 0 : i64, scratch_operands = 0 : i64, tpu.core_type = #tpu.core_type<tc>, window_params = [{transform_indices = @transform_0, window_bounds = array<i64: 4096, 3>}, {transform_indices = @transform_1, window_bounds = array<i64: 4096, 1>}, {transform_indices = @transform_2, window_bounds = array<i64: 4096, 16>}, {transform_indices = @transform_3, window_bounds = array<i64: 4096, 1>}]} {
    %get3A = arith.constant 0 : index
    %get3A_0 = arith.constant 0 : index
    %get3A_1 = vector.load %arg1[%get3A, %get3A_0] : memref<4096x3xf32, #tpu.memory_space<vmem>>, vector<4096x3xf32>
    %slice3A = vector.extract_strided_slice %get3A_1 {offsets = [0, 0], sizes = [4096, 1], strides = [1, 1]} : vector<4096x3xf32> to vector<4096x1xf32>
    %squeeze3A = vector.shape_cast %slice3A : vector<4096x1xf32> to vector<4096xf32>
    %slice3A_2 = vector.extract_strided_slice %get3A_1 {offsets = [0, 0], sizes = [4096, 1], strides = [1, 1]} : vector<4096x3xf32> to vector<4096x1xf32>
    %squeeze3A_3 = vector.shape_cast %slice3A_2 : vector<4096x1xf32> to vector<4096xf32>
    %mul3A = arith.mulf %squeeze3A, %squeeze3A_3 : vector<4096xf32>
    %slice3A_4 = vector.extract_strided_slice %get3A_1 {offsets = [0, 1], sizes = [4096, 1], strides = [1, 1]} : vector<4096x3xf32> to vector<4096x1xf32>
    %squeeze3A_5 = vector.shape_cast %slice3A_4 : vector<4096x1xf32> to vector<4096xf32>
    %slice3A_6 = vector.extract_strided_slice %get3A_1 {offsets = [0, 1], sizes = [4096, 1], strides = [1, 1]} : vector<4096x3xf32> to vector<4096x1xf32>
    %squeeze3A_7 = vector.shape_cast %slice3A_6 : vector<4096x1xf32> to vector<4096xf32>
    %mul3A_8 = arith.mulf %squeeze3A_5, %squeeze3A_7 : vector<4096xf32>
    %add3A = arith.addf %mul3A, %mul3A_8 : vector<4096xf32>
    %slice3A_9 = vector.extract_strided_slice %get3A_1 {offsets = [0, 2], sizes = [4096, 1], strides = [1, 1]} : vector<4096x3xf32> to vector<4096x1xf32>
    %squeeze3A_10 = vector.shape_cast %slice3A_9 : vector<4096x1xf32> to vector<4096xf32>
    %slice3A_11 = vector.extract_strided_slice %get3A_1 {offsets = [0, 2], sizes = [4096, 1], strides = [1, 1]} : vector<4096x3xf32> to vector<4096x1xf32>
    %squeeze3A_12 = vector.shape_cast %slice3A_11 : vector<4096x1xf32> to vector<4096xf32>
    %mul3A_13 = arith.mulf %squeeze3A_10, %squeeze3A_12 : vector<4096xf32>
    %add3A_14 = arith.addf %add3A, %mul3A_13 : vector<4096xf32>
    %get3A_15 = arith.constant 0 : index
    %get3A_16 = arith.constant 0 : index
    %get3A_17 = vector.load %arg2[%get3A_15, %get3A_16] : memref<4096x1xf32, #tpu.memory_space<vmem>>, vector<4096x1xf32>
    %get3A_18 = vector.shape_cast %get3A_17 : vector<4096x1xf32> to vector<4096xf32>
    %get3A_19 = arith.constant 0 : index
    %get3A_20 = arith.constant 0 : index
    %get3A_21 = vector.load %arg3[%get3A_19, %get3A_20] : memref<4096x16xf32, #tpu.memory_space<vmem>>, vector<4096x16xf32>
    %reduce_max3A = arith.constant dense<0xFF800000> : vector<4096xf32>
    %reduce_max3A_22 = vector.multi_reduction <maximumf>, %get3A_21, %reduce_max3A [1] : vector<4096x16xf32> to vector<4096xf32>
    %max3A = arith.maximumf %get3A_18, %reduce_max3A_22 : vector<4096xf32>
    %mul3A_23 = arith.constant 2.000000e+00 : f32
    %mul3A_24 = vector.broadcast %mul3A_23 : f32 to vector<4096xf32>
    %mul3A_25 = arith.mulf %mul3A_24, %max3A : vector<4096xf32>
    %sub3A = arith.subf %add3A_14, %mul3A_25 : vector<4096xf32>
    %max3A_26 = arith.constant 0.000000e+00 : f32
    %max3A_27 = vector.broadcast %max3A_26 : f32 to vector<4096xf32>
    %max3A_28 = arith.maximumf %sub3A, %max3A_27 : vector<4096xf32>
    %sqrt3A = math.sqrt %max3A_28 : vector<4096xf32>
    %sub3A_29 = arith.constant 5.000000e-02 : f32
    %sub3A_30 = vector.broadcast %sub3A_29 : f32 to vector<4096xf32>
    %sub3A_31 = arith.subf %sqrt3A, %sub3A_30 : vector<4096xf32>
    %swap3A = arith.constant 0 : index
    %swap3A_32 = arith.constant 0 : index
    %swap3A_33 = vector.load %arg4[%swap3A, %swap3A_32] : memref<4096x1xf32, #tpu.memory_space<vmem>>, vector<4096x1xf32>
    %swap3A_34 = vector.shape_cast %swap3A_33 : vector<4096x1xf32> to vector<4096xf32>
    %swap3A_35 = vector.shape_cast %sub3A_31 : vector<4096xf32> to vector<4096x1xf32>
    tpu.vector_store %arg4[%swap3A, %swap3A_32], %swap3A_35 {strides = array<i32>} : memref<4096x1xf32, #tpu.memory_space<vmem>>, vector<4096x1xf32>,
    return
  }
  func.func @transform_0(%arg0: i32) -> (i32, i32) {
    %c0_i32 = arith.constant 0 : i32
    %c0_i32_0 = arith.constant 0 : i32
    return %arg0, %c0_i32 : i32, i32
  }
  func.func @transform_1(%arg0: i32) -> (i32, i32) {
    %c0_i32 = arith.constant 0 : i32
    %c0_i32_0 = arith.constant 0 : i32
    return %arg0, %c0_i32 : i32, i32
  }
  func.func @transform_2(%arg0: i32) -> (i32, i32) {
    %c0_i32 = arith.constant 0 : i32
    %c0_i32_0 = arith.constant 0 : i32
    return %arg0, %c0_i32 : i32, i32
  }
  func.func @transform_3(%arg0: i32) -> (i32, i32) {
    %c0_i32 = arith.constant 0 : i32
    %c0_i32_0 = arith.constant 0 : i32
    return %arg0, %c0_i32 : i32, i32
  }
}

module attributes {stable_mosaic.version = 14 : i64} {
  func.func @_nn_tc_kernel(%arg0: i32, %arg1: memref<4096x3xf32, #tpu.memory_space<vmem>>, %arg2: memref<4x8x49152xf32, #tpu.memory_space<vmem>>, %arg3: memref<4096x1xf32, #tpu.memory_space<vmem>>, %arg4: memref<4096x128xf32, #tpu.memory_space<vmem>>, %arg5: memref<4096x128xf32, #tpu.memory_space<vmem>>, %arg6: memref<4096x128xf32, #tpu.memory_space<vmem>>, %arg7: memref<4096x128xf32, #tpu.memory_space<vmem>>) attributes {dimension_semantics = [#tpu.dimension_semantics<arbitrary>], iteration_bounds = array<i64: 2>, scalar_prefetch = 0 : i64, scratch_operands = 4 : i64, tpu.core_type = #tpu.core_type<tc>, window_params = [{transform_indices = @transform_0, window_bounds = array<i64: 4096, 3>}, {pipeline_mode = #tpu.pipeline_mode<synchronous>, transform_indices = @transform_1, window_bounds = array<i64: 4, 8, 49152>}, {transform_indices = @transform_2, window_bounds = array<i64: 4096, 1>}]} {
    %get3A = arith.constant 0 : index
    %get3A_0 = arith.constant 0 : index
    %get3A_1 = vector.load %arg1[%get3A, %get3A_0] : memref<4096x3xf32, #tpu.memory_space<vmem>>, vector<4096x3xf32>
    %slice3A = vector.extract_strided_slice %get3A_1 {offsets = [0, 0], sizes = [4096, 1], strides = [1, 1]} : vector<4096x3xf32> to vector<4096x1xf32>
    %broadcast_in_dim3A = vector.shape_cast %slice3A : vector<4096x1xf32> to vector<4096x1xf32>
    %broadcast_in_dim3A_2 = vector.broadcast %broadcast_in_dim3A : vector<4096x1xf32> to vector<4096x128xf32>
    %swap3A = arith.constant 0 : index
    %swap3A_3 = arith.constant 0 : index
    %swap3A_4 = vector.load %arg4[%swap3A, %swap3A_3] : memref<4096x128xf32, #tpu.memory_space<vmem>>, vector<4096x128xf32>
    tpu.vector_store %arg4[%swap3A, %swap3A_3], %broadcast_in_dim3A_2 {strides = array<i32>} : memref<4096x128xf32, #tpu.memory_space<vmem>>, vector<4096x128xf32>,
    %slice3A_5 = vector.extract_strided_slice %get3A_1 {offsets = [0, 1], sizes = [4096, 1], strides = [1, 1]} : vector<4096x3xf32> to vector<4096x1xf32>
    %broadcast_in_dim3A_6 = vector.shape_cast %slice3A_5 : vector<4096x1xf32> to vector<4096x1xf32>
    %broadcast_in_dim3A_7 = vector.broadcast %broadcast_in_dim3A_6 : vector<4096x1xf32> to vector<4096x128xf32>
    %swap3A_8 = arith.constant 0 : index
    %swap3A_9 = arith.constant 0 : index
    %swap3A_10 = vector.load %arg5[%swap3A_8, %swap3A_9] : memref<4096x128xf32, #tpu.memory_space<vmem>>, vector<4096x128xf32>
    tpu.vector_store %arg5[%swap3A_8, %swap3A_9], %broadcast_in_dim3A_7 {strides = array<i32>} : memref<4096x128xf32, #tpu.memory_space<vmem>>, vector<4096x128xf32>,
    %slice3A_11 = vector.extract_strided_slice %get3A_1 {offsets = [0, 2], sizes = [4096, 1], strides = [1, 1]} : vector<4096x3xf32> to vector<4096x1xf32>
    %broadcast_in_dim3A_12 = vector.shape_cast %slice3A_11 : vector<4096x1xf32> to vector<4096x1xf32>
    %broadcast_in_dim3A_13 = vector.broadcast %broadcast_in_dim3A_12 : vector<4096x1xf32> to vector<4096x128xf32>
    %swap3A_14 = arith.constant 0 : index
    %swap3A_15 = arith.constant 0 : index
    %swap3A_16 = vector.load %arg6[%swap3A_14, %swap3A_15] : memref<4096x128xf32, #tpu.memory_space<vmem>>, vector<4096x128xf32>
    tpu.vector_store %arg6[%swap3A_14, %swap3A_15], %broadcast_in_dim3A_13 {strides = array<i32>} : memref<4096x128xf32, #tpu.memory_space<vmem>>, vector<4096x128xf32>,
    %broadcast_in_dim3A_17 = arith.constant 0xFF800000 : f32
    %broadcast_in_dim3A_18 = vector.broadcast %broadcast_in_dim3A_17 : f32 to vector<4096x128xf32>
    %swap3A_19 = arith.constant 0 : index
    %swap3A_20 = arith.constant 0 : index
    %swap3A_21 = vector.load %arg7[%swap3A_19, %swap3A_20] : memref<4096x128xf32, #tpu.memory_space<vmem>>, vector<4096x128xf32>
    tpu.vector_store %arg7[%swap3A_19, %swap3A_20], %broadcast_in_dim3A_18 {strides = array<i32>} : memref<4096x128xf32, #tpu.memory_space<vmem>>, vector<4096x128xf32>,
    %scan3A = arith.constant 0 : i32
    %scan3A_22 = arith.constant 32 : i32
    %scan3A_23 = arith.addi %scan3A, %scan3A_22 : i32
    %scan3A_24 = arith.constant 1 : i32
    scf.for %scan3A_35 = %scan3A to %scan3A_23 step %scan3A_24  : i32 {
      %mul3A = arith.constant 1536 : i32
      %mul3A_36 = arith.muli %scan3A_35, %mul3A : i32
      %get3A_37 = arith.constant 0 : index
      %get3A_38 = arith.constant 0 : index
      %get3A_39 = arith.index_cast %mul3A_36 : i32 to index
      %get3A_40 = vector.load %arg2[%get3A_37, %get3A_38, %get3A_39] : memref<4x8x49152xf32, #tpu.memory_space<vmem>>, vector<1x8x1536xf32>
      %get3A_41 = vector.shape_cast %get3A_40 : vector<1x8x1536xf32> to vector<8x1536xf32>
      %get3A_42 = arith.constant 1 : index
      %get3A_43 = arith.constant 0 : index
      %get3A_44 = arith.index_cast %mul3A_36 : i32 to index
      %get3A_45 = vector.load %arg2[%get3A_42, %get3A_43, %get3A_44] : memref<4x8x49152xf32, #tpu.memory_space<vmem>>, vector<1x8x1536xf32>
      %get3A_46 = vector.shape_cast %get3A_45 : vector<1x8x1536xf32> to vector<8x1536xf32>
      %get3A_47 = arith.constant 2 : index
      %get3A_48 = arith.constant 0 : index
      %get3A_49 = arith.index_cast %mul3A_36 : i32 to index
      %get3A_50 = vector.load %arg2[%get3A_47, %get3A_48, %get3A_49] : memref<4x8x49152xf32, #tpu.memory_space<vmem>>, vector<1x8x1536xf32>
      %get3A_51 = vector.shape_cast %get3A_50 : vector<1x8x1536xf32> to vector<8x1536xf32>
      %get3A_52 = arith.constant 3 : index
      %get3A_53 = arith.constant 0 : index
      %get3A_54 = arith.index_cast %mul3A_36 : i32 to index
      %get3A_55 = vector.load %arg2[%get3A_52, %get3A_53, %get3A_54] : memref<4x8x49152xf32, #tpu.memory_space<vmem>>, vector<1x8x1536xf32>
      %get3A_56 = vector.shape_cast %get3A_55 : vector<1x8x1536xf32> to vector<8x1536xf32>
      %scan3A_57 = arith.constant 0 : i32
      %scan3A_58 = arith.constant 512 : i32
      %scan3A_59 = arith.addi %scan3A_57, %scan3A_58 : i32
      %scan3A_60 = arith.constant 8 : i32
      scf.for %scan3A_62 = %scan3A_57 to %scan3A_59 step %scan3A_60  : i32 {
        %mul3A_63 = arith.constant 8 : i32
        %mul3A_64 = arith.muli %scan3A_62, %mul3A_63 : i32
        %get3A_65 = arith.index_cast %mul3A_64 : i32 to index
        %get3A_66 = arith.constant 0 : index
        %get3A_67 = vector.load %arg4[%get3A_65, %get3A_66] : memref<4096x128xf32, #tpu.memory_space<vmem>>, vector<8x128xf32>
        %get3A_68 = arith.index_cast %mul3A_64 : i32 to index
        %get3A_69 = arith.constant 0 : index
        %get3A_70 = vector.load %arg5[%get3A_68, %get3A_69] : memref<4096x128xf32, #tpu.memory_space<vmem>>, vector<8x128xf32>
        %get3A_71 = arith.index_cast %mul3A_64 : i32 to index
        %get3A_72 = arith.constant 0 : index
        %get3A_73 = vector.load %arg6[%get3A_71, %get3A_72] : memref<4096x128xf32, #tpu.memory_space<vmem>>, vector<8x128xf32>
        %slice3A_74 = vector.extract_strided_slice %get3A_41 {offsets = [0, 0], sizes = [8, 128], strides = [1, 1]} : vector<8x1536xf32> to vector<8x128xf32>
        %mul3A_75 = arith.mulf %get3A_67, %slice3A_74 : vector<8x128xf32>
        %slice3A_76 = vector.extract_strided_slice %get3A_46 {offsets = [0, 0], sizes = [8, 128], strides = [1, 1]} : vector<8x1536xf32> to vector<8x128xf32>
        %mul3A_77 = arith.mulf %get3A_70, %slice3A_76 : vector<8x128xf32>
        %slice3A_78 = vector.extract_strided_slice %get3A_51 {offsets = [0, 0], sizes = [8, 128], strides = [1, 1]} : vector<8x1536xf32> to vector<8x128xf32>
        %mul3A_79 = arith.mulf %get3A_73, %slice3A_78 : vector<8x128xf32>
        %slice3A_80 = vector.extract_strided_slice %get3A_56 {offsets = [0, 0], sizes = [8, 128], strides = [1, 1]} : vector<8x1536xf32> to vector<8x128xf32>
        %add3A = arith.addf %mul3A_79, %slice3A_80 : vector<8x128xf32>
        %add3A_81 = arith.addf %mul3A_77, %add3A : vector<8x128xf32>
        %add3A_82 = arith.addf %mul3A_75, %add3A_81 : vector<8x128xf32>
        %slice3A_83 = vector.extract_strided_slice %get3A_41 {offsets = [0, 128], sizes = [8, 128], strides = [1, 1]} : vector<8x1536xf32> to vector<8x128xf32>
        %mul3A_84 = arith.mulf %get3A_67, %slice3A_83 : vector<8x128xf32>
        %slice3A_85 = vector.extract_strided_slice %get3A_46 {offsets = [0, 128], sizes = [8, 128], strides = [1, 1]} : vector<8x1536xf32> to vector<8x128xf32>
        %mul3A_86 = arith.mulf %get3A_70, %slice3A_85 : vector<8x128xf32>
        %slice3A_87 = vector.extract_strided_slice %get3A_51 {offsets = [0, 128], sizes = [8, 128], strides = [1, 1]} : vector<8x1536xf32> to vector<8x128xf32>
        %mul3A_88 = arith.mulf %get3A_73, %slice3A_87 : vector<8x128xf32>
        %slice3A_89 = vector.extract_strided_slice %get3A_56 {offsets = [0, 128], sizes = [8, 128], strides = [1, 1]} : vector<8x1536xf32> to vector<8x128xf32>
        %add3A_90 = arith.addf %mul3A_88, %slice3A_89 : vector<8x128xf32>
        %add3A_91 = arith.addf %mul3A_86, %add3A_90 : vector<8x128xf32>
        %add3A_92 = arith.addf %mul3A_84, %add3A_91 : vector<8x128xf32>
        %max3A = arith.maximumf %add3A_82, %add3A_92 : vector<8x128xf32>
        %slice3A_93 = vector.extract_strided_slice %get3A_41 {offsets = [0, 256], sizes = [8, 128], strides = [1, 1]} : vector<8x1536xf32> to vector<8x128xf32>
        %mul3A_94 = arith.mulf %get3A_67, %slice3A_93 : vector<8x128xf32>
        %slice3A_95 = vector.extract_strided_slice %get3A_46 {offsets = [0, 256], sizes = [8, 128], strides = [1, 1]} : vector<8x1536xf32> to vector<8x128xf32>
        %mul3A_96 = arith.mulf %get3A_70, %slice3A_95 : vector<8x128xf32>
        %slice3A_97 = vector.extract_strided_slice %get3A_51 {offsets = [0, 256], sizes = [8, 128], strides = [1, 1]} : vector<8x1536xf32> to vector<8x128xf32>
        %mul3A_98 = arith.mulf %get3A_73, %slice3A_97 : vector<8x128xf32>
        %slice3A_99 = vector.extract_strided_slice %get3A_56 {offsets = [0, 256], sizes = [8, 128], strides = [1, 1]} : vector<8x1536xf32> to vector<8x128xf32>
        %add3A_100 = arith.addf %mul3A_98, %slice3A_99 : vector<8x128xf32>
        %add3A_101 = arith.addf %mul3A_96, %add3A_100 : vector<8x128xf32>
        %add3A_102 = arith.addf %mul3A_94, %add3A_101 : vector<8x128xf32>
        %max3A_103 = arith.maximumf %max3A, %add3A_102 : vector<8x128xf32>
        %slice3A_104 = vector.extract_strided_slice %get3A_41 {offsets = [0, 384], sizes = [8, 128], strides = [1, 1]} : vector<8x1536xf32> to vector<8x128xf32>
        %mul3A_105 = arith.mulf %get3A_67, %slice3A_104 : vector<8x128xf32>
        %slice3A_106 = vector.extract_strided_slice %get3A_46 {offsets = [0, 384], sizes = [8, 128], strides = [1, 1]} : vector<8x1536xf32> to vector<8x128xf32>
        %mul3A_107 = arith.mulf %get3A_70, %slice3A_106 : vector<8x128xf32>
        %slice3A_108 = vector.extract_strided_slice %get3A_51 {offsets = [0, 384], sizes = [8, 128], strides = [1, 1]} : vector<8x1536xf32> to vector<8x128xf32>
        %mul3A_109 = arith.mulf %get3A_73, %slice3A_108 : vector<8x128xf32>
        %slice3A_110 = vector.extract_strided_slice %get3A_56 {offsets = [0, 384], sizes = [8, 128], strides = [1, 1]} : vector<8x1536xf32> to vector<8x128xf32>
        %add3A_111 = arith.addf %mul3A_109, %slice3A_110 : vector<8x128xf32>
        %add3A_112 = arith.addf %mul3A_107, %add3A_111 : vector<8x128xf32>
        %add3A_113 = arith.addf %mul3A_105, %add3A_112 : vector<8x128xf32>
        %max3A_114 = arith.maximumf %max3A_103, %add3A_113 : vector<8x128xf32>
        %slice3A_115 = vector.extract_strided_slice %get3A_41 {offsets = [0, 512], sizes = [8, 128], strides = [1, 1]} : vector<8x1536xf32> to vector<8x128xf32>
        %mul3A_116 = arith.mulf %get3A_67, %slice3A_115 : vector<8x128xf32>
        %slice3A_117 = vector.extract_strided_slice %get3A_46 {offsets = [0, 512], sizes = [8, 128], strides = [1, 1]} : vector<8x1536xf32> to vector<8x128xf32>
        %mul3A_118 = arith.mulf %get3A_70, %slice3A_117 : vector<8x128xf32>
        %slice3A_119 = vector.extract_strided_slice %get3A_51 {offsets = [0, 512], sizes = [8, 128], strides = [1, 1]} : vector<8x1536xf32> to vector<8x128xf32>
        %mul3A_120 = arith.mulf %get3A_73, %slice3A_119 : vector<8x128xf32>
        %slice3A_121 = vector.extract_strided_slice %get3A_56 {offsets = [0, 512], sizes = [8, 128], strides = [1, 1]} : vector<8x1536xf32> to vector<8x128xf32>
        %add3A_122 = arith.addf %mul3A_120, %slice3A_121 : vector<8x128xf32>
        %add3A_123 = arith.addf %mul3A_118, %add3A_122 : vector<8x128xf32>
        %add3A_124 = arith.addf %mul3A_116, %add3A_123 : vector<8x128xf32>
        %max3A_125 = arith.maximumf %max3A_114, %add3A_124 : vector<8x128xf32>
        %slice3A_126 = vector.extract_strided_slice %get3A_41 {offsets = [0, 640], sizes = [8, 128], strides = [1, 1]} : vector<8x1536xf32> to vector<8x128xf32>
        %mul3A_127 = arith.mulf %get3A_67, %slice3A_126 : vector<8x128xf32>
        %slice3A_128 = vector.extract_strided_slice %get3A_46 {offsets = [0, 640], sizes = [8, 128], strides = [1, 1]} : vector<8x1536xf32> to vector<8x128xf32>
        %mul3A_129 = arith.mulf %get3A_70, %slice3A_128 : vector<8x128xf32>
        %slice3A_130 = vector.extract_strided_slice %get3A_51 {offsets = [0, 640], sizes = [8, 128], strides = [1, 1]} : vector<8x1536xf32> to vector<8x128xf32>
        %mul3A_131 = arith.mulf %get3A_73, %slice3A_130 : vector<8x128xf32>
        %slice3A_132 = vector.extract_strided_slice %get3A_56 {offsets = [0, 640], sizes = [8, 128], strides = [1, 1]} : vector<8x1536xf32> to vector<8x128xf32>
        %add3A_133 = arith.addf %mul3A_131, %slice3A_132 : vector<8x128xf32>
        %add3A_134 = arith.addf %mul3A_129, %add3A_133 : vector<8x128xf32>
        %add3A_135 = arith.addf %mul3A_127, %add3A_134 : vector<8x128xf32>
        %max3A_136 = arith.maximumf %max3A_125, %add3A_135 : vector<8x128xf32>
        %slice3A_137 = vector.extract_strided_slice %get3A_41 {offsets = [0, 768], sizes = [8, 128], strides = [1, 1]} : vector<8x1536xf32> to vector<8x128xf32>
        %mul3A_138 = arith.mulf %get3A_67, %slice3A_137 : vector<8x128xf32>
        %slice3A_139 = vector.extract_strided_slice %get3A_46 {offsets = [0, 768], sizes = [8, 128], strides = [1, 1]} : vector<8x1536xf32> to vector<8x128xf32>
        %mul3A_140 = arith.mulf %get3A_70, %slice3A_139 : vector<8x128xf32>
        %slice3A_141 = vector.extract_strided_slice %get3A_51 {offsets = [0, 768], sizes = [8, 128], strides = [1, 1]} : vector<8x1536xf32> to vector<8x128xf32>
        %mul3A_142 = arith.mulf %get3A_73, %slice3A_141 : vector<8x128xf32>
        %slice3A_143 = vector.extract_strided_slice %get3A_56 {offsets = [0, 768], sizes = [8, 128], strides = [1, 1]} : vector<8x1536xf32> to vector<8x128xf32>
        %add3A_144 = arith.addf %mul3A_142, %slice3A_143 : vector<8x128xf32>
        %add3A_145 = arith.addf %mul3A_140, %add3A_144 : vector<8x128xf32>
        %add3A_146 = arith.addf %mul3A_138, %add3A_145 : vector<8x128xf32>
        %max3A_147 = arith.maximumf %max3A_136, %add3A_146 : vector<8x128xf32>
        %slice3A_148 = vector.extract_strided_slice %get3A_41 {offsets = [0, 896], sizes = [8, 128], strides = [1, 1]} : vector<8x1536xf32> to vector<8x128xf32>
        %mul3A_149 = arith.mulf %get3A_67, %slice3A_148 : vector<8x128xf32>
        %slice3A_150 = vector.extract_strided_slice %get3A_46 {offsets = [0, 896], sizes = [8, 128], strides = [1, 1]} : vector<8x1536xf32> to vector<8x128xf32>
        %mul3A_151 = arith.mulf %get3A_70, %slice3A_150 : vector<8x128xf32>
        %slice3A_152 = vector.extract_strided_slice %get3A_51 {offsets = [0, 896], sizes = [8, 128], strides = [1, 1]} : vector<8x1536xf32> to vector<8x128xf32>
        %mul3A_153 = arith.mulf %get3A_73, %slice3A_152 : vector<8x128xf32>
        %slice3A_154 = vector.extract_strided_slice %get3A_56 {offsets = [0, 896], sizes = [8, 128], strides = [1, 1]} : vector<8x1536xf32> to vector<8x128xf32>
        %add3A_155 = arith.addf %mul3A_153, %slice3A_154 : vector<8x128xf32>
        %add3A_156 = arith.addf %mul3A_151, %add3A_155 : vector<8x128xf32>
        %add3A_157 = arith.addf %mul3A_149, %add3A_156 : vector<8x128xf32>
        %max3A_158 = arith.maximumf %max3A_147, %add3A_157 : vector<8x128xf32>
        %slice3A_159 = vector.extract_strided_slice %get3A_41 {offsets = [0, 1024], sizes = [8, 128], strides = [1, 1]} : vector<8x1536xf32> to vector<8x128xf32>
        %mul3A_160 = arith.mulf %get3A_67, %slice3A_159 : vector<8x128xf32>
        %slice3A_161 = vector.extract_strided_slice %get3A_46 {offsets = [0, 1024], sizes = [8, 128], strides = [1, 1]} : vector<8x1536xf32> to vector<8x128xf32>
        %mul3A_162 = arith.mulf %get3A_70, %slice3A_161 : vector<8x128xf32>
        %slice3A_163 = vector.extract_strided_slice %get3A_51 {offsets = [0, 1024], sizes = [8, 128], strides = [1, 1]} : vector<8x1536xf32> to vector<8x128xf32>
        %mul3A_164 = arith.mulf %get3A_73, %slice3A_163 : vector<8x128xf32>
        %slice3A_165 = vector.extract_strided_slice %get3A_56 {offsets = [0, 1024], sizes = [8, 128], strides = [1, 1]} : vector<8x1536xf32> to vector<8x128xf32>
        %add3A_166 = arith.addf %mul3A_164, %slice3A_165 : vector<8x128xf32>
        %add3A_167 = arith.addf %mul3A_162, %add3A_166 : vector<8x128xf32>
        %add3A_168 = arith.addf %mul3A_160, %add3A_167 : vector<8x128xf32>
        %max3A_169 = arith.maximumf %max3A_158, %add3A_168 : vector<8x128xf32>
        %slice3A_170 = vector.extract_strided_slice %get3A_41 {offsets = [0, 1152], sizes = [8, 128], strides = [1, 1]} : vector<8x1536xf32> to vector<8x128xf32>
        %mul3A_171 = arith.mulf %get3A_67, %slice3A_170 : vector<8x128xf32>
        %slice3A_172 = vector.extract_strided_slice %get3A_46 {offsets = [0, 1152], sizes = [8, 128], strides = [1, 1]} : vector<8x1536xf32> to vector<8x128xf32>
        %mul3A_173 = arith.mulf %get3A_70, %slice3A_172 : vector<8x128xf32>
        %slice3A_174 = vector.extract_strided_slice %get3A_51 {offsets = [0, 1152], sizes = [8, 128], strides = [1, 1]} : vector<8x1536xf32> to vector<8x128xf32>
        %mul3A_175 = arith.mulf %get3A_73, %slice3A_174 : vector<8x128xf32>
        %slice3A_176 = vector.extract_strided_slice %get3A_56 {offsets = [0, 1152], sizes = [8, 128], strides = [1, 1]} : vector<8x1536xf32> to vector<8x128xf32>
        %add3A_177 = arith.addf %mul3A_175, %slice3A_176 : vector<8x128xf32>
        %add3A_178 = arith.addf %mul3A_173, %add3A_177 : vector<8x128xf32>
        %add3A_179 = arith.addf %mul3A_171, %add3A_178 : vector<8x128xf32>
        %max3A_180 = arith.maximumf %max3A_169, %add3A_179 : vector<8x128xf32>
        %slice3A_181 = vector.extract_strided_slice %get3A_41 {offsets = [0, 1280], sizes = [8, 128], strides = [1, 1]} : vector<8x1536xf32> to vector<8x128xf32>
        %mul3A_182 = arith.mulf %get3A_67, %slice3A_181 : vector<8x128xf32>
        %slice3A_183 = vector.extract_strided_slice %get3A_46 {offsets = [0, 1280], sizes = [8, 128], strides = [1, 1]} : vector<8x1536xf32> to vector<8x128xf32>
        %mul3A_184 = arith.mulf %get3A_70, %slice3A_183 : vector<8x128xf32>
        %slice3A_185 = vector.extract_strided_slice %get3A_51 {offsets = [0, 1280], sizes = [8, 128], strides = [1, 1]} : vector<8x1536xf32> to vector<8x128xf32>
        %mul3A_186 = arith.mulf %get3A_73, %slice3A_185 : vector<8x128xf32>
        %slice3A_187 = vector.extract_strided_slice %get3A_56 {offsets = [0, 1280], sizes = [8, 128], strides = [1, 1]} : vector<8x1536xf32> to vector<8x128xf32>
        %add3A_188 = arith.addf %mul3A_186, %slice3A_187 : vector<8x128xf32>
        %add3A_189 = arith.addf %mul3A_184, %add3A_188 : vector<8x128xf32>
        %add3A_190 = arith.addf %mul3A_182, %add3A_189 : vector<8x128xf32>
        %max3A_191 = arith.maximumf %max3A_180, %add3A_190 : vector<8x128xf32>
        %slice3A_192 = vector.extract_strided_slice %get3A_41 {offsets = [0, 1408], sizes = [8, 128], strides = [1, 1]} : vector<8x1536xf32> to vector<8x128xf32>
        %mul3A_193 = arith.mulf %get3A_67, %slice3A_192 : vector<8x128xf32>
        %slice3A_194 = vector.extract_strided_slice %get3A_46 {offsets = [0, 1408], sizes = [8, 128], strides = [1, 1]} : vector<8x1536xf32> to vector<8x128xf32>
        %mul3A_195 = arith.mulf %get3A_70, %slice3A_194 : vector<8x128xf32>
        %slice3A_196 = vector.extract_strided_slice %get3A_51 {offsets = [0, 1408], sizes = [8, 128], strides = [1, 1]} : vector<8x1536xf32> to vector<8x128xf32>
        %mul3A_197 = arith.mulf %get3A_73, %slice3A_196 : vector<8x128xf32>
        %slice3A_198 = vector.extract_strided_slice %get3A_56 {offsets = [0, 1408], sizes = [8, 128], strides = [1, 1]} : vector<8x1536xf32> to vector<8x128xf32>
        %add3A_199 = arith.addf %mul3A_197, %slice3A_198 : vector<8x128xf32>
        %add3A_200 = arith.addf %mul3A_195, %add3A_199 : vector<8x128xf32>
        %add3A_201 = arith.addf %mul3A_193, %add3A_200 : vector<8x128xf32>
        %max3A_202 = arith.maximumf %max3A_191, %add3A_201 : vector<8x128xf32>
        %get3A_203 = arith.index_cast %mul3A_64 : i32 to index
        %get3A_204 = arith.constant 0 : index
        %get3A_205 = vector.load %arg7[%get3A_203, %get3A_204] : memref<4096x128xf32, #tpu.memory_space<vmem>>, vector<8x128xf32>
        %max3A_206 = arith.maximumf %get3A_205, %max3A_202 : vector<8x128xf32>
        %swap3A_207 = arith.index_cast %mul3A_64 : i32 to index
        %swap3A_208 = arith.constant 0 : index
        %swap3A_209 = vector.load %arg7[%swap3A_207, %swap3A_208] : memref<4096x128xf32, #tpu.memory_space<vmem>>, vector<8x128xf32>
        tpu.vector_store %arg7[%swap3A_207, %swap3A_208], %max3A_206 {strides = array<i32>} : memref<4096x128xf32, #tpu.memory_space<vmem>>, vector<8x128xf32>,
        %scan3A_210 = arith.constant 1 : i32
        %scan3A_211 = arith.addi %scan3A_62, %scan3A_210 : i32
        %mul3A_212 = arith.constant 8 : i32
        %mul3A_213 = arith.muli %scan3A_211, %mul3A_212 : i32
        %get3A_214 = arith.index_cast %mul3A_213 : i32 to index
        %get3A_215 = arith.constant 0 : index
        %get3A_216 = vector.load %arg4[%get3A_214, %get3A_215] : memref<4096x128xf32, #tpu.memory_space<vmem>>, vector<8x128xf32>
        %get3A_217 = arith.index_cast %mul3A_213 : i32 to index
        %get3A_218 = arith.constant 0 : index
        %get3A_219 = vector.load %arg5[%get3A_217, %get3A_218] : memref<4096x128xf32, #tpu.memory_space<vmem>>, vector<8x128xf32>
        %get3A_220 = arith.index_cast %mul3A_213 : i32 to index
        %get3A_221 = arith.constant 0 : index
        %get3A_222 = vector.load %arg6[%get3A_220, %get3A_221] : memref<4096x128xf32, #tpu.memory_space<vmem>>, vector<8x128xf32>
        %slice3A_223 = vector.extract_strided_slice %get3A_41 {offsets = [0, 0], sizes = [8, 128], strides = [1, 1]} : vector<8x1536xf32> to vector<8x128xf32>
        %mul3A_224 = arith.mulf %get3A_216, %slice3A_223 : vector<8x128xf32>
        %slice3A_225 = vector.extract_strided_slice %get3A_46 {offsets = [0, 0], sizes = [8, 128], strides = [1, 1]} : vector<8x1536xf32> to vector<8x128xf32>
        %mul3A_226 = arith.mulf %get3A_219, %slice3A_225 : vector<8x128xf32>
        %slice3A_227 = vector.extract_strided_slice %get3A_51 {offsets = [0, 0], sizes = [8, 128], strides = [1, 1]} : vector<8x1536xf32> to vector<8x128xf32>
        %mul3A_228 = arith.mulf %get3A_222, %slice3A_227 : vector<8x128xf32>
        %slice3A_229 = vector.extract_strided_slice %get3A_56 {offsets = [0, 0], sizes = [8, 128], strides = [1, 1]} : vector<8x1536xf32> to vector<8x128xf32>
        %add3A_230 = arith.addf %mul3A_228, %slice3A_229 : vector<8x128xf32>
        %add3A_231 = arith.addf %mul3A_226, %add3A_230 : vector<8x128xf32>
        %add3A_232 = arith.addf %mul3A_224, %add3A_231 : vector<8x128xf32>
        %slice3A_233 = vector.extract_strided_slice %get3A_41 {offsets = [0, 128], sizes = [8, 128], strides = [1, 1]} : vector<8x1536xf32> to vector<8x128xf32>
        %mul3A_234 = arith.mulf %get3A_216, %slice3A_233 : vector<8x128xf32>
        %slice3A_235 = vector.extract_strided_slice %get3A_46 {offsets = [0, 128], sizes = [8, 128], strides = [1, 1]} : vector<8x1536xf32> to vector<8x128xf32>
        %mul3A_236 = arith.mulf %get3A_219, %slice3A_235 : vector<8x128xf32>
        %slice3A_237 = vector.extract_strided_slice %get3A_51 {offsets = [0, 128], sizes = [8, 128], strides = [1, 1]} : vector<8x1536xf32> to vector<8x128xf32>
        %mul3A_238 = arith.mulf %get3A_222, %slice3A_237 : vector<8x128xf32>
        %slice3A_239 = vector.extract_strided_slice %get3A_56 {offsets = [0, 128], sizes = [8, 128], strides = [1, 1]} : vector<8x1536xf32> to vector<8x128xf32>
        %add3A_240 = arith.addf %mul3A_238, %slice3A_239 : vector<8x128xf32>
        %add3A_241 = arith.addf %mul3A_236, %add3A_240 : vector<8x128xf32>
        %add3A_242 = arith.addf %mul3A_234, %add3A_241 : vector<8x128xf32>
        %max3A_243 = arith.maximumf %add3A_232, %add3A_242 : vector<8x128xf32>
        %slice3A_244 = vector.extract_strided_slice %get3A_41 {offsets = [0, 256], sizes = [8, 128], strides = [1, 1]} : vector<8x1536xf32> to vector<8x128xf32>
        %mul3A_245 = arith.mulf %get3A_216, %slice3A_244 : vector<8x128xf32>
        %slice3A_246 = vector.extract_strided_slice %get3A_46 {offsets = [0, 256], sizes = [8, 128], strides = [1, 1]} : vector<8x1536xf32> to vector<8x128xf32>
        %mul3A_247 = arith.mulf %get3A_219, %slice3A_246 : vector<8x128xf32>
        %slice3A_248 = vector.extract_strided_slice %get3A_51 {offsets = [0, 256], sizes = [8, 128], strides = [1, 1]} : vector<8x1536xf32> to vector<8x128xf32>
        %mul3A_249 = arith.mulf %get3A_222, %slice3A_248 : vector<8x128xf32>
        %slice3A_250 = vector.extract_strided_slice %get3A_56 {offsets = [0, 256], sizes = [8, 128], strides = [1, 1]} : vector<8x1536xf32> to vector<8x128xf32>
        %add3A_251 = arith.addf %mul3A_249, %slice3A_250 : vector<8x128xf32>
        %add3A_252 = arith.addf %mul3A_247, %add3A_251 : vector<8x128xf32>
        %add3A_253 = arith.addf %mul3A_245, %add3A_252 : vector<8x128xf32>
        %max3A_254 = arith.maximumf %max3A_243, %add3A_253 : vector<8x128xf32>
        %slice3A_255 = vector.extract_strided_slice %get3A_41 {offsets = [0, 384], sizes = [8, 128], strides = [1, 1]} : vector<8x1536xf32> to vector<8x128xf32>
        %mul3A_256 = arith.mulf %get3A_216, %slice3A_255 : vector<8x128xf32>
        %slice3A_257 = vector.extract_strided_slice %get3A_46 {offsets = [0, 384], sizes = [8, 128], strides = [1, 1]} : vector<8x1536xf32> to vector<8x128xf32>
        %mul3A_258 = arith.mulf %get3A_219, %slice3A_257 : vector<8x128xf32>
        %slice3A_259 = vector.extract_strided_slice %get3A_51 {offsets = [0, 384], sizes = [8, 128], strides = [1, 1]} : vector<8x1536xf32> to vector<8x128xf32>
        %mul3A_260 = arith.mulf %get3A_222, %slice3A_259 : vector<8x128xf32>
        %slice3A_261 = vector.extract_strided_slice %get3A_56 {offsets = [0, 384], sizes = [8, 128], strides = [1, 1]} : vector<8x1536xf32> to vector<8x128xf32>
        %add3A_262 = arith.addf %mul3A_260, %slice3A_261 : vector<8x128xf32>
        %add3A_263 = arith.addf %mul3A_258, %add3A_262 : vector<8x128xf32>
        %add3A_264 = arith.addf %mul3A_256, %add3A_263 : vector<8x128xf32>
        %max3A_265 = arith.maximumf %max3A_254, %add3A_264 : vector<8x128xf32>
        %slice3A_266 = vector.extract_strided_slice %get3A_41 {offsets = [0, 512], sizes = [8, 128], strides = [1, 1]} : vector<8x1536xf32> to vector<8x128xf32>
        %mul3A_267 = arith.mulf %get3A_216, %slice3A_266 : vector<8x128xf32>
        %slice3A_268 = vector.extract_strided_slice %get3A_46 {offsets = [0, 512], sizes = [8, 128], strides = [1, 1]} : vector<8x1536xf32> to vector<8x128xf32>
        %mul3A_269 = arith.mulf %get3A_219, %slice3A_268 : vector<8x128xf32>
        %slice3A_270 = vector.extract_strided_slice %get3A_51 {offsets = [0, 512], sizes = [8, 128], strides = [1, 1]} : vector<8x1536xf32> to vector<8x128xf32>
        %mul3A_271 = arith.mulf %get3A_222, %slice3A_270 : vector<8x128xf32>
        %slice3A_272 = vector.extract_strided_slice %get3A_56 {offsets = [0, 512], sizes = [8, 128], strides = [1, 1]} : vector<8x1536xf32> to vector<8x128xf32>
        %add3A_273 = arith.addf %mul3A_271, %slice3A_272 : vector<8x128xf32>
        %add3A_274 = arith.addf %mul3A_269, %add3A_273 : vector<8x128xf32>
        %add3A_275 = arith.addf %mul3A_267, %add3A_274 : vector<8x128xf32>
        %max3A_276 = arith.maximumf %max3A_265, %add3A_275 : vector<8x128xf32>
        %slice3A_277 = vector.extract_strided_slice %get3A_41 {offsets = [0, 640], sizes = [8, 128], strides = [1, 1]} : vector<8x1536xf32> to vector<8x128xf32>
        %mul3A_278 = arith.mulf %get3A_216, %slice3A_277 : vector<8x128xf32>
        %slice3A_279 = vector.extract_strided_slice %get3A_46 {offsets = [0, 640], sizes = [8, 128], strides = [1, 1]} : vector<8x1536xf32> to vector<8x128xf32>
        %mul3A_280 = arith.mulf %get3A_219, %slice3A_279 : vector<8x128xf32>
        %slice3A_281 = vector.extract_strided_slice %get3A_51 {offsets = [0, 640], sizes = [8, 128], strides = [1, 1]} : vector<8x1536xf32> to vector<8x128xf32>
        %mul3A_282 = arith.mulf %get3A_222, %slice3A_281 : vector<8x128xf32>
        %slice3A_283 = vector.extract_strided_slice %get3A_56 {offsets = [0, 640], sizes = [8, 128], strides = [1, 1]} : vector<8x1536xf32> to vector<8x128xf32>
        %add3A_284 = arith.addf %mul3A_282, %slice3A_283 : vector<8x128xf32>
        %add3A_285 = arith.addf %mul3A_280, %add3A_284 : vector<8x128xf32>
        %add3A_286 = arith.addf %mul3A_278, %add3A_285 : vector<8x128xf32>
        %max3A_287 = arith.maximumf %max3A_276, %add3A_286 : vector<8x128xf32>
        %slice3A_288 = vector.extract_strided_slice %get3A_41 {offsets = [0, 768], sizes = [8, 128], strides = [1, 1]} : vector<8x1536xf32> to vector<8x128xf32>
        %mul3A_289 = arith.mulf %get3A_216, %slice3A_288 : vector<8x128xf32>
        %slice3A_290 = vector.extract_strided_slice %get3A_46 {offsets = [0, 768], sizes = [8, 128], strides = [1, 1]} : vector<8x1536xf32> to vector<8x128xf32>
        %mul3A_291 = arith.mulf %get3A_219, %slice3A_290 : vector<8x128xf32>
        %slice3A_292 = vector.extract_strided_slice %get3A_51 {offsets = [0, 768], sizes = [8, 128], strides = [1, 1]} : vector<8x1536xf32> to vector<8x128xf32>
        %mul3A_293 = arith.mulf %get3A_222, %slice3A_292 : vector<8x128xf32>
        %slice3A_294 = vector.extract_strided_slice %get3A_56 {offsets = [0, 768], sizes = [8, 128], strides = [1, 1]} : vector<8x1536xf32> to vector<8x128xf32>
        %add3A_295 = arith.addf %mul3A_293, %slice3A_294 : vector<8x128xf32>
        %add3A_296 = arith.addf %mul3A_291, %add3A_295 : vector<8x128xf32>
        %add3A_297 = arith.addf %mul3A_289, %add3A_296 : vector<8x128xf32>
        %max3A_298 = arith.maximumf %max3A_287, %add3A_297 : vector<8x128xf32>
        %slice3A_299 = vector.extract_strided_slice %get3A_41 {offsets = [0, 896], sizes = [8, 128], strides = [1, 1]} : vector<8x1536xf32> to vector<8x128xf32>
        %mul3A_300 = arith.mulf %get3A_216, %slice3A_299 : vector<8x128xf32>
        %slice3A_301 = vector.extract_strided_slice %get3A_46 {offsets = [0, 896], sizes = [8, 128], strides = [1, 1]} : vector<8x1536xf32> to vector<8x128xf32>
        %mul3A_302 = arith.mulf %get3A_219, %slice3A_301 : vector<8x128xf32>
        %slice3A_303 = vector.extract_strided_slice %get3A_51 {offsets = [0, 896], sizes = [8, 128], strides = [1, 1]} : vector<8x1536xf32> to vector<8x128xf32>
        %mul3A_304 = arith.mulf %get3A_222, %slice3A_303 : vector<8x128xf32>
        %slice3A_305 = vector.extract_strided_slice %get3A_56 {offsets = [0, 896], sizes = [8, 128], strides = [1, 1]} : vector<8x1536xf32> to vector<8x128xf32>
        %add3A_306 = arith.addf %mul3A_304, %slice3A_305 : vector<8x128xf32>
        %add3A_307 = arith.addf %mul3A_302, %add3A_306 : vector<8x128xf32>
        %add3A_308 = arith.addf %mul3A_300, %add3A_307 : vector<8x128xf32>
        %max3A_309 = arith.maximumf %max3A_298, %add3A_308 : vector<8x128xf32>
        %slice3A_310 = vector.extract_strided_slice %get3A_41 {offsets = [0, 1024], sizes = [8, 128], strides = [1, 1]} : vector<8x1536xf32> to vector<8x128xf32>
        %mul3A_311 = arith.mulf %get3A_216, %slice3A_310 : vector<8x128xf32>
        %slice3A_312 = vector.extract_strided_slice %get3A_46 {offsets = [0, 1024], sizes = [8, 128], strides = [1, 1]} : vector<8x1536xf32> to vector<8x128xf32>
        %mul3A_313 = arith.mulf %get3A_219, %slice3A_312 : vector<8x128xf32>
        %slice3A_314 = vector.extract_strided_slice %get3A_51 {offsets = [0, 1024], sizes = [8, 128], strides = [1, 1]} : vector<8x1536xf32> to vector<8x128xf32>
        %mul3A_315 = arith.mulf %get3A_222, %slice3A_314 : vector<8x128xf32>
        %slice3A_316 = vector.extract_strided_slice %get3A_56 {offsets = [0, 1024], sizes = [8, 128], strides = [1, 1]} : vector<8x1536xf32> to vector<8x128xf32>
        %add3A_317 = arith.addf %mul3A_315, %slice3A_316 : vector<8x128xf32>
        %add3A_318 = arith.addf %mul3A_313, %add3A_317 : vector<8x128xf32>
        %add3A_319 = arith.addf %mul3A_311, %add3A_318 : vector<8x128xf32>
        %max3A_320 = arith.maximumf %max3A_309, %add3A_319 : vector<8x128xf32>
        %slice3A_321 = vector.extract_strided_slice %get3A_41 {offsets = [0, 1152], sizes = [8, 128], strides = [1, 1]} : vector<8x1536xf32> to vector<8x128xf32>
        %mul3A_322 = arith.mulf %get3A_216, %slice3A_321 : vector<8x128xf32>
        %slice3A_323 = vector.extract_strided_slice %get3A_46 {offsets = [0, 1152], sizes = [8, 128], strides = [1, 1]} : vector<8x1536xf32> to vector<8x128xf32>
        %mul3A_324 = arith.mulf %get3A_219, %slice3A_323 : vector<8x128xf32>
        %slice3A_325 = vector.extract_strided_slice %get3A_51 {offsets = [0, 1152], sizes = [8, 128], strides = [1, 1]} : vector<8x1536xf32> to vector<8x128xf32>
        %mul3A_326 = arith.mulf %get3A_222, %slice3A_325 : vector<8x128xf32>
        %slice3A_327 = vector.extract_strided_slice %get3A_56 {offsets = [0, 1152], sizes = [8, 128], strides = [1, 1]} : vector<8x1536xf32> to vector<8x128xf32>
        %add3A_328 = arith.addf %mul3A_326, %slice3A_327 : vector<8x128xf32>
        %add3A_329 = arith.addf %mul3A_324, %add3A_328 : vector<8x128xf32>
        %add3A_330 = arith.addf %mul3A_322, %add3A_329 : vector<8x128xf32>
        %max3A_331 = arith.maximumf %max3A_320, %add3A_330 : vector<8x128xf32>
        %slice3A_332 = vector.extract_strided_slice %get3A_41 {offsets = [0, 1280], sizes = [8, 128], strides = [1, 1]} : vector<8x1536xf32> to vector<8x128xf32>
        %mul3A_333 = arith.mulf %get3A_216, %slice3A_332 : vector<8x128xf32>
        %slice3A_334 = vector.extract_strided_slice %get3A_46 {offsets = [0, 1280], sizes = [8, 128], strides = [1, 1]} : vector<8x1536xf32> to vector<8x128xf32>
        %mul3A_335 = arith.mulf %get3A_219, %slice3A_334 : vector<8x128xf32>
        %slice3A_336 = vector.extract_strided_slice %get3A_51 {offsets = [0, 1280], sizes = [8, 128], strides = [1, 1]} : vector<8x1536xf32> to vector<8x128xf32>
        %mul3A_337 = arith.mulf %get3A_222, %slice3A_336 : vector<8x128xf32>
        %slice3A_338 = vector.extract_strided_slice %get3A_56 {offsets = [0, 1280], sizes = [8, 128], strides = [1, 1]} : vector<8x1536xf32> to vector<8x128xf32>
        %add3A_339 = arith.addf %mul3A_337, %slice3A_338 : vector<8x128xf32>
        %add3A_340 = arith.addf %mul3A_335, %add3A_339 : vector<8x128xf32>
        %add3A_341 = arith.addf %mul3A_333, %add3A_340 : vector<8x128xf32>
        %max3A_342 = arith.maximumf %max3A_331, %add3A_341 : vector<8x128xf32>
        %slice3A_343 = vector.extract_strided_slice %get3A_41 {offsets = [0, 1408], sizes = [8, 128], strides = [1, 1]} : vector<8x1536xf32> to vector<8x128xf32>
        %mul3A_344 = arith.mulf %get3A_216, %slice3A_343 : vector<8x128xf32>
        %slice3A_345 = vector.extract_strided_slice %get3A_46 {offsets = [0, 1408], sizes = [8, 128], strides = [1, 1]} : vector<8x1536xf32> to vector<8x128xf32>
        %mul3A_346 = arith.mulf %get3A_219, %slice3A_345 : vector<8x128xf32>
        %slice3A_347 = vector.extract_strided_slice %get3A_51 {offsets = [0, 1408], sizes = [8, 128], strides = [1, 1]} : vector<8x1536xf32> to vector<8x128xf32>
        %mul3A_348 = arith.mulf %get3A_222, %slice3A_347 : vector<8x128xf32>
        %slice3A_349 = vector.extract_strided_slice %get3A_56 {offsets = [0, 1408], sizes = [8, 128], strides = [1, 1]} : vector<8x1536xf32> to vector<8x128xf32>
        %add3A_350 = arith.addf %mul3A_348, %slice3A_349 : vector<8x128xf32>
        %add3A_351 = arith.addf %mul3A_346, %add3A_350 : vector<8x128xf32>
        %add3A_352 = arith.addf %mul3A_344, %add3A_351 : vector<8x128xf32>
        %max3A_353 = arith.maximumf %max3A_342, %add3A_352 : vector<8x128xf32>
        %get3A_354 = arith.index_cast %mul3A_213 : i32 to index
        %get3A_355 = arith.constant 0 : index
        %get3A_356 = vector.load %arg7[%get3A_354, %get3A_355] : memref<4096x128xf32, #tpu.memory_space<vmem>>, vector<8x128xf32>
        %max3A_357 = arith.maximumf %get3A_356, %max3A_353 : vector<8x128xf32>
        %swap3A_358 = arith.index_cast %mul3A_213 : i32 to index
        %swap3A_359 = arith.constant 0 : index
        %swap3A_360 = vector.load %arg7[%swap3A_358, %swap3A_359] : memref<4096x128xf32, #tpu.memory_space<vmem>>, vector<8x128xf32>
        tpu.vector_store %arg7[%swap3A_358, %swap3A_359], %max3A_357 {strides = array<i32>} : memref<4096x128xf32, #tpu.memory_space<vmem>>, vector<8x128xf32>,
        %scan3A_361 = arith.constant 2 : i32
        %scan3A_362 = arith.addi %scan3A_62, %scan3A_361 : i32
        %mul3A_363 = arith.constant 8 : i32
        %mul3A_364 = arith.muli %scan3A_362, %mul3A_363 : i32
        %get3A_365 = arith.index_cast %mul3A_364 : i32 to index
        %get3A_366 = arith.constant 0 : index
        %get3A_367 = vector.load %arg4[%get3A_365, %get3A_366] : memref<4096x128xf32, #tpu.memory_space<vmem>>, vector<8x128xf32>
        %get3A_368 = arith.index_cast %mul3A_364 : i32 to index
        %get3A_369 = arith.constant 0 : index
        %get3A_370 = vector.load %arg5[%get3A_368, %get3A_369] : memref<4096x128xf32, #tpu.memory_space<vmem>>, vector<8x128xf32>
        %get3A_371 = arith.index_cast %mul3A_364 : i32 to index
        %get3A_372 = arith.constant 0 : index
        %get3A_373 = vector.load %arg6[%get3A_371, %get3A_372] : memref<4096x128xf32, #tpu.memory_space<vmem>>, vector<8x128xf32>
        %slice3A_374 = vector.extract_strided_slice %get3A_41 {offsets = [0, 0], sizes = [8, 128], strides = [1, 1]} : vector<8x1536xf32> to vector<8x128xf32>
        %mul3A_375 = arith.mulf %get3A_367, %slice3A_374 : vector<8x128xf32>
        %slice3A_376 = vector.extract_strided_slice %get3A_46 {offsets = [0, 0], sizes = [8, 128], strides = [1, 1]} : vector<8x1536xf32> to vector<8x128xf32>
        %mul3A_377 = arith.mulf %get3A_370, %slice3A_376 : vector<8x128xf32>
        %slice3A_378 = vector.extract_strided_slice %get3A_51 {offsets = [0, 0], sizes = [8, 128], strides = [1, 1]} : vector<8x1536xf32> to vector<8x128xf32>
        %mul3A_379 = arith.mulf %get3A_373, %slice3A_378 : vector<8x128xf32>
        %slice3A_380 = vector.extract_strided_slice %get3A_56 {offsets = [0, 0], sizes = [8, 128], strides = [1, 1]} : vector<8x1536xf32> to vector<8x128xf32>
        %add3A_381 = arith.addf %mul3A_379, %slice3A_380 : vector<8x128xf32>
        %add3A_382 = arith.addf %mul3A_377, %add3A_381 : vector<8x128xf32>
        %add3A_383 = arith.addf %mul3A_375, %add3A_382 : vector<8x128xf32>
        %slice3A_384 = vector.extract_strided_slice %get3A_41 {offsets = [0, 128], sizes = [8, 128], strides = [1, 1]} : vector<8x1536xf32> to vector<8x128xf32>
        %mul3A_385 = arith.mulf %get3A_367, %slice3A_384 : vector<8x128xf32>
        %slice3A_386 = vector.extract_strided_slice %get3A_46 {offsets = [0, 128], sizes = [8, 128], strides = [1, 1]} : vector<8x1536xf32> to vector<8x128xf32>
        %mul3A_387 = arith.mulf %get3A_370, %slice3A_386 : vector<8x128xf32>
        %slice3A_388 = vector.extract_strided_slice %get3A_51 {offsets = [0, 128], sizes = [8, 128], strides = [1, 1]} : vector<8x1536xf32> to vector<8x128xf32>
        %mul3A_389 = arith.mulf %get3A_373, %slice3A_388 : vector<8x128xf32>
        %slice3A_390 = vector.extract_strided_slice %get3A_56 {offsets = [0, 128], sizes = [8, 128], strides = [1, 1]} : vector<8x1536xf32> to vector<8x128xf32>
        %add3A_391 = arith.addf %mul3A_389, %slice3A_390 : vector<8x128xf32>
        %add3A_392 = arith.addf %mul3A_387, %add3A_391 : vector<8x128xf32>
        %add3A_393 = arith.addf %mul3A_385, %add3A_392 : vector<8x128xf32>
        %max3A_394 = arith.maximumf %add3A_383, %add3A_393 : vector<8x128xf32>
        %slice3A_395 = vector.extract_strided_slice %get3A_41 {offsets = [0, 256], sizes = [8, 128], strides = [1, 1]} : vector<8x1536xf32> to vector<8x128xf32>
        %mul3A_396 = arith.mulf %get3A_367, %slice3A_395 : vector<8x128xf32>
        %slice3A_397 = vector.extract_strided_slice %get3A_46 {offsets = [0, 256], sizes = [8, 128], strides = [1, 1]} : vector<8x1536xf32> to vector<8x128xf32>
        %mul3A_398 = arith.mulf %get3A_370, %slice3A_397 : vector<8x128xf32>
        %slice3A_399 = vector.extract_strided_slice %get3A_51 {offsets = [0, 256], sizes = [8, 128], strides = [1, 1]} : vector<8x1536xf32> to vector<8x128xf32>
        %mul3A_400 = arith.mulf %get3A_373, %slice3A_399 : vector<8x128xf32>
        %slice3A_401 = vector.extract_strided_slice %get3A_56 {offsets = [0, 256], sizes = [8, 128], strides = [1, 1]} : vector<8x1536xf32> to vector<8x128xf32>
        %add3A_402 = arith.addf %mul3A_400, %slice3A_401 : vector<8x128xf32>
        %add3A_403 = arith.addf %mul3A_398, %add3A_402 : vector<8x128xf32>
        %add3A_404 = arith.addf %mul3A_396, %add3A_403 : vector<8x128xf32>
        %max3A_405 = arith.maximumf %max3A_394, %add3A_404 : vector<8x128xf32>
        %slice3A_406 = vector.extract_strided_slice %get3A_41 {offsets = [0, 384], sizes = [8, 128], strides = [1, 1]} : vector<8x1536xf32> to vector<8x128xf32>
        %mul3A_407 = arith.mulf %get3A_367, %slice3A_406 : vector<8x128xf32>
        %slice3A_408 = vector.extract_strided_slice %get3A_46 {offsets = [0, 384], sizes = [8, 128], strides = [1, 1]} : vector<8x1536xf32> to vector<8x128xf32>
        %mul3A_409 = arith.mulf %get3A_370, %slice3A_408 : vector<8x128xf32>
        %slice3A_410 = vector.extract_strided_slice %get3A_51 {offsets = [0, 384], sizes = [8, 128], strides = [1, 1]} : vector<8x1536xf32> to vector<8x128xf32>
        %mul3A_411 = arith.mulf %get3A_373, %slice3A_410 : vector<8x128xf32>
        %slice3A_412 = vector.extract_strided_slice %get3A_56 {offsets = [0, 384], sizes = [8, 128], strides = [1, 1]} : vector<8x1536xf32> to vector<8x128xf32>
        %add3A_413 = arith.addf %mul3A_411, %slice3A_412 : vector<8x128xf32>
        %add3A_414 = arith.addf %mul3A_409, %add3A_413 : vector<8x128xf32>
        %add3A_415 = arith.addf %mul3A_407, %add3A_414 : vector<8x128xf32>
        %max3A_416 = arith.maximumf %max3A_405, %add3A_415 : vector<8x128xf32>
        %slice3A_417 = vector.extract_strided_slice %get3A_41 {offsets = [0, 512], sizes = [8, 128], strides = [1, 1]} : vector<8x1536xf32> to vector<8x128xf32>
        %mul3A_418 = arith.mulf %get3A_367, %slice3A_417 : vector<8x128xf32>
        %slice3A_419 = vector.extract_strided_slice %get3A_46 {offsets = [0, 512], sizes = [8, 128], strides = [1, 1]} : vector<8x1536xf32> to vector<8x128xf32>
        %mul3A_420 = arith.mulf %get3A_370, %slice3A_419 : vector<8x128xf32>
        %slice3A_421 = vector.extract_strided_slice %get3A_51 {offsets = [0, 512], sizes = [8, 128], strides = [1, 1]} : vector<8x1536xf32> to vector<8x128xf32>
        %mul3A_422 = arith.mulf %get3A_373, %slice3A_421 : vector<8x128xf32>
        %slice3A_423 = vector.extract_strided_slice %get3A_56 {offsets = [0, 512], sizes = [8, 128], strides = [1, 1]} : vector<8x1536xf32> to vector<8x128xf32>
        %add3A_424 = arith.addf %mul3A_422, %slice3A_423 : vector<8x128xf32>
        %add3A_425 = arith.addf %mul3A_420, %add3A_424 : vector<8x128xf32>
        %add3A_426 = arith.addf %mul3A_418, %add3A_425 : vector<8x128xf32>
        %max3A_427 = arith.maximumf %max3A_416, %add3A_426 : vector<8x128xf32>
        %slice3A_428 = vector.extract_strided_slice %get3A_41 {offsets = [0, 640], sizes = [8, 128], strides = [1, 1]} : vector<8x1536xf32> to vector<8x128xf32>
        %mul3A_429 = arith.mulf %get3A_367, %slice3A_428 : vector<8x128xf32>
        %slice3A_430 = vector.extract_strided_slice %get3A_46 {offsets = [0, 640], sizes = [8, 128], strides = [1, 1]} : vector<8x1536xf32> to vector<8x128xf32>
        %mul3A_431 = arith.mulf %get3A_370, %slice3A_430 : vector<8x128xf32>
        %slice3A_432 = vector.extract_strided_slice %get3A_51 {offsets = [0, 640], sizes = [8, 128], strides = [1, 1]} : vector<8x1536xf32> to vector<8x128xf32>
        %mul3A_433 = arith.mulf %get3A_373, %slice3A_432 : vector<8x128xf32>
        %slice3A_434 = vector.extract_strided_slice %get3A_56 {offsets = [0, 640], sizes = [8, 128], strides = [1, 1]} : vector<8x1536xf32> to vector<8x128xf32>
        %add3A_435 = arith.addf %mul3A_433, %slice3A_434 : vector<8x128xf32>
        %add3A_436 = arith.addf %mul3A_431, %add3A_435 : vector<8x128xf32>
        %add3A_437 = arith.addf %mul3A_429, %add3A_436 : vector<8x128xf32>
        %max3A_438 = arith.maximumf %max3A_427, %add3A_437 : vector<8x128xf32>
        %slice3A_439 = vector.extract_strided_slice %get3A_41 {offsets = [0, 768], sizes = [8, 128], strides = [1, 1]} : vector<8x1536xf32> to vector<8x128xf32>
        %mul3A_440 = arith.mulf %get3A_367, %slice3A_439 : vector<8x128xf32>
        %slice3A_441 = vector.extract_strided_slice %get3A_46 {offsets = [0, 768], sizes = [8, 128], strides = [1, 1]} : vector<8x1536xf32> to vector<8x128xf32>
        %mul3A_442 = arith.mulf %get3A_370, %slice3A_441 : vector<8x128xf32>
        %slice3A_443 = vector.extract_strided_slice %get3A_51 {offsets = [0, 768], sizes = [8, 128], strides = [1, 1]} : vector<8x1536xf32> to vector<8x128xf32>
        %mul3A_444 = arith.mulf %get3A_373, %slice3A_443 : vector<8x128xf32>
        %slice3A_445 = vector.extract_strided_slice %get3A_56 {offsets = [0, 768], sizes = [8, 128], strides = [1, 1]} : vector<8x1536xf32> to vector<8x128xf32>
        %add3A_446 = arith.addf %mul3A_444, %slice3A_445 : vector<8x128xf32>
        %add3A_447 = arith.addf %mul3A_442, %add3A_446 : vector<8x128xf32>
        %add3A_448 = arith.addf %mul3A_440, %add3A_447 : vector<8x128xf32>
        %max3A_449 = arith.maximumf %max3A_438, %add3A_448 : vector<8x128xf32>
        %slice3A_450 = vector.extract_strided_slice %get3A_41 {offsets = [0, 896], sizes = [8, 128], strides = [1, 1]} : vector<8x1536xf32> to vector<8x128xf32>
        %mul3A_451 = arith.mulf %get3A_367, %slice3A_450 : vector<8x128xf32>
        %slice3A_452 = vector.extract_strided_slice %get3A_46 {offsets = [0, 896], sizes = [8, 128], strides = [1, 1]} : vector<8x1536xf32> to vector<8x128xf32>
        %mul3A_453 = arith.mulf %get3A_370, %slice3A_452 : vector<8x128xf32>
        %slice3A_454 = vector.extract_strided_slice %get3A_51 {offsets = [0, 896], sizes = [8, 128], strides = [1, 1]} : vector<8x1536xf32> to vector<8x128xf32>
        %mul3A_455 = arith.mulf %get3A_373, %slice3A_454 : vector<8x128xf32>
        %slice3A_456 = vector.extract_strided_slice %get3A_56 {offsets = [0, 896], sizes = [8, 128], strides = [1, 1]} : vector<8x1536xf32> to vector<8x128xf32>
        %add3A_457 = arith.addf %mul3A_455, %slice3A_456 : vector<8x128xf32>
        %add3A_458 = arith.addf %mul3A_453, %add3A_457 : vector<8x128xf32>
        %add3A_459 = arith.addf %mul3A_451, %add3A_458 : vector<8x128xf32>
        %max3A_460 = arith.maximumf %max3A_449, %add3A_459 : vector<8x128xf32>
        %slice3A_461 = vector.extract_strided_slice %get3A_41 {offsets = [0, 1024], sizes = [8, 128], strides = [1, 1]} : vector<8x1536xf32> to vector<8x128xf32>
        %mul3A_462 = arith.mulf %get3A_367, %slice3A_461 : vector<8x128xf32>
        %slice3A_463 = vector.extract_strided_slice %get3A_46 {offsets = [0, 1024], sizes = [8, 128], strides = [1, 1]} : vector<8x1536xf32> to vector<8x128xf32>
        %mul3A_464 = arith.mulf %get3A_370, %slice3A_463 : vector<8x128xf32>
        %slice3A_465 = vector.extract_strided_slice %get3A_51 {offsets = [0, 1024], sizes = [8, 128], strides = [1, 1]} : vector<8x1536xf32> to vector<8x128xf32>
        %mul3A_466 = arith.mulf %get3A_373, %slice3A_465 : vector<8x128xf32>
        %slice3A_467 = vector.extract_strided_slice %get3A_56 {offsets = [0, 1024], sizes = [8, 128], strides = [1, 1]} : vector<8x1536xf32> to vector<8x128xf32>
        %add3A_468 = arith.addf %mul3A_466, %slice3A_467 : vector<8x128xf32>
        %add3A_469 = arith.addf %mul3A_464, %add3A_468 : vector<8x128xf32>
        %add3A_470 = arith.addf %mul3A_462, %add3A_469 : vector<8x128xf32>
        %max3A_471 = arith.maximumf %max3A_460, %add3A_470 : vector<8x128xf32>
        %slice3A_472 = vector.extract_strided_slice %get3A_41 {offsets = [0, 1152], sizes = [8, 128], strides = [1, 1]} : vector<8x1536xf32> to vector<8x128xf32>
        %mul3A_473 = arith.mulf %get3A_367, %slice3A_472 : vector<8x128xf32>
        %slice3A_474 = vector.extract_strided_slice %get3A_46 {offsets = [0, 1152], sizes = [8, 128], strides = [1, 1]} : vector<8x1536xf32> to vector<8x128xf32>
        %mul3A_475 = arith.mulf %get3A_370, %slice3A_474 : vector<8x128xf32>
        %slice3A_476 = vector.extract_strided_slice %get3A_51 {offsets = [0, 1152], sizes = [8, 128], strides = [1, 1]} : vector<8x1536xf32> to vector<8x128xf32>
        %mul3A_477 = arith.mulf %get3A_373, %slice3A_476 : vector<8x128xf32>
        %slice3A_478 = vector.extract_strided_slice %get3A_56 {offsets = [0, 1152], sizes = [8, 128], strides = [1, 1]} : vector<8x1536xf32> to vector<8x128xf32>
        %add3A_479 = arith.addf %mul3A_477, %slice3A_478 : vector<8x128xf32>
        %add3A_480 = arith.addf %mul3A_475, %add3A_479 : vector<8x128xf32>
        %add3A_481 = arith.addf %mul3A_473, %add3A_480 : vector<8x128xf32>
        %max3A_482 = arith.maximumf %max3A_471, %add3A_481 : vector<8x128xf32>
        %slice3A_483 = vector.extract_strided_slice %get3A_41 {offsets = [0, 1280], sizes = [8, 128], strides = [1, 1]} : vector<8x1536xf32> to vector<8x128xf32>
        %mul3A_484 = arith.mulf %get3A_367, %slice3A_483 : vector<8x128xf32>
        %slice3A_485 = vector.extract_strided_slice %get3A_46 {offsets = [0, 1280], sizes = [8, 128], strides = [1, 1]} : vector<8x1536xf32> to vector<8x128xf32>
        %mul3A_486 = arith.mulf %get3A_370, %slice3A_485 : vector<8x128xf32>
        %slice3A_487 = vector.extract_strided_slice %get3A_51 {offsets = [0, 1280], sizes = [8, 128], strides = [1, 1]} : vector<8x1536xf32> to vector<8x128xf32>
        %mul3A_488 = arith.mulf %get3A_373, %slice3A_487 : vector<8x128xf32>
        %slice3A_489 = vector.extract_strided_slice %get3A_56 {offsets = [0, 1280], sizes = [8, 128], strides = [1, 1]} : vector<8x1536xf32> to vector<8x128xf32>
        %add3A_490 = arith.addf %mul3A_488, %slice3A_489 : vector<8x128xf32>
        %add3A_491 = arith.addf %mul3A_486, %add3A_490 : vector<8x128xf32>
        %add3A_492 = arith.addf %mul3A_484, %add3A_491 : vector<8x128xf32>
        %max3A_493 = arith.maximumf %max3A_482, %add3A_492 : vector<8x128xf32>
        %slice3A_494 = vector.extract_strided_slice %get3A_41 {offsets = [0, 1408], sizes = [8, 128], strides = [1, 1]} : vector<8x1536xf32> to vector<8x128xf32>
        %mul3A_495 = arith.mulf %get3A_367, %slice3A_494 : vector<8x128xf32>
        %slice3A_496 = vector.extract_strided_slice %get3A_46 {offsets = [0, 1408], sizes = [8, 128], strides = [1, 1]} : vector<8x1536xf32> to vector<8x128xf32>
        %mul3A_497 = arith.mulf %get3A_370, %slice3A_496 : vector<8x128xf32>
        %slice3A_498 = vector.extract_strided_slice %get3A_51 {offsets = [0, 1408], sizes = [8, 128], strides = [1, 1]} : vector<8x1536xf32> to vector<8x128xf32>
        %mul3A_499 = arith.mulf %get3A_373, %slice3A_498 : vector<8x128xf32>
        %slice3A_500 = vector.extract_strided_slice %get3A_56 {offsets = [0, 1408], sizes = [8, 128], strides = [1, 1]} : vector<8x1536xf32> to vector<8x128xf32>
        %add3A_501 = arith.addf %mul3A_499, %slice3A_500 : vector<8x128xf32>
        %add3A_502 = arith.addf %mul3A_497, %add3A_501 : vector<8x128xf32>
        %add3A_503 = arith.addf %mul3A_495, %add3A_502 : vector<8x128xf32>
        %max3A_504 = arith.maximumf %max3A_493, %add3A_503 : vector<8x128xf32>
        %get3A_505 = arith.index_cast %mul3A_364 : i32 to index
        %get3A_506 = arith.constant 0 : index
        %get3A_507 = vector.load %arg7[%get3A_505, %get3A_506] : memref<4096x128xf32, #tpu.memory_space<vmem>>, vector<8x128xf32>
        %max3A_508 = arith.maximumf %get3A_507, %max3A_504 : vector<8x128xf32>
        %swap3A_509 = arith.index_cast %mul3A_364 : i32 to index
        %swap3A_510 = arith.constant 0 : index
        %swap3A_511 = vector.load %arg7[%swap3A_509, %swap3A_510] : memref<4096x128xf32, #tpu.memory_space<vmem>>, vector<8x128xf32>
        tpu.vector_store %arg7[%swap3A_509, %swap3A_510], %max3A_508 {strides = array<i32>} : memref<4096x128xf32, #tpu.memory_space<vmem>>, vector<8x128xf32>,
        %scan3A_512 = arith.constant 3 : i32
        %scan3A_513 = arith.addi %scan3A_62, %scan3A_512 : i32
        %mul3A_514 = arith.constant 8 : i32
        %mul3A_515 = arith.muli %scan3A_513, %mul3A_514 : i32
        %get3A_516 = arith.index_cast %mul3A_515 : i32 to index
        %get3A_517 = arith.constant 0 : index
        %get3A_518 = vector.load %arg4[%get3A_516, %get3A_517] : memref<4096x128xf32, #tpu.memory_space<vmem>>, vector<8x128xf32>
        %get3A_519 = arith.index_cast %mul3A_515 : i32 to index
        %get3A_520 = arith.constant 0 : index
        %get3A_521 = vector.load %arg5[%get3A_519, %get3A_520] : memref<4096x128xf32, #tpu.memory_space<vmem>>, vector<8x128xf32>
        %get3A_522 = arith.index_cast %mul3A_515 : i32 to index
        %get3A_523 = arith.constant 0 : index
        %get3A_524 = vector.load %arg6[%get3A_522, %get3A_523] : memref<4096x128xf32, #tpu.memory_space<vmem>>, vector<8x128xf32>
        %slice3A_525 = vector.extract_strided_slice %get3A_41 {offsets = [0, 0], sizes = [8, 128], strides = [1, 1]} : vector<8x1536xf32> to vector<8x128xf32>
        %mul3A_526 = arith.mulf %get3A_518, %slice3A_525 : vector<8x128xf32>
        %slice3A_527 = vector.extract_strided_slice %get3A_46 {offsets = [0, 0], sizes = [8, 128], strides = [1, 1]} : vector<8x1536xf32> to vector<8x128xf32>
        %mul3A_528 = arith.mulf %get3A_521, %slice3A_527 : vector<8x128xf32>
        %slice3A_529 = vector.extract_strided_slice %get3A_51 {offsets = [0, 0], sizes = [8, 128], strides = [1, 1]} : vector<8x1536xf32> to vector<8x128xf32>
        %mul3A_530 = arith.mulf %get3A_524, %slice3A_529 : vector<8x128xf32>
        %slice3A_531 = vector.extract_strided_slice %get3A_56 {offsets = [0, 0], sizes = [8, 128], strides = [1, 1]} : vector<8x1536xf32> to vector<8x128xf32>
        %add3A_532 = arith.addf %mul3A_530, %slice3A_531 : vector<8x128xf32>
        %add3A_533 = arith.addf %mul3A_528, %add3A_532 : vector<8x128xf32>
        %add3A_534 = arith.addf %mul3A_526, %add3A_533 : vector<8x128xf32>
        %slice3A_535 = vector.extract_strided_slice %get3A_41 {offsets = [0, 128], sizes = [8, 128], strides = [1, 1]} : vector<8x1536xf32> to vector<8x128xf32>
        %mul3A_536 = arith.mulf %get3A_518, %slice3A_535 : vector<8x128xf32>
        %slice3A_537 = vector.extract_strided_slice %get3A_46 {offsets = [0, 128], sizes = [8, 128], strides = [1, 1]} : vector<8x1536xf32> to vector<8x128xf32>
        %mul3A_538 = arith.mulf %get3A_521, %slice3A_537 : vector<8x128xf32>
        %slice3A_539 = vector.extract_strided_slice %get3A_51 {offsets = [0, 128], sizes = [8, 128], strides = [1, 1]} : vector<8x1536xf32> to vector<8x128xf32>
        %mul3A_540 = arith.mulf %get3A_524, %slice3A_539 : vector<8x128xf32>
        %slice3A_541 = vector.extract_strided_slice %get3A_56 {offsets = [0, 128], sizes = [8, 128], strides = [1, 1]} : vector<8x1536xf32> to vector<8x128xf32>
        %add3A_542 = arith.addf %mul3A_540, %slice3A_541 : vector<8x128xf32>
        %add3A_543 = arith.addf %mul3A_538, %add3A_542 : vector<8x128xf32>
        %add3A_544 = arith.addf %mul3A_536, %add3A_543 : vector<8x128xf32>
        %max3A_545 = arith.maximumf %add3A_534, %add3A_544 : vector<8x128xf32>
        %slice3A_546 = vector.extract_strided_slice %get3A_41 {offsets = [0, 256], sizes = [8, 128], strides = [1, 1]} : vector<8x1536xf32> to vector<8x128xf32>
        %mul3A_547 = arith.mulf %get3A_518, %slice3A_546 : vector<8x128xf32>
        %slice3A_548 = vector.extract_strided_slice %get3A_46 {offsets = [0, 256], sizes = [8, 128], strides = [1, 1]} : vector<8x1536xf32> to vector<8x128xf32>
        %mul3A_549 = arith.mulf %get3A_521, %slice3A_548 : vector<8x128xf32>
        %slice3A_550 = vector.extract_strided_slice %get3A_51 {offsets = [0, 256], sizes = [8, 128], strides = [1, 1]} : vector<8x1536xf32> to vector<8x128xf32>
        %mul3A_551 = arith.mulf %get3A_524, %slice3A_550 : vector<8x128xf32>
        %slice3A_552 = vector.extract_strided_slice %get3A_56 {offsets = [0, 256], sizes = [8, 128], strides = [1, 1]} : vector<8x1536xf32> to vector<8x128xf32>
        %add3A_553 = arith.addf %mul3A_551, %slice3A_552 : vector<8x128xf32>
        %add3A_554 = arith.addf %mul3A_549, %add3A_553 : vector<8x128xf32>
        %add3A_555 = arith.addf %mul3A_547, %add3A_554 : vector<8x128xf32>
        %max3A_556 = arith.maximumf %max3A_545, %add3A_555 : vector<8x128xf32>
        %slice3A_557 = vector.extract_strided_slice %get3A_41 {offsets = [0, 384], sizes = [8, 128], strides = [1, 1]} : vector<8x1536xf32> to vector<8x128xf32>
        %mul3A_558 = arith.mulf %get3A_518, %slice3A_557 : vector<8x128xf32>
        %slice3A_559 = vector.extract_strided_slice %get3A_46 {offsets = [0, 384], sizes = [8, 128], strides = [1, 1]} : vector<8x1536xf32> to vector<8x128xf32>
        %mul3A_560 = arith.mulf %get3A_521, %slice3A_559 : vector<8x128xf32>
        %slice3A_561 = vector.extract_strided_slice %get3A_51 {offsets = [0, 384], sizes = [8, 128], strides = [1, 1]} : vector<8x1536xf32> to vector<8x128xf32>
        %mul3A_562 = arith.mulf %get3A_524, %slice3A_561 : vector<8x128xf32>
        %slice3A_563 = vector.extract_strided_slice %get3A_56 {offsets = [0, 384], sizes = [8, 128], strides = [1, 1]} : vector<8x1536xf32> to vector<8x128xf32>
        %add3A_564 = arith.addf %mul3A_562, %slice3A_563 : vector<8x128xf32>
        %add3A_565 = arith.addf %mul3A_560, %add3A_564 : vector<8x128xf32>
        %add3A_566 = arith.addf %mul3A_558, %add3A_565 : vector<8x128xf32>
        %max3A_567 = arith.maximumf %max3A_556, %add3A_566 : vector<8x128xf32>
        %slice3A_568 = vector.extract_strided_slice %get3A_41 {offsets = [0, 512], sizes = [8, 128], strides = [1, 1]} : vector<8x1536xf32> to vector<8x128xf32>
        %mul3A_569 = arith.mulf %get3A_518, %slice3A_568 : vector<8x128xf32>
        %slice3A_570 = vector.extract_strided_slice %get3A_46 {offsets = [0, 512], sizes = [8, 128], strides = [1, 1]} : vector<8x1536xf32> to vector<8x128xf32>
        %mul3A_571 = arith.mulf %get3A_521, %slice3A_570 : vector<8x128xf32>
        %slice3A_572 = vector.extract_strided_slice %get3A_51 {offsets = [0, 512], sizes = [8, 128], strides = [1, 1]} : vector<8x1536xf32> to vector<8x128xf32>
        %mul3A_573 = arith.mulf %get3A_524, %slice3A_572 : vector<8x128xf32>
        %slice3A_574 = vector.extract_strided_slice %get3A_56 {offsets = [0, 512], sizes = [8, 128], strides = [1, 1]} : vector<8x1536xf32> to vector<8x128xf32>
        %add3A_575 = arith.addf %mul3A_573, %slice3A_574 : vector<8x128xf32>
        %add3A_576 = arith.addf %mul3A_571, %add3A_575 : vector<8x128xf32>
        %add3A_577 = arith.addf %mul3A_569, %add3A_576 : vector<8x128xf32>
        %max3A_578 = arith.maximumf %max3A_567, %add3A_577 : vector<8x128xf32>
        %slice3A_579 = vector.extract_strided_slice %get3A_41 {offsets = [0, 640], sizes = [8, 128], strides = [1, 1]} : vector<8x1536xf32> to vector<8x128xf32>
        %mul3A_580 = arith.mulf %get3A_518, %slice3A_579 : vector<8x128xf32>
        %slice3A_581 = vector.extract_strided_slice %get3A_46 {offsets = [0, 640], sizes = [8, 128], strides = [1, 1]} : vector<8x1536xf32> to vector<8x128xf32>
        %mul3A_582 = arith.mulf %get3A_521, %slice3A_581 : vector<8x128xf32>
        %slice3A_583 = vector.extract_strided_slice %get3A_51 {offsets = [0, 640], sizes = [8, 128], strides = [1, 1]} : vector<8x1536xf32> to vector<8x128xf32>
        %mul3A_584 = arith.mulf %get3A_524, %slice3A_583 : vector<8x128xf32>
        %slice3A_585 = vector.extract_strided_slice %get3A_56 {offsets = [0, 640], sizes = [8, 128], strides = [1, 1]} : vector<8x1536xf32> to vector<8x128xf32>
        %add3A_586 = arith.addf %mul3A_584, %slice3A_585 : vector<8x128xf32>
        %add3A_587 = arith.addf %mul3A_582, %add3A_586 : vector<8x128xf32>
        %add3A_588 = arith.addf %mul3A_580, %add3A_587 : vector<8x128xf32>
        %max3A_589 = arith.maximumf %max3A_578, %add3A_588 : vector<8x128xf32>
        %slice3A_590 = vector.extract_strided_slice %get3A_41 {offsets = [0, 768], sizes = [8, 128], strides = [1, 1]} : vector<8x1536xf32> to vector<8x128xf32>
        %mul3A_591 = arith.mulf %get3A_518, %slice3A_590 : vector<8x128xf32>
        %slice3A_592 = vector.extract_strided_slice %get3A_46 {offsets = [0, 768], sizes = [8, 128], strides = [1, 1]} : vector<8x1536xf32> to vector<8x128xf32>
        %mul3A_593 = arith.mulf %get3A_521, %slice3A_592 : vector<8x128xf32>
        %slice3A_594 = vector.extract_strided_slice %get3A_51 {offsets = [0, 768], sizes = [8, 128], strides = [1, 1]} : vector<8x1536xf32> to vector<8x128xf32>
        %mul3A_595 = arith.mulf %get3A_524, %slice3A_594 : vector<8x128xf32>
        %slice3A_596 = vector.extract_strided_slice %get3A_56 {offsets = [0, 768], sizes = [8, 128], strides = [1, 1]} : vector<8x1536xf32> to vector<8x128xf32>
        %add3A_597 = arith.addf %mul3A_595, %slice3A_596 : vector<8x128xf32>
        %add3A_598 = arith.addf %mul3A_593, %add3A_597 : vector<8x128xf32>
        %add3A_599 = arith.addf %mul3A_591, %add3A_598 : vector<8x128xf32>
        %max3A_600 = arith.maximumf %max3A_589, %add3A_599 : vector<8x128xf32>
        %slice3A_601 = vector.extract_strided_slice %get3A_41 {offsets = [0, 896], sizes = [8, 128], strides = [1, 1]} : vector<8x1536xf32> to vector<8x128xf32>
        %mul3A_602 = arith.mulf %get3A_518, %slice3A_601 : vector<8x128xf32>
        %slice3A_603 = vector.extract_strided_slice %get3A_46 {offsets = [0, 896], sizes = [8, 128], strides = [1, 1]} : vector<8x1536xf32> to vector<8x128xf32>
        %mul3A_604 = arith.mulf %get3A_521, %slice3A_603 : vector<8x128xf32>
        %slice3A_605 = vector.extract_strided_slice %get3A_51 {offsets = [0, 896], sizes = [8, 128], strides = [1, 1]} : vector<8x1536xf32> to vector<8x128xf32>
        %mul3A_606 = arith.mulf %get3A_524, %slice3A_605 : vector<8x128xf32>
        %slice3A_607 = vector.extract_strided_slice %get3A_56 {offsets = [0, 896], sizes = [8, 128], strides = [1, 1]} : vector<8x1536xf32> to vector<8x128xf32>
        %add3A_608 = arith.addf %mul3A_606, %slice3A_607 : vector<8x128xf32>
        %add3A_609 = arith.addf %mul3A_604, %add3A_608 : vector<8x128xf32>
        %add3A_610 = arith.addf %mul3A_602, %add3A_609 : vector<8x128xf32>
        %max3A_611 = arith.maximumf %max3A_600, %add3A_610 : vector<8x128xf32>
        %slice3A_612 = vector.extract_strided_slice %get3A_41 {offsets = [0, 1024], sizes = [8, 128], strides = [1, 1]} : vector<8x1536xf32> to vector<8x128xf32>
        %mul3A_613 = arith.mulf %get3A_518, %slice3A_612 : vector<8x128xf32>
        %slice3A_614 = vector.extract_strided_slice %get3A_46 {offsets = [0, 1024], sizes = [8, 128], strides = [1, 1]} : vector<8x1536xf32> to vector<8x128xf32>
        %mul3A_615 = arith.mulf %get3A_521, %slice3A_614 : vector<8x128xf32>
        %slice3A_616 = vector.extract_strided_slice %get3A_51 {offsets = [0, 1024], sizes = [8, 128], strides = [1, 1]} : vector<8x1536xf32> to vector<8x128xf32>
        %mul3A_617 = arith.mulf %get3A_524, %slice3A_616 : vector<8x128xf32>
        %slice3A_618 = vector.extract_strided_slice %get3A_56 {offsets = [0, 1024], sizes = [8, 128], strides = [1, 1]} : vector<8x1536xf32> to vector<8x128xf32>
        %add3A_619 = arith.addf %mul3A_617, %slice3A_618 : vector<8x128xf32>
        %add3A_620 = arith.addf %mul3A_615, %add3A_619 : vector<8x128xf32>
        %add3A_621 = arith.addf %mul3A_613, %add3A_620 : vector<8x128xf32>
        %max3A_622 = arith.maximumf %max3A_611, %add3A_621 : vector<8x128xf32>
        %slice3A_623 = vector.extract_strided_slice %get3A_41 {offsets = [0, 1152], sizes = [8, 128], strides = [1, 1]} : vector<8x1536xf32> to vector<8x128xf32>
        %mul3A_624 = arith.mulf %get3A_518, %slice3A_623 : vector<8x128xf32>
        %slice3A_625 = vector.extract_strided_slice %get3A_46 {offsets = [0, 1152], sizes = [8, 128], strides = [1, 1]} : vector<8x1536xf32> to vector<8x128xf32>
        %mul3A_626 = arith.mulf %get3A_521, %slice3A_625 : vector<8x128xf32>
        %slice3A_627 = vector.extract_strided_slice %get3A_51 {offsets = [0, 1152], sizes = [8, 128], strides = [1, 1]} : vector<8x1536xf32> to vector<8x128xf32>
        %mul3A_628 = arith.mulf %get3A_524, %slice3A_627 : vector<8x128xf32>
        %slice3A_629 = vector.extract_strided_slice %get3A_56 {offsets = [0, 1152], sizes = [8, 128], strides = [1, 1]} : vector<8x1536xf32> to vector<8x128xf32>
        %add3A_630 = arith.addf %mul3A_628, %slice3A_629 : vector<8x128xf32>
        %add3A_631 = arith.addf %mul3A_626, %add3A_630 : vector<8x128xf32>
        %add3A_632 = arith.addf %mul3A_624, %add3A_631 : vector<8x128xf32>
        %max3A_633 = arith.maximumf %max3A_622, %add3A_632 : vector<8x128xf32>
        %slice3A_634 = vector.extract_strided_slice %get3A_41 {offsets = [0, 1280], sizes = [8, 128], strides = [1, 1]} : vector<8x1536xf32> to vector<8x128xf32>
        %mul3A_635 = arith.mulf %get3A_518, %slice3A_634 : vector<8x128xf32>
        %slice3A_636 = vector.extract_strided_slice %get3A_46 {offsets = [0, 1280], sizes = [8, 128], strides = [1, 1]} : vector<8x1536xf32> to vector<8x128xf32>
        %mul3A_637 = arith.mulf %get3A_521, %slice3A_636 : vector<8x128xf32>
        %slice3A_638 = vector.extract_strided_slice %get3A_51 {offsets = [0, 1280], sizes = [8, 128], strides = [1, 1]} : vector<8x1536xf32> to vector<8x128xf32>
        %mul3A_639 = arith.mulf %get3A_524, %slice3A_638 : vector<8x128xf32>
        %slice3A_640 = vector.extract_strided_slice %get3A_56 {offsets = [0, 1280], sizes = [8, 128], strides = [1, 1]} : vector<8x1536xf32> to vector<8x128xf32>
        %add3A_641 = arith.addf %mul3A_639, %slice3A_640 : vector<8x128xf32>
        %add3A_642 = arith.addf %mul3A_637, %add3A_641 : vector<8x128xf32>
        %add3A_643 = arith.addf %mul3A_635, %add3A_642 : vector<8x128xf32>
        %max3A_644 = arith.maximumf %max3A_633, %add3A_643 : vector<8x128xf32>
        %slice3A_645 = vector.extract_strided_slice %get3A_41 {offsets = [0, 1408], sizes = [8, 128], strides = [1, 1]} : vector<8x1536xf32> to vector<8x128xf32>
        %mul3A_646 = arith.mulf %get3A_518, %slice3A_645 : vector<8x128xf32>
        %slice3A_647 = vector.extract_strided_slice %get3A_46 {offsets = [0, 1408], sizes = [8, 128], strides = [1, 1]} : vector<8x1536xf32> to vector<8x128xf32>
        %mul3A_648 = arith.mulf %get3A_521, %slice3A_647 : vector<8x128xf32>
        %slice3A_649 = vector.extract_strided_slice %get3A_51 {offsets = [0, 1408], sizes = [8, 128], strides = [1, 1]} : vector<8x1536xf32> to vector<8x128xf32>
        %mul3A_650 = arith.mulf %get3A_524, %slice3A_649 : vector<8x128xf32>
        %slice3A_651 = vector.extract_strided_slice %get3A_56 {offsets = [0, 1408], sizes = [8, 128], strides = [1, 1]} : vector<8x1536xf32> to vector<8x128xf32>
        %add3A_652 = arith.addf %mul3A_650, %slice3A_651 : vector<8x128xf32>
        %add3A_653 = arith.addf %mul3A_648, %add3A_652 : vector<8x128xf32>
        %add3A_654 = arith.addf %mul3A_646, %add3A_653 : vector<8x128xf32>
        %max3A_655 = arith.maximumf %max3A_644, %add3A_654 : vector<8x128xf32>
        %get3A_656 = arith.index_cast %mul3A_515 : i32 to index
        %get3A_657 = arith.constant 0 : index
        %get3A_658 = vector.load %arg7[%get3A_656, %get3A_657] : memref<4096x128xf32, #tpu.memory_space<vmem>>, vector<8x128xf32>
        %max3A_659 = arith.maximumf %get3A_658, %max3A_655 : vector<8x128xf32>
        %swap3A_660 = arith.index_cast %mul3A_515 : i32 to index
        %swap3A_661 = arith.constant 0 : index
        %swap3A_662 = vector.load %arg7[%swap3A_660, %swap3A_661] : memref<4096x128xf32, #tpu.memory_space<vmem>>, vector<8x128xf32>
        tpu.vector_store %arg7[%swap3A_660, %swap3A_661], %max3A_659 {strides = array<i32>} : memref<4096x128xf32, #tpu.memory_space<vmem>>, vector<8x128xf32>,
        %scan3A_663 = arith.constant 4 : i32
        %scan3A_664 = arith.addi %scan3A_62, %scan3A_663 : i32
        %mul3A_665 = arith.constant 8 : i32
        %mul3A_666 = arith.muli %scan3A_664, %mul3A_665 : i32
        %get3A_667 = arith.index_cast %mul3A_666 : i32 to index
        %get3A_668 = arith.constant 0 : index
        %get3A_669 = vector.load %arg4[%get3A_667, %get3A_668] : memref<4096x128xf32, #tpu.memory_space<vmem>>, vector<8x128xf32>
        %get3A_670 = arith.index_cast %mul3A_666 : i32 to index
        %get3A_671 = arith.constant 0 : index
        %get3A_672 = vector.load %arg5[%get3A_670, %get3A_671] : memref<4096x128xf32, #tpu.memory_space<vmem>>, vector<8x128xf32>
        %get3A_673 = arith.index_cast %mul3A_666 : i32 to index
        %get3A_674 = arith.constant 0 : index
        %get3A_675 = vector.load %arg6[%get3A_673, %get3A_674] : memref<4096x128xf32, #tpu.memory_space<vmem>>, vector<8x128xf32>
        %slice3A_676 = vector.extract_strided_slice %get3A_41 {offsets = [0, 0], sizes = [8, 128], strides = [1, 1]} : vector<8x1536xf32> to vector<8x128xf32>
        %mul3A_677 = arith.mulf %get3A_669, %slice3A_676 : vector<8x128xf32>
        %slice3A_678 = vector.extract_strided_slice %get3A_46 {offsets = [0, 0], sizes = [8, 128], strides = [1, 1]} : vector<8x1536xf32> to vector<8x128xf32>
        %mul3A_679 = arith.mulf %get3A_672, %slice3A_678 : vector<8x128xf32>
        %slice3A_680 = vector.extract_strided_slice %get3A_51 {offsets = [0, 0], sizes = [8, 128], strides = [1, 1]} : vector<8x1536xf32> to vector<8x128xf32>
        %mul3A_681 = arith.mulf %get3A_675, %slice3A_680 : vector<8x128xf32>
        %slice3A_682 = vector.extract_strided_slice %get3A_56 {offsets = [0, 0], sizes = [8, 128], strides = [1, 1]} : vector<8x1536xf32> to vector<8x128xf32>
        %add3A_683 = arith.addf %mul3A_681, %slice3A_682 : vector<8x128xf32>
        %add3A_684 = arith.addf %mul3A_679, %add3A_683 : vector<8x128xf32>
        %add3A_685 = arith.addf %mul3A_677, %add3A_684 : vector<8x128xf32>
        %slice3A_686 = vector.extract_strided_slice %get3A_41 {offsets = [0, 128], sizes = [8, 128], strides = [1, 1]} : vector<8x1536xf32> to vector<8x128xf32>
        %mul3A_687 = arith.mulf %get3A_669, %slice3A_686 : vector<8x128xf32>
        %slice3A_688 = vector.extract_strided_slice %get3A_46 {offsets = [0, 128], sizes = [8, 128], strides = [1, 1]} : vector<8x1536xf32> to vector<8x128xf32>
        %mul3A_689 = arith.mulf %get3A_672, %slice3A_688 : vector<8x128xf32>
        %slice3A_690 = vector.extract_strided_slice %get3A_51 {offsets = [0, 128], sizes = [8, 128], strides = [1, 1]} : vector<8x1536xf32> to vector<8x128xf32>
        %mul3A_691 = arith.mulf %get3A_675, %slice3A_690 : vector<8x128xf32>
        %slice3A_692 = vector.extract_strided_slice %get3A_56 {offsets = [0, 128], sizes = [8, 128], strides = [1, 1]} : vector<8x1536xf32> to vector<8x128xf32>
        %add3A_693 = arith.addf %mul3A_691, %slice3A_692 : vector<8x128xf32>
        %add3A_694 = arith.addf %mul3A_689, %add3A_693 : vector<8x128xf32>
        %add3A_695 = arith.addf %mul3A_687, %add3A_694 : vector<8x128xf32>
        %max3A_696 = arith.maximumf %add3A_685, %add3A_695 : vector<8x128xf32>
        %slice3A_697 = vector.extract_strided_slice %get3A_41 {offsets = [0, 256], sizes = [8, 128], strides = [1, 1]} : vector<8x1536xf32> to vector<8x128xf32>
        %mul3A_698 = arith.mulf %get3A_669, %slice3A_697 : vector<8x128xf32>
        %slice3A_699 = vector.extract_strided_slice %get3A_46 {offsets = [0, 256], sizes = [8, 128], strides = [1, 1]} : vector<8x1536xf32> to vector<8x128xf32>
        %mul3A_700 = arith.mulf %get3A_672, %slice3A_699 : vector<8x128xf32>
        %slice3A_701 = vector.extract_strided_slice %get3A_51 {offsets = [0, 256], sizes = [8, 128], strides = [1, 1]} : vector<8x1536xf32> to vector<8x128xf32>
        %mul3A_702 = arith.mulf %get3A_675, %slice3A_701 : vector<8x128xf32>
        %slice3A_703 = vector.extract_strided_slice %get3A_56 {offsets = [0, 256], sizes = [8, 128], strides = [1, 1]} : vector<8x1536xf32> to vector<8x128xf32>
        %add3A_704 = arith.addf %mul3A_702, %slice3A_703 : vector<8x128xf32>
        %add3A_705 = arith.addf %mul3A_700, %add3A_704 : vector<8x128xf32>
        %add3A_706 = arith.addf %mul3A_698, %add3A_705 : vector<8x128xf32>
        %max3A_707 = arith.maximumf %max3A_696, %add3A_706 : vector<8x128xf32>
        %slice3A_708 = vector.extract_strided_slice %get3A_41 {offsets = [0, 384], sizes = [8, 128], strides = [1, 1]} : vector<8x1536xf32> to vector<8x128xf32>
        %mul3A_709 = arith.mulf %get3A_669, %slice3A_708 : vector<8x128xf32>
        %slice3A_710 = vector.extract_strided_slice %get3A_46 {offsets = [0, 384], sizes = [8, 128], strides = [1, 1]} : vector<8x1536xf32> to vector<8x128xf32>
        %mul3A_711 = arith.mulf %get3A_672, %slice3A_710 : vector<8x128xf32>
        %slice3A_712 = vector.extract_strided_slice %get3A_51 {offsets = [0, 384], sizes = [8, 128], strides = [1, 1]} : vector<8x1536xf32> to vector<8x128xf32>
        %mul3A_713 = arith.mulf %get3A_675, %slice3A_712 : vector<8x128xf32>
        %slice3A_714 = vector.extract_strided_slice %get3A_56 {offsets = [0, 384], sizes = [8, 128], strides = [1, 1]} : vector<8x1536xf32> to vector<8x128xf32>
        %add3A_715 = arith.addf %mul3A_713, %slice3A_714 : vector<8x128xf32>
        %add3A_716 = arith.addf %mul3A_711, %add3A_715 : vector<8x128xf32>
        %add3A_717 = arith.addf %mul3A_709, %add3A_716 : vector<8x128xf32>
        %max3A_718 = arith.maximumf %max3A_707, %add3A_717 : vector<8x128xf32>
        %slice3A_719 = vector.extract_strided_slice %get3A_41 {offsets = [0, 512], sizes = [8, 128], strides = [1, 1]} : vector<8x1536xf32> to vector<8x128xf32>
        %mul3A_720 = arith.mulf %get3A_669, %slice3A_719 : vector<8x128xf32>
        %slice3A_721 = vector.extract_strided_slice %get3A_46 {offsets = [0, 512], sizes = [8, 128], strides = [1, 1]} : vector<8x1536xf32> to vector<8x128xf32>
        %mul3A_722 = arith.mulf %get3A_672, %slice3A_721 : vector<8x128xf32>
        %slice3A_723 = vector.extract_strided_slice %get3A_51 {offsets = [0, 512], sizes = [8, 128], strides = [1, 1]} : vector<8x1536xf32> to vector<8x128xf32>
        %mul3A_724 = arith.mulf %get3A_675, %slice3A_723 : vector<8x128xf32>
        %slice3A_725 = vector.extract_strided_slice %get3A_56 {offsets = [0, 512], sizes = [8, 128], strides = [1, 1]} : vector<8x1536xf32> to vector<8x128xf32>
        %add3A_726 = arith.addf %mul3A_724, %slice3A_725 : vector<8x128xf32>
        %add3A_727 = arith.addf %mul3A_722, %add3A_726 : vector<8x128xf32>
        %add3A_728 = arith.addf %mul3A_720, %add3A_727 : vector<8x128xf32>
        %max3A_729 = arith.maximumf %max3A_718, %add3A_728 : vector<8x128xf32>
        %slice3A_730 = vector.extract_strided_slice %get3A_41 {offsets = [0, 640], sizes = [8, 128], strides = [1, 1]} : vector<8x1536xf32> to vector<8x128xf32>
        %mul3A_731 = arith.mulf %get3A_669, %slice3A_730 : vector<8x128xf32>
        %slice3A_732 = vector.extract_strided_slice %get3A_46 {offsets = [0, 640], sizes = [8, 128], strides = [1, 1]} : vector<8x1536xf32> to vector<8x128xf32>
        %mul3A_733 = arith.mulf %get3A_672, %slice3A_732 : vector<8x128xf32>
        %slice3A_734 = vector.extract_strided_slice %get3A_51 {offsets = [0, 640], sizes = [8, 128], strides = [1, 1]} : vector<8x1536xf32> to vector<8x128xf32>
        %mul3A_735 = arith.mulf %get3A_675, %slice3A_734 : vector<8x128xf32>
        %slice3A_736 = vector.extract_strided_slice %get3A_56 {offsets = [0, 640], sizes = [8, 128], strides = [1, 1]} : vector<8x1536xf32> to vector<8x128xf32>
        %add3A_737 = arith.addf %mul3A_735, %slice3A_736 : vector<8x128xf32>
        %add3A_738 = arith.addf %mul3A_733, %add3A_737 : vector<8x128xf32>
        %add3A_739 = arith.addf %mul3A_731, %add3A_738 : vector<8x128xf32>
        %max3A_740 = arith.maximumf %max3A_729, %add3A_739 : vector<8x128xf32>
        %slice3A_741 = vector.extract_strided_slice %get3A_41 {offsets = [0, 768], sizes = [8, 128], strides = [1, 1]} : vector<8x1536xf32> to vector<8x128xf32>
        %mul3A_742 = arith.mulf %get3A_669, %slice3A_741 : vector<8x128xf32>
        %slice3A_743 = vector.extract_strided_slice %get3A_46 {offsets = [0, 768], sizes = [8, 128], strides = [1, 1]} : vector<8x1536xf32> to vector<8x128xf32>
        %mul3A_744 = arith.mulf %get3A_672, %slice3A_743 : vector<8x128xf32>
        %slice3A_745 = vector.extract_strided_slice %get3A_51 {offsets = [0, 768], sizes = [8, 128], strides = [1, 1]} : vector<8x1536xf32> to vector<8x128xf32>
        %mul3A_746 = arith.mulf %get3A_675, %slice3A_745 : vector<8x128xf32>
        %slice3A_747 = vector.extract_strided_slice %get3A_56 {offsets = [0, 768], sizes = [8, 128], strides = [1, 1]} : vector<8x1536xf32> to vector<8x128xf32>
        %add3A_748 = arith.addf %mul3A_746, %slice3A_747 : vector<8x128xf32>
        %add3A_749 = arith.addf %mul3A_744, %add3A_748 : vector<8x128xf32>
        %add3A_750 = arith.addf %mul3A_742, %add3A_749 : vector<8x128xf32>
        %max3A_751 = arith.maximumf %max3A_740, %add3A_750 : vector<8x128xf32>
        %slice3A_752 = vector.extract_strided_slice %get3A_41 {offsets = [0, 896], sizes = [8, 128], strides = [1, 1]} : vector<8x1536xf32> to vector<8x128xf32>
        %mul3A_753 = arith.mulf %get3A_669, %slice3A_752 : vector<8x128xf32>
        %slice3A_754 = vector.extract_strided_slice %get3A_46 {offsets = [0, 896], sizes = [8, 128], strides = [1, 1]} : vector<8x1536xf32> to vector<8x128xf32>
        %mul3A_755 = arith.mulf %get3A_672, %slice3A_754 : vector<8x128xf32>
        %slice3A_756 = vector.extract_strided_slice %get3A_51 {offsets = [0, 896], sizes = [8, 128], strides = [1, 1]} : vector<8x1536xf32> to vector<8x128xf32>
        %mul3A_757 = arith.mulf %get3A_675, %slice3A_756 : vector<8x128xf32>
        %slice3A_758 = vector.extract_strided_slice %get3A_56 {offsets = [0, 896], sizes = [8, 128], strides = [1, 1]} : vector<8x1536xf32> to vector<8x128xf32>
        %add3A_759 = arith.addf %mul3A_757, %slice3A_758 : vector<8x128xf32>
        %add3A_760 = arith.addf %mul3A_755, %add3A_759 : vector<8x128xf32>
        %add3A_761 = arith.addf %mul3A_753, %add3A_760 : vector<8x128xf32>
        %max3A_762 = arith.maximumf %max3A_751, %add3A_761 : vector<8x128xf32>
        %slice3A_763 = vector.extract_strided_slice %get3A_41 {offsets = [0, 1024], sizes = [8, 128], strides = [1, 1]} : vector<8x1536xf32> to vector<8x128xf32>
        %mul3A_764 = arith.mulf %get3A_669, %slice3A_763 : vector<8x128xf32>
        %slice3A_765 = vector.extract_strided_slice %get3A_46 {offsets = [0, 1024], sizes = [8, 128], strides = [1, 1]} : vector<8x1536xf32> to vector<8x128xf32>
        %mul3A_766 = arith.mulf %get3A_672, %slice3A_765 : vector<8x128xf32>
        %slice3A_767 = vector.extract_strided_slice %get3A_51 {offsets = [0, 1024], sizes = [8, 128], strides = [1, 1]} : vector<8x1536xf32> to vector<8x128xf32>
        %mul3A_768 = arith.mulf %get3A_675, %slice3A_767 : vector<8x128xf32>
        %slice3A_769 = vector.extract_strided_slice %get3A_56 {offsets = [0, 1024], sizes = [8, 128], strides = [1, 1]} : vector<8x1536xf32> to vector<8x128xf32>
        %add3A_770 = arith.addf %mul3A_768, %slice3A_769 : vector<8x128xf32>
        %add3A_771 = arith.addf %mul3A_766, %add3A_770 : vector<8x128xf32>
        %add3A_772 = arith.addf %mul3A_764, %add3A_771 : vector<8x128xf32>
        %max3A_773 = arith.maximumf %max3A_762, %add3A_772 : vector<8x128xf32>
        %slice3A_774 = vector.extract_strided_slice %get3A_41 {offsets = [0, 1152], sizes = [8, 128], strides = [1, 1]} : vector<8x1536xf32> to vector<8x128xf32>
        %mul3A_775 = arith.mulf %get3A_669, %slice3A_774 : vector<8x128xf32>
        %slice3A_776 = vector.extract_strided_slice %get3A_46 {offsets = [0, 1152], sizes = [8, 128], strides = [1, 1]} : vector<8x1536xf32> to vector<8x128xf32>
        %mul3A_777 = arith.mulf %get3A_672, %slice3A_776 : vector<8x128xf32>
        %slice3A_778 = vector.extract_strided_slice %get3A_51 {offsets = [0, 1152], sizes = [8, 128], strides = [1, 1]} : vector<8x1536xf32> to vector<8x128xf32>
        %mul3A_779 = arith.mulf %get3A_675, %slice3A_778 : vector<8x128xf32>
        %slice3A_780 = vector.extract_strided_slice %get3A_56 {offsets = [0, 1152], sizes = [8, 128], strides = [1, 1]} : vector<8x1536xf32> to vector<8x128xf32>
        %add3A_781 = arith.addf %mul3A_779, %slice3A_780 : vector<8x128xf32>
        %add3A_782 = arith.addf %mul3A_777, %add3A_781 : vector<8x128xf32>
        %add3A_783 = arith.addf %mul3A_775, %add3A_782 : vector<8x128xf32>
        %max3A_784 = arith.maximumf %max3A_773, %add3A_783 : vector<8x128xf32>
        %slice3A_785 = vector.extract_strided_slice %get3A_41 {offsets = [0, 1280], sizes = [8, 128], strides = [1, 1]} : vector<8x1536xf32> to vector<8x128xf32>
        %mul3A_786 = arith.mulf %get3A_669, %slice3A_785 : vector<8x128xf32>
        %slice3A_787 = vector.extract_strided_slice %get3A_46 {offsets = [0, 1280], sizes = [8, 128], strides = [1, 1]} : vector<8x1536xf32> to vector<8x128xf32>
        %mul3A_788 = arith.mulf %get3A_672, %slice3A_787 : vector<8x128xf32>
        %slice3A_789 = vector.extract_strided_slice %get3A_51 {offsets = [0, 1280], sizes = [8, 128], strides = [1, 1]} : vector<8x1536xf32> to vector<8x128xf32>
        %mul3A_790 = arith.mulf %get3A_675, %slice3A_789 : vector<8x128xf32>
        %slice3A_791 = vector.extract_strided_slice %get3A_56 {offsets = [0, 1280], sizes = [8, 128], strides = [1, 1]} : vector<8x1536xf32> to vector<8x128xf32>
        %add3A_792 = arith.addf %mul3A_790, %slice3A_791 : vector<8x128xf32>
        %add3A_793 = arith.addf %mul3A_788, %add3A_792 : vector<8x128xf32>
        %add3A_794 = arith.addf %mul3A_786, %add3A_793 : vector<8x128xf32>
        %max3A_795 = arith.maximumf %max3A_784, %add3A_794 : vector<8x128xf32>
        %slice3A_796 = vector.extract_strided_slice %get3A_41 {offsets = [0, 1408], sizes = [8, 128], strides = [1, 1]} : vector<8x1536xf32> to vector<8x128xf32>
        %mul3A_797 = arith.mulf %get3A_669, %slice3A_796 : vector<8x128xf32>
        %slice3A_798 = vector.extract_strided_slice %get3A_46 {offsets = [0, 1408], sizes = [8, 128], strides = [1, 1]} : vector<8x1536xf32> to vector<8x128xf32>
        %mul3A_799 = arith.mulf %get3A_672, %slice3A_798 : vector<8x128xf32>
        %slice3A_800 = vector.extract_strided_slice %get3A_51 {offsets = [0, 1408], sizes = [8, 128], strides = [1, 1]} : vector<8x1536xf32> to vector<8x128xf32>
        %mul3A_801 = arith.mulf %get3A_675, %slice3A_800 : vector<8x128xf32>
        %slice3A_802 = vector.extract_strided_slice %get3A_56 {offsets = [0, 1408], sizes = [8, 128], strides = [1, 1]} : vector<8x1536xf32> to vector<8x128xf32>
        %add3A_803 = arith.addf %mul3A_801, %slice3A_802 : vector<8x128xf32>
        %add3A_804 = arith.addf %mul3A_799, %add3A_803 : vector<8x128xf32>
        %add3A_805 = arith.addf %mul3A_797, %add3A_804 : vector<8x128xf32>
        %max3A_806 = arith.maximumf %max3A_795, %add3A_805 : vector<8x128xf32>
        %get3A_807 = arith.index_cast %mul3A_666 : i32 to index
        %get3A_808 = arith.constant 0 : index
        %get3A_809 = vector.load %arg7[%get3A_807, %get3A_808] : memref<4096x128xf32, #tpu.memory_space<vmem>>, vector<8x128xf32>
        %max3A_810 = arith.maximumf %get3A_809, %max3A_806 : vector<8x128xf32>
        %swap3A_811 = arith.index_cast %mul3A_666 : i32 to index
        %swap3A_812 = arith.constant 0 : index
        %swap3A_813 = vector.load %arg7[%swap3A_811, %swap3A_812] : memref<4096x128xf32, #tpu.memory_space<vmem>>, vector<8x128xf32>
        tpu.vector_store %arg7[%swap3A_811, %swap3A_812], %max3A_810 {strides = array<i32>} : memref<4096x128xf32, #tpu.memory_space<vmem>>, vector<8x128xf32>,
        %scan3A_814 = arith.constant 5 : i32
        %scan3A_815 = arith.addi %scan3A_62, %scan3A_814 : i32
        %mul3A_816 = arith.constant 8 : i32
        %mul3A_817 = arith.muli %scan3A_815, %mul3A_816 : i32
        %get3A_818 = arith.index_cast %mul3A_817 : i32 to index
        %get3A_819 = arith.constant 0 : index
        %get3A_820 = vector.load %arg4[%get3A_818, %get3A_819] : memref<4096x128xf32, #tpu.memory_space<vmem>>, vector<8x128xf32>
        %get3A_821 = arith.index_cast %mul3A_817 : i32 to index
        %get3A_822 = arith.constant 0 : index
        %get3A_823 = vector.load %arg5[%get3A_821, %get3A_822] : memref<4096x128xf32, #tpu.memory_space<vmem>>, vector<8x128xf32>
        %get3A_824 = arith.index_cast %mul3A_817 : i32 to index
        %get3A_825 = arith.constant 0 : index
        %get3A_826 = vector.load %arg6[%get3A_824, %get3A_825] : memref<4096x128xf32, #tpu.memory_space<vmem>>, vector<8x128xf32>
        %slice3A_827 = vector.extract_strided_slice %get3A_41 {offsets = [0, 0], sizes = [8, 128], strides = [1, 1]} : vector<8x1536xf32> to vector<8x128xf32>
        %mul3A_828 = arith.mulf %get3A_820, %slice3A_827 : vector<8x128xf32>
        %slice3A_829 = vector.extract_strided_slice %get3A_46 {offsets = [0, 0], sizes = [8, 128], strides = [1, 1]} : vector<8x1536xf32> to vector<8x128xf32>
        %mul3A_830 = arith.mulf %get3A_823, %slice3A_829 : vector<8x128xf32>
        %slice3A_831 = vector.extract_strided_slice %get3A_51 {offsets = [0, 0], sizes = [8, 128], strides = [1, 1]} : vector<8x1536xf32> to vector<8x128xf32>
        %mul3A_832 = arith.mulf %get3A_826, %slice3A_831 : vector<8x128xf32>
        %slice3A_833 = vector.extract_strided_slice %get3A_56 {offsets = [0, 0], sizes = [8, 128], strides = [1, 1]} : vector<8x1536xf32> to vector<8x128xf32>
        %add3A_834 = arith.addf %mul3A_832, %slice3A_833 : vector<8x128xf32>
        %add3A_835 = arith.addf %mul3A_830, %add3A_834 : vector<8x128xf32>
        %add3A_836 = arith.addf %mul3A_828, %add3A_835 : vector<8x128xf32>
        %slice3A_837 = vector.extract_strided_slice %get3A_41 {offsets = [0, 128], sizes = [8, 128], strides = [1, 1]} : vector<8x1536xf32> to vector<8x128xf32>
        %mul3A_838 = arith.mulf %get3A_820, %slice3A_837 : vector<8x128xf32>
        %slice3A_839 = vector.extract_strided_slice %get3A_46 {offsets = [0, 128], sizes = [8, 128], strides = [1, 1]} : vector<8x1536xf32> to vector<8x128xf32>
        %mul3A_840 = arith.mulf %get3A_823, %slice3A_839 : vector<8x128xf32>
        %slice3A_841 = vector.extract_strided_slice %get3A_51 {offsets = [0, 128], sizes = [8, 128], strides = [1, 1]} : vector<8x1536xf32> to vector<8x128xf32>
        %mul3A_842 = arith.mulf %get3A_826, %slice3A_841 : vector<8x128xf32>
        %slice3A_843 = vector.extract_strided_slice %get3A_56 {offsets = [0, 128], sizes = [8, 128], strides = [1, 1]} : vector<8x1536xf32> to vector<8x128xf32>
        %add3A_844 = arith.addf %mul3A_842, %slice3A_843 : vector<8x128xf32>
        %add3A_845 = arith.addf %mul3A_840, %add3A_844 : vector<8x128xf32>
        %add3A_846 = arith.addf %mul3A_838, %add3A_845 : vector<8x128xf32>
        %max3A_847 = arith.maximumf %add3A_836, %add3A_846 : vector<8x128xf32>
        %slice3A_848 = vector.extract_strided_slice %get3A_41 {offsets = [0, 256], sizes = [8, 128], strides = [1, 1]} : vector<8x1536xf32> to vector<8x128xf32>
        %mul3A_849 = arith.mulf %get3A_820, %slice3A_848 : vector<8x128xf32>
        %slice3A_850 = vector.extract_strided_slice %get3A_46 {offsets = [0, 256], sizes = [8, 128], strides = [1, 1]} : vector<8x1536xf32> to vector<8x128xf32>
        %mul3A_851 = arith.mulf %get3A_823, %slice3A_850 : vector<8x128xf32>
        %slice3A_852 = vector.extract_strided_slice %get3A_51 {offsets = [0, 256], sizes = [8, 128], strides = [1, 1]} : vector<8x1536xf32> to vector<8x128xf32>
        %mul3A_853 = arith.mulf %get3A_826, %slice3A_852 : vector<8x128xf32>
        %slice3A_854 = vector.extract_strided_slice %get3A_56 {offsets = [0, 256], sizes = [8, 128], strides = [1, 1]} : vector<8x1536xf32> to vector<8x128xf32>
        %add3A_855 = arith.addf %mul3A_853, %slice3A_854 : vector<8x128xf32>
        %add3A_856 = arith.addf %mul3A_851, %add3A_855 : vector<8x128xf32>
        %add3A_857 = arith.addf %mul3A_849, %add3A_856 : vector<8x128xf32>
        %max3A_858 = arith.maximumf %max3A_847, %add3A_857 : vector<8x128xf32>
        %slice3A_859 = vector.extract_strided_slice %get3A_41 {offsets = [0, 384], sizes = [8, 128], strides = [1, 1]} : vector<8x1536xf32> to vector<8x128xf32>
        %mul3A_860 = arith.mulf %get3A_820, %slice3A_859 : vector<8x128xf32>
        %slice3A_861 = vector.extract_strided_slice %get3A_46 {offsets = [0, 384], sizes = [8, 128], strides = [1, 1]} : vector<8x1536xf32> to vector<8x128xf32>
        %mul3A_862 = arith.mulf %get3A_823, %slice3A_861 : vector<8x128xf32>
        %slice3A_863 = vector.extract_strided_slice %get3A_51 {offsets = [0, 384], sizes = [8, 128], strides = [1, 1]} : vector<8x1536xf32> to vector<8x128xf32>
        %mul3A_864 = arith.mulf %get3A_826, %slice3A_863 : vector<8x128xf32>
        %slice3A_865 = vector.extract_strided_slice %get3A_56 {offsets = [0, 384], sizes = [8, 128], strides = [1, 1]} : vector<8x1536xf32> to vector<8x128xf32>
        %add3A_866 = arith.addf %mul3A_864, %slice3A_865 : vector<8x128xf32>
        %add3A_867 = arith.addf %mul3A_862, %add3A_866 : vector<8x128xf32>
        %add3A_868 = arith.addf %mul3A_860, %add3A_867 : vector<8x128xf32>
        %max3A_869 = arith.maximumf %max3A_858, %add3A_868 : vector<8x128xf32>
        %slice3A_870 = vector.extract_strided_slice %get3A_41 {offsets = [0, 512], sizes = [8, 128], strides = [1, 1]} : vector<8x1536xf32> to vector<8x128xf32>
        %mul3A_871 = arith.mulf %get3A_820, %slice3A_870 : vector<8x128xf32>
        %slice3A_872 = vector.extract_strided_slice %get3A_46 {offsets = [0, 512], sizes = [8, 128], strides = [1, 1]} : vector<8x1536xf32> to vector<8x128xf32>
        %mul3A_873 = arith.mulf %get3A_823, %slice3A_872 : vector<8x128xf32>
        %slice3A_874 = vector.extract_strided_slice %get3A_51 {offsets = [0, 512], sizes = [8, 128], strides = [1, 1]} : vector<8x1536xf32> to vector<8x128xf32>
        %mul3A_875 = arith.mulf %get3A_826, %slice3A_874 : vector<8x128xf32>
        %slice3A_876 = vector.extract_strided_slice %get3A_56 {offsets = [0, 512], sizes = [8, 128], strides = [1, 1]} : vector<8x1536xf32> to vector<8x128xf32>
        %add3A_877 = arith.addf %mul3A_875, %slice3A_876 : vector<8x128xf32>
        %add3A_878 = arith.addf %mul3A_873, %add3A_877 : vector<8x128xf32>
        %add3A_879 = arith.addf %mul3A_871, %add3A_878 : vector<8x128xf32>
        %max3A_880 = arith.maximumf %max3A_869, %add3A_879 : vector<8x128xf32>
        %slice3A_881 = vector.extract_strided_slice %get3A_41 {offsets = [0, 640], sizes = [8, 128], strides = [1, 1]} : vector<8x1536xf32> to vector<8x128xf32>
        %mul3A_882 = arith.mulf %get3A_820, %slice3A_881 : vector<8x128xf32>
        %slice3A_883 = vector.extract_strided_slice %get3A_46 {offsets = [0, 640], sizes = [8, 128], strides = [1, 1]} : vector<8x1536xf32> to vector<8x128xf32>
        %mul3A_884 = arith.mulf %get3A_823, %slice3A_883 : vector<8x128xf32>
        %slice3A_885 = vector.extract_strided_slice %get3A_51 {offsets = [0, 640], sizes = [8, 128], strides = [1, 1]} : vector<8x1536xf32> to vector<8x128xf32>
        %mul3A_886 = arith.mulf %get3A_826, %slice3A_885 : vector<8x128xf32>
        %slice3A_887 = vector.extract_strided_slice %get3A_56 {offsets = [0, 640], sizes = [8, 128], strides = [1, 1]} : vector<8x1536xf32> to vector<8x128xf32>
        %add3A_888 = arith.addf %mul3A_886, %slice3A_887 : vector<8x128xf32>
        %add3A_889 = arith.addf %mul3A_884, %add3A_888 : vector<8x128xf32>
        %add3A_890 = arith.addf %mul3A_882, %add3A_889 : vector<8x128xf32>
        %max3A_891 = arith.maximumf %max3A_880, %add3A_890 : vector<8x128xf32>
        %slice3A_892 = vector.extract_strided_slice %get3A_41 {offsets = [0, 768], sizes = [8, 128], strides = [1, 1]} : vector<8x1536xf32> to vector<8x128xf32>
        %mul3A_893 = arith.mulf %get3A_820, %slice3A_892 : vector<8x128xf32>
        %slice3A_894 = vector.extract_strided_slice %get3A_46 {offsets = [0, 768], sizes = [8, 128], strides = [1, 1]} : vector<8x1536xf32> to vector<8x128xf32>
        %mul3A_895 = arith.mulf %get3A_823, %slice3A_894 : vector<8x128xf32>
        %slice3A_896 = vector.extract_strided_slice %get3A_51 {offsets = [0, 768], sizes = [8, 128], strides = [1, 1]} : vector<8x1536xf32> to vector<8x128xf32>
        %mul3A_897 = arith.mulf %get3A_826, %slice3A_896 : vector<8x128xf32>
        %slice3A_898 = vector.extract_strided_slice %get3A_56 {offsets = [0, 768], sizes = [8, 128], strides = [1, 1]} : vector<8x1536xf32> to vector<8x128xf32>
        %add3A_899 = arith.addf %mul3A_897, %slice3A_898 : vector<8x128xf32>
        %add3A_900 = arith.addf %mul3A_895, %add3A_899 : vector<8x128xf32>
        %add3A_901 = arith.addf %mul3A_893, %add3A_900 : vector<8x128xf32>
        %max3A_902 = arith.maximumf %max3A_891, %add3A_901 : vector<8x128xf32>
        %slice3A_903 = vector.extract_strided_slice %get3A_41 {offsets = [0, 896], sizes = [8, 128], strides = [1, 1]} : vector<8x1536xf32> to vector<8x128xf32>
        %mul3A_904 = arith.mulf %get3A_820, %slice3A_903 : vector<8x128xf32>
        %slice3A_905 = vector.extract_strided_slice %get3A_46 {offsets = [0, 896], sizes = [8, 128], strides = [1, 1]} : vector<8x1536xf32> to vector<8x128xf32>
        %mul3A_906 = arith.mulf %get3A_823, %slice3A_905 : vector<8x128xf32>
        %slice3A_907 = vector.extract_strided_slice %get3A_51 {offsets = [0, 896], sizes = [8, 128], strides = [1, 1]} : vector<8x1536xf32> to vector<8x128xf32>
        %mul3A_908 = arith.mulf %get3A_826, %slice3A_907 : vector<8x128xf32>
        %slice3A_909 = vector.extract_strided_slice %get3A_56 {offsets = [0, 896], sizes = [8, 128], strides = [1, 1]} : vector<8x1536xf32> to vector<8x128xf32>
        %add3A_910 = arith.addf %mul3A_908, %slice3A_909 : vector<8x128xf32>
        %add3A_911 = arith.addf %mul3A_906, %add3A_910 : vector<8x128xf32>
        %add3A_912 = arith.addf %mul3A_904, %add3A_911 : vector<8x128xf32>
        %max3A_913 = arith.maximumf %max3A_902, %add3A_912 : vector<8x128xf32>
        %slice3A_914 = vector.extract_strided_slice %get3A_41 {offsets = [0, 1024], sizes = [8, 128], strides = [1, 1]} : vector<8x1536xf32> to vector<8x128xf32>
        %mul3A_915 = arith.mulf %get3A_820, %slice3A_914 : vector<8x128xf32>
        %slice3A_916 = vector.extract_strided_slice %get3A_46 {offsets = [0, 1024], sizes = [8, 128], strides = [1, 1]} : vector<8x1536xf32> to vector<8x128xf32>
        %mul3A_917 = arith.mulf %get3A_823, %slice3A_916 : vector<8x128xf32>
        %slice3A_918 = vector.extract_strided_slice %get3A_51 {offsets = [0, 1024], sizes = [8, 128], strides = [1, 1]} : vector<8x1536xf32> to vector<8x128xf32>
        %mul3A_919 = arith.mulf %get3A_826, %slice3A_918 : vector<8x128xf32>
        %slice3A_920 = vector.extract_strided_slice %get3A_56 {offsets = [0, 1024], sizes = [8, 128], strides = [1, 1]} : vector<8x1536xf32> to vector<8x128xf32>
        %add3A_921 = arith.addf %mul3A_919, %slice3A_920 : vector<8x128xf32>
        %add3A_922 = arith.addf %mul3A_917, %add3A_921 : vector<8x128xf32>
        %add3A_923 = arith.addf %mul3A_915, %add3A_922 : vector<8x128xf32>
        %max3A_924 = arith.maximumf %max3A_913, %add3A_923 : vector<8x128xf32>
        %slice3A_925 = vector.extract_strided_slice %get3A_41 {offsets = [0, 1152], sizes = [8, 128], strides = [1, 1]} : vector<8x1536xf32> to vector<8x128xf32>
        %mul3A_926 = arith.mulf %get3A_820, %slice3A_925 : vector<8x128xf32>
        %slice3A_927 = vector.extract_strided_slice %get3A_46 {offsets = [0, 1152], sizes = [8, 128], strides = [1, 1]} : vector<8x1536xf32> to vector<8x128xf32>
        %mul3A_928 = arith.mulf %get3A_823, %slice3A_927 : vector<8x128xf32>
        %slice3A_929 = vector.extract_strided_slice %get3A_51 {offsets = [0, 1152], sizes = [8, 128], strides = [1, 1]} : vector<8x1536xf32> to vector<8x128xf32>
        %mul3A_930 = arith.mulf %get3A_826, %slice3A_929 : vector<8x128xf32>
        %slice3A_931 = vector.extract_strided_slice %get3A_56 {offsets = [0, 1152], sizes = [8, 128], strides = [1, 1]} : vector<8x1536xf32> to vector<8x128xf32>
        %add3A_932 = arith.addf %mul3A_930, %slice3A_931 : vector<8x128xf32>
        %add3A_933 = arith.addf %mul3A_928, %add3A_932 : vector<8x128xf32>
        %add3A_934 = arith.addf %mul3A_926, %add3A_933 : vector<8x128xf32>
        %max3A_935 = arith.maximumf %max3A_924, %add3A_934 : vector<8x128xf32>
        %slice3A_936 = vector.extract_strided_slice %get3A_41 {offsets = [0, 1280], sizes = [8, 128], strides = [1, 1]} : vector<8x1536xf32> to vector<8x128xf32>
        %mul3A_937 = arith.mulf %get3A_820, %slice3A_936 : vector<8x128xf32>
        %slice3A_938 = vector.extract_strided_slice %get3A_46 {offsets = [0, 1280], sizes = [8, 128], strides = [1, 1]} : vector<8x1536xf32> to vector<8x128xf32>
        %mul3A_939 = arith.mulf %get3A_823, %slice3A_938 : vector<8x128xf32>
        %slice3A_940 = vector.extract_strided_slice %get3A_51 {offsets = [0, 1280], sizes = [8, 128], strides = [1, 1]} : vector<8x1536xf32> to vector<8x128xf32>
        %mul3A_941 = arith.mulf %get3A_826, %slice3A_940 : vector<8x128xf32>
        %slice3A_942 = vector.extract_strided_slice %get3A_56 {offsets = [0, 1280], sizes = [8, 128], strides = [1, 1]} : vector<8x1536xf32> to vector<8x128xf32>
        %add3A_943 = arith.addf %mul3A_941, %slice3A_942 : vector<8x128xf32>
        %add3A_944 = arith.addf %mul3A_939, %add3A_943 : vector<8x128xf32>
        %add3A_945 = arith.addf %mul3A_937, %add3A_944 : vector<8x128xf32>
        %max3A_946 = arith.maximumf %max3A_935, %add3A_945 : vector<8x128xf32>
        %slice3A_947 = vector.extract_strided_slice %get3A_41 {offsets = [0, 1408], sizes = [8, 128], strides = [1, 1]} : vector<8x1536xf32> to vector<8x128xf32>
        %mul3A_948 = arith.mulf %get3A_820, %slice3A_947 : vector<8x128xf32>
        %slice3A_949 = vector.extract_strided_slice %get3A_46 {offsets = [0, 1408], sizes = [8, 128], strides = [1, 1]} : vector<8x1536xf32> to vector<8x128xf32>
        %mul3A_950 = arith.mulf %get3A_823, %slice3A_949 : vector<8x128xf32>
        %slice3A_951 = vector.extract_strided_slice %get3A_51 {offsets = [0, 1408], sizes = [8, 128], strides = [1, 1]} : vector<8x1536xf32> to vector<8x128xf32>
        %mul3A_952 = arith.mulf %get3A_826, %slice3A_951 : vector<8x128xf32>
        %slice3A_953 = vector.extract_strided_slice %get3A_56 {offsets = [0, 1408], sizes = [8, 128], strides = [1, 1]} : vector<8x1536xf32> to vector<8x128xf32>
        %add3A_954 = arith.addf %mul3A_952, %slice3A_953 : vector<8x128xf32>
        %add3A_955 = arith.addf %mul3A_950, %add3A_954 : vector<8x128xf32>
        %add3A_956 = arith.addf %mul3A_948, %add3A_955 : vector<8x128xf32>
        %max3A_957 = arith.maximumf %max3A_946, %add3A_956 : vector<8x128xf32>
        %get3A_958 = arith.index_cast %mul3A_817 : i32 to index
        %get3A_959 = arith.constant 0 : index
        %get3A_960 = vector.load %arg7[%get3A_958, %get3A_959] : memref<4096x128xf32, #tpu.memory_space<vmem>>, vector<8x128xf32>
        %max3A_961 = arith.maximumf %get3A_960, %max3A_957 : vector<8x128xf32>
        %swap3A_962 = arith.index_cast %mul3A_817 : i32 to index
        %swap3A_963 = arith.constant 0 : index
        %swap3A_964 = vector.load %arg7[%swap3A_962, %swap3A_963] : memref<4096x128xf32, #tpu.memory_space<vmem>>, vector<8x128xf32>
        tpu.vector_store %arg7[%swap3A_962, %swap3A_963], %max3A_961 {strides = array<i32>} : memref<4096x128xf32, #tpu.memory_space<vmem>>, vector<8x128xf32>,
        %scan3A_965 = arith.constant 6 : i32
        %scan3A_966 = arith.addi %scan3A_62, %scan3A_965 : i32
        %mul3A_967 = arith.constant 8 : i32
        %mul3A_968 = arith.muli %scan3A_966, %mul3A_967 : i32
        %get3A_969 = arith.index_cast %mul3A_968 : i32 to index
        %get3A_970 = arith.constant 0 : index
        %get3A_971 = vector.load %arg4[%get3A_969, %get3A_970] : memref<4096x128xf32, #tpu.memory_space<vmem>>, vector<8x128xf32>
        %get3A_972 = arith.index_cast %mul3A_968 : i32 to index
        %get3A_973 = arith.constant 0 : index
        %get3A_974 = vector.load %arg5[%get3A_972, %get3A_973] : memref<4096x128xf32, #tpu.memory_space<vmem>>, vector<8x128xf32>
        %get3A_975 = arith.index_cast %mul3A_968 : i32 to index
        %get3A_976 = arith.constant 0 : index
        %get3A_977 = vector.load %arg6[%get3A_975, %get3A_976] : memref<4096x128xf32, #tpu.memory_space<vmem>>, vector<8x128xf32>
        %slice3A_978 = vector.extract_strided_slice %get3A_41 {offsets = [0, 0], sizes = [8, 128], strides = [1, 1]} : vector<8x1536xf32> to vector<8x128xf32>
        %mul3A_979 = arith.mulf %get3A_971, %slice3A_978 : vector<8x128xf32>
        %slice3A_980 = vector.extract_strided_slice %get3A_46 {offsets = [0, 0], sizes = [8, 128], strides = [1, 1]} : vector<8x1536xf32> to vector<8x128xf32>
        %mul3A_981 = arith.mulf %get3A_974, %slice3A_980 : vector<8x128xf32>
        %slice3A_982 = vector.extract_strided_slice %get3A_51 {offsets = [0, 0], sizes = [8, 128], strides = [1, 1]} : vector<8x1536xf32> to vector<8x128xf32>
        %mul3A_983 = arith.mulf %get3A_977, %slice3A_982 : vector<8x128xf32>
        %slice3A_984 = vector.extract_strided_slice %get3A_56 {offsets = [0, 0], sizes = [8, 128], strides = [1, 1]} : vector<8x1536xf32> to vector<8x128xf32>
        %add3A_985 = arith.addf %mul3A_983, %slice3A_984 : vector<8x128xf32>
        %add3A_986 = arith.addf %mul3A_981, %add3A_985 : vector<8x128xf32>
        %add3A_987 = arith.addf %mul3A_979, %add3A_986 : vector<8x128xf32>
        %slice3A_988 = vector.extract_strided_slice %get3A_41 {offsets = [0, 128], sizes = [8, 128], strides = [1, 1]} : vector<8x1536xf32> to vector<8x128xf32>
        %mul3A_989 = arith.mulf %get3A_971, %slice3A_988 : vector<8x128xf32>
        %slice3A_990 = vector.extract_strided_slice %get3A_46 {offsets = [0, 128], sizes = [8, 128], strides = [1, 1]} : vector<8x1536xf32> to vector<8x128xf32>
        %mul3A_991 = arith.mulf %get3A_974, %slice3A_990 : vector<8x128xf32>
        %slice3A_992 = vector.extract_strided_slice %get3A_51 {offsets = [0, 128], sizes = [8, 128], strides = [1, 1]} : vector<8x1536xf32> to vector<8x128xf32>
        %mul3A_993 = arith.mulf %get3A_977, %slice3A_992 : vector<8x128xf32>
        %slice3A_994 = vector.extract_strided_slice %get3A_56 {offsets = [0, 128], sizes = [8, 128], strides = [1, 1]} : vector<8x1536xf32> to vector<8x128xf32>
        %add3A_995 = arith.addf %mul3A_993, %slice3A_994 : vector<8x128xf32>
        %add3A_996 = arith.addf %mul3A_991, %add3A_995 : vector<8x128xf32>
        %add3A_997 = arith.addf %mul3A_989, %add3A_996 : vector<8x128xf32>
        %max3A_998 = arith.maximumf %add3A_987, %add3A_997 : vector<8x128xf32>
        %slice3A_999 = vector.extract_strided_slice %get3A_41 {offsets = [0, 256], sizes = [8, 128], strides = [1, 1]} : vector<8x1536xf32> to vector<8x128xf32>
        %mul3A_1000 = arith.mulf %get3A_971, %slice3A_999 : vector<8x128xf32>
        %slice3A_1001 = vector.extract_strided_slice %get3A_46 {offsets = [0, 256], sizes = [8, 128], strides = [1, 1]} : vector<8x1536xf32> to vector<8x128xf32>
        %mul3A_1002 = arith.mulf %get3A_974, %slice3A_1001 : vector<8x128xf32>
        %slice3A_1003 = vector.extract_strided_slice %get3A_51 {offsets = [0, 256], sizes = [8, 128], strides = [1, 1]} : vector<8x1536xf32> to vector<8x128xf32>
        %mul3A_1004 = arith.mulf %get3A_977, %slice3A_1003 : vector<8x128xf32>
        %slice3A_1005 = vector.extract_strided_slice %get3A_56 {offsets = [0, 256], sizes = [8, 128], strides = [1, 1]} : vector<8x1536xf32> to vector<8x128xf32>
        %add3A_1006 = arith.addf %mul3A_1004, %slice3A_1005 : vector<8x128xf32>
        %add3A_1007 = arith.addf %mul3A_1002, %add3A_1006 : vector<8x128xf32>
        %add3A_1008 = arith.addf %mul3A_1000, %add3A_1007 : vector<8x128xf32>
        %max3A_1009 = arith.maximumf %max3A_998, %add3A_1008 : vector<8x128xf32>
        %slice3A_1010 = vector.extract_strided_slice %get3A_41 {offsets = [0, 384], sizes = [8, 128], strides = [1, 1]} : vector<8x1536xf32> to vector<8x128xf32>
        %mul3A_1011 = arith.mulf %get3A_971, %slice3A_1010 : vector<8x128xf32>
        %slice3A_1012 = vector.extract_strided_slice %get3A_46 {offsets = [0, 384], sizes = [8, 128], strides = [1, 1]} : vector<8x1536xf32> to vector<8x128xf32>
        %mul3A_1013 = arith.mulf %get3A_974, %slice3A_1012 : vector<8x128xf32>
        %slice3A_1014 = vector.extract_strided_slice %get3A_51 {offsets = [0, 384], sizes = [8, 128], strides = [1, 1]} : vector<8x1536xf32> to vector<8x128xf32>
        %mul3A_1015 = arith.mulf %get3A_977, %slice3A_1014 : vector<8x128xf32>
        %slice3A_1016 = vector.extract_strided_slice %get3A_56 {offsets = [0, 384], sizes = [8, 128], strides = [1, 1]} : vector<8x1536xf32> to vector<8x128xf32>
        %add3A_1017 = arith.addf %mul3A_1015, %slice3A_1016 : vector<8x128xf32>
        %add3A_1018 = arith.addf %mul3A_1013, %add3A_1017 : vector<8x128xf32>
        %add3A_1019 = arith.addf %mul3A_1011, %add3A_1018 : vector<8x128xf32>
        %max3A_1020 = arith.maximumf %max3A_1009, %add3A_1019 : vector<8x128xf32>
        %slice3A_1021 = vector.extract_strided_slice %get3A_41 {offsets = [0, 512], sizes = [8, 128], strides = [1, 1]} : vector<8x1536xf32> to vector<8x128xf32>
        %mul3A_1022 = arith.mulf %get3A_971, %slice3A_1021 : vector<8x128xf32>
        %slice3A_1023 = vector.extract_strided_slice %get3A_46 {offsets = [0, 512], sizes = [8, 128], strides = [1, 1]} : vector<8x1536xf32> to vector<8x128xf32>
        %mul3A_1024 = arith.mulf %get3A_974, %slice3A_1023 : vector<8x128xf32>
        %slice3A_1025 = vector.extract_strided_slice %get3A_51 {offsets = [0, 512], sizes = [8, 128], strides = [1, 1]} : vector<8x1536xf32> to vector<8x128xf32>
        %mul3A_1026 = arith.mulf %get3A_977, %slice3A_1025 : vector<8x128xf32>
        %slice3A_1027 = vector.extract_strided_slice %get3A_56 {offsets = [0, 512], sizes = [8, 128], strides = [1, 1]} : vector<8x1536xf32> to vector<8x128xf32>
        %add3A_1028 = arith.addf %mul3A_1026, %slice3A_1027 : vector<8x128xf32>
        %add3A_1029 = arith.addf %mul3A_1024, %add3A_1028 : vector<8x128xf32>
        %add3A_1030 = arith.addf %mul3A_1022, %add3A_1029 : vector<8x128xf32>
        %max3A_1031 = arith.maximumf %max3A_1020, %add3A_1030 : vector<8x128xf32>
        %slice3A_1032 = vector.extract_strided_slice %get3A_41 {offsets = [0, 640], sizes = [8, 128], strides = [1, 1]} : vector<8x1536xf32> to vector<8x128xf32>
        %mul3A_1033 = arith.mulf %get3A_971, %slice3A_1032 : vector<8x128xf32>
        %slice3A_1034 = vector.extract_strided_slice %get3A_46 {offsets = [0, 640], sizes = [8, 128], strides = [1, 1]} : vector<8x1536xf32> to vector<8x128xf32>
        %mul3A_1035 = arith.mulf %get3A_974, %slice3A_1034 : vector<8x128xf32>
        %slice3A_1036 = vector.extract_strided_slice %get3A_51 {offsets = [0, 640], sizes = [8, 128], strides = [1, 1]} : vector<8x1536xf32> to vector<8x128xf32>
        %mul3A_1037 = arith.mulf %get3A_977, %slice3A_1036 : vector<8x128xf32>
        %slice3A_1038 = vector.extract_strided_slice %get3A_56 {offsets = [0, 640], sizes = [8, 128], strides = [1, 1]} : vector<8x1536xf32> to vector<8x128xf32>
        %add3A_1039 = arith.addf %mul3A_1037, %slice3A_1038 : vector<8x128xf32>
        %add3A_1040 = arith.addf %mul3A_1035, %add3A_1039 : vector<8x128xf32>
        %add3A_1041 = arith.addf %mul3A_1033, %add3A_1040 : vector<8x128xf32>
        %max3A_1042 = arith.maximumf %max3A_1031, %add3A_1041 : vector<8x128xf32>
        %slice3A_1043 = vector.extract_strided_slice %get3A_41 {offsets = [0, 768], sizes = [8, 128], strides = [1, 1]} : vector<8x1536xf32> to vector<8x128xf32>
        %mul3A_1044 = arith.mulf %get3A_971, %slice3A_1043 : vector<8x128xf32>
        %slice3A_1045 = vector.extract_strided_slice %get3A_46 {offsets = [0, 768], sizes = [8, 128], strides = [1, 1]} : vector<8x1536xf32> to vector<8x128xf32>
        %mul3A_1046 = arith.mulf %get3A_974, %slice3A_1045 : vector<8x128xf32>
        %slice3A_1047 = vector.extract_strided_slice %get3A_51 {offsets = [0, 768], sizes = [8, 128], strides = [1, 1]} : vector<8x1536xf32> to vector<8x128xf32>
        %mul3A_1048 = arith.mulf %get3A_977, %slice3A_1047 : vector<8x128xf32>
        %slice3A_1049 = vector.extract_strided_slice %get3A_56 {offsets = [0, 768], sizes = [8, 128], strides = [1, 1]} : vector<8x1536xf32> to vector<8x128xf32>
        %add3A_1050 = arith.addf %mul3A_1048, %slice3A_1049 : vector<8x128xf32>
        %add3A_1051 = arith.addf %mul3A_1046, %add3A_1050 : vector<8x128xf32>
        %add3A_1052 = arith.addf %mul3A_1044, %add3A_1051 : vector<8x128xf32>
        %max3A_1053 = arith.maximumf %max3A_1042, %add3A_1052 : vector<8x128xf32>
        %slice3A_1054 = vector.extract_strided_slice %get3A_41 {offsets = [0, 896], sizes = [8, 128], strides = [1, 1]} : vector<8x1536xf32> to vector<8x128xf32>
        %mul3A_1055 = arith.mulf %get3A_971, %slice3A_1054 : vector<8x128xf32>
        %slice3A_1056 = vector.extract_strided_slice %get3A_46 {offsets = [0, 896], sizes = [8, 128], strides = [1, 1]} : vector<8x1536xf32> to vector<8x128xf32>
        %mul3A_1057 = arith.mulf %get3A_974, %slice3A_1056 : vector<8x128xf32>
        %slice3A_1058 = vector.extract_strided_slice %get3A_51 {offsets = [0, 896], sizes = [8, 128], strides = [1, 1]} : vector<8x1536xf32> to vector<8x128xf32>
        %mul3A_1059 = arith.mulf %get3A_977, %slice3A_1058 : vector<8x128xf32>
        %slice3A_1060 = vector.extract_strided_slice %get3A_56 {offsets = [0, 896], sizes = [8, 128], strides = [1, 1]} : vector<8x1536xf32> to vector<8x128xf32>
        %add3A_1061 = arith.addf %mul3A_1059, %slice3A_1060 : vector<8x128xf32>
        %add3A_1062 = arith.addf %mul3A_1057, %add3A_1061 : vector<8x128xf32>
        %add3A_1063 = arith.addf %mul3A_1055, %add3A_1062 : vector<8x128xf32>
        %max3A_1064 = arith.maximumf %max3A_1053, %add3A_1063 : vector<8x128xf32>
        %slice3A_1065 = vector.extract_strided_slice %get3A_41 {offsets = [0, 1024], sizes = [8, 128], strides = [1, 1]} : vector<8x1536xf32> to vector<8x128xf32>
        %mul3A_1066 = arith.mulf %get3A_971, %slice3A_1065 : vector<8x128xf32>
        %slice3A_1067 = vector.extract_strided_slice %get3A_46 {offsets = [0, 1024], sizes = [8, 128], strides = [1, 1]} : vector<8x1536xf32> to vector<8x128xf32>
        %mul3A_1068 = arith.mulf %get3A_974, %slice3A_1067 : vector<8x128xf32>
        %slice3A_1069 = vector.extract_strided_slice %get3A_51 {offsets = [0, 1024], sizes = [8, 128], strides = [1, 1]} : vector<8x1536xf32> to vector<8x128xf32>
        %mul3A_1070 = arith.mulf %get3A_977, %slice3A_1069 : vector<8x128xf32>
        %slice3A_1071 = vector.extract_strided_slice %get3A_56 {offsets = [0, 1024], sizes = [8, 128], strides = [1, 1]} : vector<8x1536xf32> to vector<8x128xf32>
        %add3A_1072 = arith.addf %mul3A_1070, %slice3A_1071 : vector<8x128xf32>
        %add3A_1073 = arith.addf %mul3A_1068, %add3A_1072 : vector<8x128xf32>
        %add3A_1074 = arith.addf %mul3A_1066, %add3A_1073 : vector<8x128xf32>
        %max3A_1075 = arith.maximumf %max3A_1064, %add3A_1074 : vector<8x128xf32>
        %slice3A_1076 = vector.extract_strided_slice %get3A_41 {offsets = [0, 1152], sizes = [8, 128], strides = [1, 1]} : vector<8x1536xf32> to vector<8x128xf32>
        %mul3A_1077 = arith.mulf %get3A_971, %slice3A_1076 : vector<8x128xf32>
        %slice3A_1078 = vector.extract_strided_slice %get3A_46 {offsets = [0, 1152], sizes = [8, 128], strides = [1, 1]} : vector<8x1536xf32> to vector<8x128xf32>
        %mul3A_1079 = arith.mulf %get3A_974, %slice3A_1078 : vector<8x128xf32>
        %slice3A_1080 = vector.extract_strided_slice %get3A_51 {offsets = [0, 1152], sizes = [8, 128], strides = [1, 1]} : vector<8x1536xf32> to vector<8x128xf32>
        %mul3A_1081 = arith.mulf %get3A_977, %slice3A_1080 : vector<8x128xf32>
        %slice3A_1082 = vector.extract_strided_slice %get3A_56 {offsets = [0, 1152], sizes = [8, 128], strides = [1, 1]} : vector<8x1536xf32> to vector<8x128xf32>
        %add3A_1083 = arith.addf %mul3A_1081, %slice3A_1082 : vector<8x128xf32>
        %add3A_1084 = arith.addf %mul3A_1079, %add3A_1083 : vector<8x128xf32>
        %add3A_1085 = arith.addf %mul3A_1077, %add3A_1084 : vector<8x128xf32>
        %max3A_1086 = arith.maximumf %max3A_1075, %add3A_1085 : vector<8x128xf32>
        %slice3A_1087 = vector.extract_strided_slice %get3A_41 {offsets = [0, 1280], sizes = [8, 128], strides = [1, 1]} : vector<8x1536xf32> to vector<8x128xf32>
        %mul3A_1088 = arith.mulf %get3A_971, %slice3A_1087 : vector<8x128xf32>
        %slice3A_1089 = vector.extract_strided_slice %get3A_46 {offsets = [0, 1280], sizes = [8, 128], strides = [1, 1]} : vector<8x1536xf32> to vector<8x128xf32>
        %mul3A_1090 = arith.mulf %get3A_974, %slice3A_1089 : vector<8x128xf32>
        %slice3A_1091 = vector.extract_strided_slice %get3A_51 {offsets = [0, 1280], sizes = [8, 128], strides = [1, 1]} : vector<8x1536xf32> to vector<8x128xf32>
        %mul3A_1092 = arith.mulf %get3A_977, %slice3A_1091 : vector<8x128xf32>
        %slice3A_1093 = vector.extract_strided_slice %get3A_56 {offsets = [0, 1280], sizes = [8, 128], strides = [1, 1]} : vector<8x1536xf32> to vector<8x128xf32>
        %add3A_1094 = arith.addf %mul3A_1092, %slice3A_1093 : vector<8x128xf32>
        %add3A_1095 = arith.addf %mul3A_1090, %add3A_1094 : vector<8x128xf32>
        %add3A_1096 = arith.addf %mul3A_1088, %add3A_1095 : vector<8x128xf32>
        %max3A_1097 = arith.maximumf %max3A_1086, %add3A_1096 : vector<8x128xf32>
        %slice3A_1098 = vector.extract_strided_slice %get3A_41 {offsets = [0, 1408], sizes = [8, 128], strides = [1, 1]} : vector<8x1536xf32> to vector<8x128xf32>
        %mul3A_1099 = arith.mulf %get3A_971, %slice3A_1098 : vector<8x128xf32>
        %slice3A_1100 = vector.extract_strided_slice %get3A_46 {offsets = [0, 1408], sizes = [8, 128], strides = [1, 1]} : vector<8x1536xf32> to vector<8x128xf32>
        %mul3A_1101 = arith.mulf %get3A_974, %slice3A_1100 : vector<8x128xf32>
        %slice3A_1102 = vector.extract_strided_slice %get3A_51 {offsets = [0, 1408], sizes = [8, 128], strides = [1, 1]} : vector<8x1536xf32> to vector<8x128xf32>
        %mul3A_1103 = arith.mulf %get3A_977, %slice3A_1102 : vector<8x128xf32>
        %slice3A_1104 = vector.extract_strided_slice %get3A_56 {offsets = [0, 1408], sizes = [8, 128], strides = [1, 1]} : vector<8x1536xf32> to vector<8x128xf32>
        %add3A_1105 = arith.addf %mul3A_1103, %slice3A_1104 : vector<8x128xf32>
        %add3A_1106 = arith.addf %mul3A_1101, %add3A_1105 : vector<8x128xf32>
        %add3A_1107 = arith.addf %mul3A_1099, %add3A_1106 : vector<8x128xf32>
        %max3A_1108 = arith.maximumf %max3A_1097, %add3A_1107 : vector<8x128xf32>
        %get3A_1109 = arith.index_cast %mul3A_968 : i32 to index
        %get3A_1110 = arith.constant 0 : index
        %get3A_1111 = vector.load %arg7[%get3A_1109, %get3A_1110] : memref<4096x128xf32, #tpu.memory_space<vmem>>, vector<8x128xf32>
        %max3A_1112 = arith.maximumf %get3A_1111, %max3A_1108 : vector<8x128xf32>
        %swap3A_1113 = arith.index_cast %mul3A_968 : i32 to index
        %swap3A_1114 = arith.constant 0 : index
        %swap3A_1115 = vector.load %arg7[%swap3A_1113, %swap3A_1114] : memref<4096x128xf32, #tpu.memory_space<vmem>>, vector<8x128xf32>
        tpu.vector_store %arg7[%swap3A_1113, %swap3A_1114], %max3A_1112 {strides = array<i32>} : memref<4096x128xf32, #tpu.memory_space<vmem>>, vector<8x128xf32>,
        %scan3A_1116 = arith.constant 7 : i32
        %scan3A_1117 = arith.addi %scan3A_62, %scan3A_1116 : i32
        %mul3A_1118 = arith.constant 8 : i32
        %mul3A_1119 = arith.muli %scan3A_1117, %mul3A_1118 : i32
        %get3A_1120 = arith.index_cast %mul3A_1119 : i32 to index
        %get3A_1121 = arith.constant 0 : index
        %get3A_1122 = vector.load %arg4[%get3A_1120, %get3A_1121] : memref<4096x128xf32, #tpu.memory_space<vmem>>, vector<8x128xf32>
        %get3A_1123 = arith.index_cast %mul3A_1119 : i32 to index
        %get3A_1124 = arith.constant 0 : index
        %get3A_1125 = vector.load %arg5[%get3A_1123, %get3A_1124] : memref<4096x128xf32, #tpu.memory_space<vmem>>, vector<8x128xf32>
        %get3A_1126 = arith.index_cast %mul3A_1119 : i32 to index
        %get3A_1127 = arith.constant 0 : index
        %get3A_1128 = vector.load %arg6[%get3A_1126, %get3A_1127] : memref<4096x128xf32, #tpu.memory_space<vmem>>, vector<8x128xf32>
        %slice3A_1129 = vector.extract_strided_slice %get3A_41 {offsets = [0, 0], sizes = [8, 128], strides = [1, 1]} : vector<8x1536xf32> to vector<8x128xf32>
        %mul3A_1130 = arith.mulf %get3A_1122, %slice3A_1129 : vector<8x128xf32>
        %slice3A_1131 = vector.extract_strided_slice %get3A_46 {offsets = [0, 0], sizes = [8, 128], strides = [1, 1]} : vector<8x1536xf32> to vector<8x128xf32>
        %mul3A_1132 = arith.mulf %get3A_1125, %slice3A_1131 : vector<8x128xf32>
        %slice3A_1133 = vector.extract_strided_slice %get3A_51 {offsets = [0, 0], sizes = [8, 128], strides = [1, 1]} : vector<8x1536xf32> to vector<8x128xf32>
        %mul3A_1134 = arith.mulf %get3A_1128, %slice3A_1133 : vector<8x128xf32>
        %slice3A_1135 = vector.extract_strided_slice %get3A_56 {offsets = [0, 0], sizes = [8, 128], strides = [1, 1]} : vector<8x1536xf32> to vector<8x128xf32>
        %add3A_1136 = arith.addf %mul3A_1134, %slice3A_1135 : vector<8x128xf32>
        %add3A_1137 = arith.addf %mul3A_1132, %add3A_1136 : vector<8x128xf32>
        %add3A_1138 = arith.addf %mul3A_1130, %add3A_1137 : vector<8x128xf32>
        %slice3A_1139 = vector.extract_strided_slice %get3A_41 {offsets = [0, 128], sizes = [8, 128], strides = [1, 1]} : vector<8x1536xf32> to vector<8x128xf32>
        %mul3A_1140 = arith.mulf %get3A_1122, %slice3A_1139 : vector<8x128xf32>
        %slice3A_1141 = vector.extract_strided_slice %get3A_46 {offsets = [0, 128], sizes = [8, 128], strides = [1, 1]} : vector<8x1536xf32> to vector<8x128xf32>
        %mul3A_1142 = arith.mulf %get3A_1125, %slice3A_1141 : vector<8x128xf32>
        %slice3A_1143 = vector.extract_strided_slice %get3A_51 {offsets = [0, 128], sizes = [8, 128], strides = [1, 1]} : vector<8x1536xf32> to vector<8x128xf32>
        %mul3A_1144 = arith.mulf %get3A_1128, %slice3A_1143 : vector<8x128xf32>
        %slice3A_1145 = vector.extract_strided_slice %get3A_56 {offsets = [0, 128], sizes = [8, 128], strides = [1, 1]} : vector<8x1536xf32> to vector<8x128xf32>
        %add3A_1146 = arith.addf %mul3A_1144, %slice3A_1145 : vector<8x128xf32>
        %add3A_1147 = arith.addf %mul3A_1142, %add3A_1146 : vector<8x128xf32>
        %add3A_1148 = arith.addf %mul3A_1140, %add3A_1147 : vector<8x128xf32>
        %max3A_1149 = arith.maximumf %add3A_1138, %add3A_1148 : vector<8x128xf32>
        %slice3A_1150 = vector.extract_strided_slice %get3A_41 {offsets = [0, 256], sizes = [8, 128], strides = [1, 1]} : vector<8x1536xf32> to vector<8x128xf32>
        %mul3A_1151 = arith.mulf %get3A_1122, %slice3A_1150 : vector<8x128xf32>
        %slice3A_1152 = vector.extract_strided_slice %get3A_46 {offsets = [0, 256], sizes = [8, 128], strides = [1, 1]} : vector<8x1536xf32> to vector<8x128xf32>
        %mul3A_1153 = arith.mulf %get3A_1125, %slice3A_1152 : vector<8x128xf32>
        %slice3A_1154 = vector.extract_strided_slice %get3A_51 {offsets = [0, 256], sizes = [8, 128], strides = [1, 1]} : vector<8x1536xf32> to vector<8x128xf32>
        %mul3A_1155 = arith.mulf %get3A_1128, %slice3A_1154 : vector<8x128xf32>
        %slice3A_1156 = vector.extract_strided_slice %get3A_56 {offsets = [0, 256], sizes = [8, 128], strides = [1, 1]} : vector<8x1536xf32> to vector<8x128xf32>
        %add3A_1157 = arith.addf %mul3A_1155, %slice3A_1156 : vector<8x128xf32>
        %add3A_1158 = arith.addf %mul3A_1153, %add3A_1157 : vector<8x128xf32>
        %add3A_1159 = arith.addf %mul3A_1151, %add3A_1158 : vector<8x128xf32>
        %max3A_1160 = arith.maximumf %max3A_1149, %add3A_1159 : vector<8x128xf32>
        %slice3A_1161 = vector.extract_strided_slice %get3A_41 {offsets = [0, 384], sizes = [8, 128], strides = [1, 1]} : vector<8x1536xf32> to vector<8x128xf32>
        %mul3A_1162 = arith.mulf %get3A_1122, %slice3A_1161 : vector<8x128xf32>
        %slice3A_1163 = vector.extract_strided_slice %get3A_46 {offsets = [0, 384], sizes = [8, 128], strides = [1, 1]} : vector<8x1536xf32> to vector<8x128xf32>
        %mul3A_1164 = arith.mulf %get3A_1125, %slice3A_1163 : vector<8x128xf32>
        %slice3A_1165 = vector.extract_strided_slice %get3A_51 {offsets = [0, 384], sizes = [8, 128], strides = [1, 1]} : vector<8x1536xf32> to vector<8x128xf32>
        %mul3A_1166 = arith.mulf %get3A_1128, %slice3A_1165 : vector<8x128xf32>
        %slice3A_1167 = vector.extract_strided_slice %get3A_56 {offsets = [0, 384], sizes = [8, 128], strides = [1, 1]} : vector<8x1536xf32> to vector<8x128xf32>
        %add3A_1168 = arith.addf %mul3A_1166, %slice3A_1167 : vector<8x128xf32>
        %add3A_1169 = arith.addf %mul3A_1164, %add3A_1168 : vector<8x128xf32>
        %add3A_1170 = arith.addf %mul3A_1162, %add3A_1169 : vector<8x128xf32>
        %max3A_1171 = arith.maximumf %max3A_1160, %add3A_1170 : vector<8x128xf32>
        %slice3A_1172 = vector.extract_strided_slice %get3A_41 {offsets = [0, 512], sizes = [8, 128], strides = [1, 1]} : vector<8x1536xf32> to vector<8x128xf32>
        %mul3A_1173 = arith.mulf %get3A_1122, %slice3A_1172 : vector<8x128xf32>
        %slice3A_1174 = vector.extract_strided_slice %get3A_46 {offsets = [0, 512], sizes = [8, 128], strides = [1, 1]} : vector<8x1536xf32> to vector<8x128xf32>
        %mul3A_1175 = arith.mulf %get3A_1125, %slice3A_1174 : vector<8x128xf32>
        %slice3A_1176 = vector.extract_strided_slice %get3A_51 {offsets = [0, 512], sizes = [8, 128], strides = [1, 1]} : vector<8x1536xf32> to vector<8x128xf32>
        %mul3A_1177 = arith.mulf %get3A_1128, %slice3A_1176 : vector<8x128xf32>
        %slice3A_1178 = vector.extract_strided_slice %get3A_56 {offsets = [0, 512], sizes = [8, 128], strides = [1, 1]} : vector<8x1536xf32> to vector<8x128xf32>
        %add3A_1179 = arith.addf %mul3A_1177, %slice3A_1178 : vector<8x128xf32>
        %add3A_1180 = arith.addf %mul3A_1175, %add3A_1179 : vector<8x128xf32>
        %add3A_1181 = arith.addf %mul3A_1173, %add3A_1180 : vector<8x128xf32>
        %max3A_1182 = arith.maximumf %max3A_1171, %add3A_1181 : vector<8x128xf32>
        %slice3A_1183 = vector.extract_strided_slice %get3A_41 {offsets = [0, 640], sizes = [8, 128], strides = [1, 1]} : vector<8x1536xf32> to vector<8x128xf32>
        %mul3A_1184 = arith.mulf %get3A_1122, %slice3A_1183 : vector<8x128xf32>
        %slice3A_1185 = vector.extract_strided_slice %get3A_46 {offsets = [0, 640], sizes = [8, 128], strides = [1, 1]} : vector<8x1536xf32> to vector<8x128xf32>
        %mul3A_1186 = arith.mulf %get3A_1125, %slice3A_1185 : vector<8x128xf32>
        %slice3A_1187 = vector.extract_strided_slice %get3A_51 {offsets = [0, 640], sizes = [8, 128], strides = [1, 1]} : vector<8x1536xf32> to vector<8x128xf32>
        %mul3A_1188 = arith.mulf %get3A_1128, %slice3A_1187 : vector<8x128xf32>
        %slice3A_1189 = vector.extract_strided_slice %get3A_56 {offsets = [0, 640], sizes = [8, 128], strides = [1, 1]} : vector<8x1536xf32> to vector<8x128xf32>
        %add3A_1190 = arith.addf %mul3A_1188, %slice3A_1189 : vector<8x128xf32>
        %add3A_1191 = arith.addf %mul3A_1186, %add3A_1190 : vector<8x128xf32>
        %add3A_1192 = arith.addf %mul3A_1184, %add3A_1191 : vector<8x128xf32>
        %max3A_1193 = arith.maximumf %max3A_1182, %add3A_1192 : vector<8x128xf32>
        %slice3A_1194 = vector.extract_strided_slice %get3A_41 {offsets = [0, 768], sizes = [8, 128], strides = [1, 1]} : vector<8x1536xf32> to vector<8x128xf32>
        %mul3A_1195 = arith.mulf %get3A_1122, %slice3A_1194 : vector<8x128xf32>
        %slice3A_1196 = vector.extract_strided_slice %get3A_46 {offsets = [0, 768], sizes = [8, 128], strides = [1, 1]} : vector<8x1536xf32> to vector<8x128xf32>
        %mul3A_1197 = arith.mulf %get3A_1125, %slice3A_1196 : vector<8x128xf32>
        %slice3A_1198 = vector.extract_strided_slice %get3A_51 {offsets = [0, 768], sizes = [8, 128], strides = [1, 1]} : vector<8x1536xf32> to vector<8x128xf32>
        %mul3A_1199 = arith.mulf %get3A_1128, %slice3A_1198 : vector<8x128xf32>
        %slice3A_1200 = vector.extract_strided_slice %get3A_56 {offsets = [0, 768], sizes = [8, 128], strides = [1, 1]} : vector<8x1536xf32> to vector<8x128xf32>
        %add3A_1201 = arith.addf %mul3A_1199, %slice3A_1200 : vector<8x128xf32>
        %add3A_1202 = arith.addf %mul3A_1197, %add3A_1201 : vector<8x128xf32>
        %add3A_1203 = arith.addf %mul3A_1195, %add3A_1202 : vector<8x128xf32>
        %max3A_1204 = arith.maximumf %max3A_1193, %add3A_1203 : vector<8x128xf32>
        %slice3A_1205 = vector.extract_strided_slice %get3A_41 {offsets = [0, 896], sizes = [8, 128], strides = [1, 1]} : vector<8x1536xf32> to vector<8x128xf32>
        %mul3A_1206 = arith.mulf %get3A_1122, %slice3A_1205 : vector<8x128xf32>
        %slice3A_1207 = vector.extract_strided_slice %get3A_46 {offsets = [0, 896], sizes = [8, 128], strides = [1, 1]} : vector<8x1536xf32> to vector<8x128xf32>
        %mul3A_1208 = arith.mulf %get3A_1125, %slice3A_1207 : vector<8x128xf32>
        %slice3A_1209 = vector.extract_strided_slice %get3A_51 {offsets = [0, 896], sizes = [8, 128], strides = [1, 1]} : vector<8x1536xf32> to vector<8x128xf32>
        %mul3A_1210 = arith.mulf %get3A_1128, %slice3A_1209 : vector<8x128xf32>
        %slice3A_1211 = vector.extract_strided_slice %get3A_56 {offsets = [0, 896], sizes = [8, 128], strides = [1, 1]} : vector<8x1536xf32> to vector<8x128xf32>
        %add3A_1212 = arith.addf %mul3A_1210, %slice3A_1211 : vector<8x128xf32>
        %add3A_1213 = arith.addf %mul3A_1208, %add3A_1212 : vector<8x128xf32>
        %add3A_1214 = arith.addf %mul3A_1206, %add3A_1213 : vector<8x128xf32>
        %max3A_1215 = arith.maximumf %max3A_1204, %add3A_1214 : vector<8x128xf32>
        %slice3A_1216 = vector.extract_strided_slice %get3A_41 {offsets = [0, 1024], sizes = [8, 128], strides = [1, 1]} : vector<8x1536xf32> to vector<8x128xf32>
        %mul3A_1217 = arith.mulf %get3A_1122, %slice3A_1216 : vector<8x128xf32>
        %slice3A_1218 = vector.extract_strided_slice %get3A_46 {offsets = [0, 1024], sizes = [8, 128], strides = [1, 1]} : vector<8x1536xf32> to vector<8x128xf32>
        %mul3A_1219 = arith.mulf %get3A_1125, %slice3A_1218 : vector<8x128xf32>
        %slice3A_1220 = vector.extract_strided_slice %get3A_51 {offsets = [0, 1024], sizes = [8, 128], strides = [1, 1]} : vector<8x1536xf32> to vector<8x128xf32>
        %mul3A_1221 = arith.mulf %get3A_1128, %slice3A_1220 : vector<8x128xf32>
        %slice3A_1222 = vector.extract_strided_slice %get3A_56 {offsets = [0, 1024], sizes = [8, 128], strides = [1, 1]} : vector<8x1536xf32> to vector<8x128xf32>
        %add3A_1223 = arith.addf %mul3A_1221, %slice3A_1222 : vector<8x128xf32>
        %add3A_1224 = arith.addf %mul3A_1219, %add3A_1223 : vector<8x128xf32>
        %add3A_1225 = arith.addf %mul3A_1217, %add3A_1224 : vector<8x128xf32>
        %max3A_1226 = arith.maximumf %max3A_1215, %add3A_1225 : vector<8x128xf32>
        %slice3A_1227 = vector.extract_strided_slice %get3A_41 {offsets = [0, 1152], sizes = [8, 128], strides = [1, 1]} : vector<8x1536xf32> to vector<8x128xf32>
        %mul3A_1228 = arith.mulf %get3A_1122, %slice3A_1227 : vector<8x128xf32>
        %slice3A_1229 = vector.extract_strided_slice %get3A_46 {offsets = [0, 1152], sizes = [8, 128], strides = [1, 1]} : vector<8x1536xf32> to vector<8x128xf32>
        %mul3A_1230 = arith.mulf %get3A_1125, %slice3A_1229 : vector<8x128xf32>
        %slice3A_1231 = vector.extract_strided_slice %get3A_51 {offsets = [0, 1152], sizes = [8, 128], strides = [1, 1]} : vector<8x1536xf32> to vector<8x128xf32>
        %mul3A_1232 = arith.mulf %get3A_1128, %slice3A_1231 : vector<8x128xf32>
        %slice3A_1233 = vector.extract_strided_slice %get3A_56 {offsets = [0, 1152], sizes = [8, 128], strides = [1, 1]} : vector<8x1536xf32> to vector<8x128xf32>
        %add3A_1234 = arith.addf %mul3A_1232, %slice3A_1233 : vector<8x128xf32>
        %add3A_1235 = arith.addf %mul3A_1230, %add3A_1234 : vector<8x128xf32>
        %add3A_1236 = arith.addf %mul3A_1228, %add3A_1235 : vector<8x128xf32>
        %max3A_1237 = arith.maximumf %max3A_1226, %add3A_1236 : vector<8x128xf32>
        %slice3A_1238 = vector.extract_strided_slice %get3A_41 {offsets = [0, 1280], sizes = [8, 128], strides = [1, 1]} : vector<8x1536xf32> to vector<8x128xf32>
        %mul3A_1239 = arith.mulf %get3A_1122, %slice3A_1238 : vector<8x128xf32>
        %slice3A_1240 = vector.extract_strided_slice %get3A_46 {offsets = [0, 1280], sizes = [8, 128], strides = [1, 1]} : vector<8x1536xf32> to vector<8x128xf32>
        %mul3A_1241 = arith.mulf %get3A_1125, %slice3A_1240 : vector<8x128xf32>
        %slice3A_1242 = vector.extract_strided_slice %get3A_51 {offsets = [0, 1280], sizes = [8, 128], strides = [1, 1]} : vector<8x1536xf32> to vector<8x128xf32>
        %mul3A_1243 = arith.mulf %get3A_1128, %slice3A_1242 : vector<8x128xf32>
        %slice3A_1244 = vector.extract_strided_slice %get3A_56 {offsets = [0, 1280], sizes = [8, 128], strides = [1, 1]} : vector<8x1536xf32> to vector<8x128xf32>
        %add3A_1245 = arith.addf %mul3A_1243, %slice3A_1244 : vector<8x128xf32>
        %add3A_1246 = arith.addf %mul3A_1241, %add3A_1245 : vector<8x128xf32>
        %add3A_1247 = arith.addf %mul3A_1239, %add3A_1246 : vector<8x128xf32>
        %max3A_1248 = arith.maximumf %max3A_1237, %add3A_1247 : vector<8x128xf32>
        %slice3A_1249 = vector.extract_strided_slice %get3A_41 {offsets = [0, 1408], sizes = [8, 128], strides = [1, 1]} : vector<8x1536xf32> to vector<8x128xf32>
        %mul3A_1250 = arith.mulf %get3A_1122, %slice3A_1249 : vector<8x128xf32>
        %slice3A_1251 = vector.extract_strided_slice %get3A_46 {offsets = [0, 1408], sizes = [8, 128], strides = [1, 1]} : vector<8x1536xf32> to vector<8x128xf32>
        %mul3A_1252 = arith.mulf %get3A_1125, %slice3A_1251 : vector<8x128xf32>
        %slice3A_1253 = vector.extract_strided_slice %get3A_51 {offsets = [0, 1408], sizes = [8, 128], strides = [1, 1]} : vector<8x1536xf32> to vector<8x128xf32>
        %mul3A_1254 = arith.mulf %get3A_1128, %slice3A_1253 : vector<8x128xf32>
        %slice3A_1255 = vector.extract_strided_slice %get3A_56 {offsets = [0, 1408], sizes = [8, 128], strides = [1, 1]} : vector<8x1536xf32> to vector<8x128xf32>
        %add3A_1256 = arith.addf %mul3A_1254, %slice3A_1255 : vector<8x128xf32>
        %add3A_1257 = arith.addf %mul3A_1252, %add3A_1256 : vector<8x128xf32>
        %add3A_1258 = arith.addf %mul3A_1250, %add3A_1257 : vector<8x128xf32>
        %max3A_1259 = arith.maximumf %max3A_1248, %add3A_1258 : vector<8x128xf32>
        %get3A_1260 = arith.index_cast %mul3A_1119 : i32 to index
        %get3A_1261 = arith.constant 0 : index
        %get3A_1262 = vector.load %arg7[%get3A_1260, %get3A_1261] : memref<4096x128xf32, #tpu.memory_space<vmem>>, vector<8x128xf32>
        %max3A_1263 = arith.maximumf %get3A_1262, %max3A_1259 : vector<8x128xf32>
        %swap3A_1264 = arith.index_cast %mul3A_1119 : i32 to index
        %swap3A_1265 = arith.constant 0 : index
        %swap3A_1266 = vector.load %arg7[%swap3A_1264, %swap3A_1265] : memref<4096x128xf32, #tpu.memory_space<vmem>>, vector<8x128xf32>
        tpu.vector_store %arg7[%swap3A_1264, %swap3A_1265], %max3A_1263 {strides = array<i32>} : memref<4096x128xf32, #tpu.memory_space<vmem>>, vector<8x128xf32>,
      }
      %scan3A_61 = arith.constant 512 : i32
    }
    %scan3A_25 = arith.constant 32 : i32
    %get3A_26 = arith.constant 0 : index
    %get3A_27 = arith.constant 0 : index
    %get3A_28 = vector.load %arg7[%get3A_26, %get3A_27] : memref<4096x128xf32, #tpu.memory_space<vmem>>, vector<4096x128xf32>
    %reduce_max3A = arith.constant dense<0xFF800000> : vector<4096xf32>
    %reduce_max3A_29 = vector.multi_reduction <maximumf>, %get3A_28, %reduce_max3A [1] : vector<4096x128xf32> to vector<4096xf32>
    %swap3A_30 = arith.constant 0 : index
    %swap3A_31 = arith.constant 0 : index
    %swap3A_32 = vector.load %arg3[%swap3A_30, %swap3A_31] : memref<4096x1xf32, #tpu.memory_space<vmem>>, vector<4096x1xf32>
    %swap3A_33 = vector.shape_cast %swap3A_32 : vector<4096x1xf32> to vector<4096xf32>
    %swap3A_34 = vector.shape_cast %reduce_max3A_29 : vector<4096xf32> to vector<4096x1xf32>
    tpu.vector_store %arg3[%swap3A_30, %swap3A_31], %swap3A_34 {strides = array<i32>} : memref<4096x1xf32, #tpu.memory_space<vmem>>, vector<4096x1xf32>,
    return
  }
  func.func @transform_0(%arg0: i32) -> (i32, i32) {
    %c0_i32 = arith.constant 0 : i32
    %c0_i32_0 = arith.constant 0 : i32
    return %arg0, %c0_i32 : i32, i32
  }
  func.func @transform_1(%arg0: i32) -> (i32, i32, i32) {
    %c0_i32 = arith.constant 0 : i32
    %c0_i32_0 = arith.constant 0 : i32
    %c0_i32_1 = arith.constant 0 : i32
    %c0_i32_2 = arith.constant 0 : i32
    return %c0_i32, %c0_i32_0, %c0_i32_1 : i32, i32, i32
  }
  func.func @transform_2(%arg0: i32) -> (i32, i32) {
    %c0_i32 = arith.constant 0 : i32
    %c0_i32_0 = arith.constant 0 : i32
    return %arg0, %c0_i32 : i32, i32
  }
}

</mosaic_0001>

<sc_bundles>
// kernel: _nn.6.cloned.1.call-start
scs
__scs_entry_jumppad:
0x0: {  	(pc) =	sbr.rel $0x88, $3  }
0x1: {  	(tag) =	ssettag $0x0;
	lr =	simm.s32 $0x1  }
0x2: {  	[smem:$0x3F9F] =	sst lr;
	_ =	strace $0xD0000000  }
0x3: {  	_ = 	snop  }
0x4: {  	_ = 	snop  }
0x5: {  	_ = 	snop  }
0x6: {  	_ = 	snop  }
0x7: {  	_ = 	snop  }
__scs_overlays_trampoline_lowered:
0x8: {  	[smem:$0x3FAE] =	sst s0  }
0x9: {  	[smem:$0x3FAF] =	sst s1  }
0xa: {  	[smem:$0x3FB0] =	sst s2  }
0xb: {  	[smem:$0x3FB1] =	sst s3  }
0xc: {  	[smem:$0x3FB2] =	sst s4  }
0xd: {  	[smem:$0x3FB3] =	sst s5  }
0xe: {  	[smem:$0x3FB4] =	sst s6  }
0xf: {  	[smem:$0x3FB5] =	sst s7  }
0x10: {  	[smem:$0x3FB6] =	sst s8  }
0x11: {  	[smem:$0x3FB7] =	sst s9;
	s0 =	simm.s32 @!p0 $0x0  }
0x12: {  	s1 =	sld [smem:$0x3F9D];
	s0 =	simm.s32 @p0 $0x1  }
0x13: {  	[smem:$0x3FB8] =	sst s0;
	s0 =	simm.s32 @!p1 $0x0  }
0x14: {  	s2 =	sld [smem:$0x3F9C];
	s0 =	simm.s32 @p1 $0x1  }
0x15: {  	[smem:$0x3FB9] =	sst s0;
	s0 =	simm.s32 @!p2 $0x0  }
0x16: {  	s3 =	sld [smem:$0x3FDB];
	s0 =	simm.s32 @p2 $0x1  }
0x17: {  	s4 =	simm.s32 $0x1BF5;
	[smem:$0x3FBB] =	sst s0  }
0x18: {  	s0 =	sld [smem:$0x3F9E];
	_ =	swait.ge [sflag:s4], $0x0  }
0x19: {  	s7 =	sld [smem:$0x3F9F]  }
0x1a: {  	s8 =	sadd.s32 $0xFFFFE003, lr  }
0x1b: {  	s9 =	sadd.s32 $0xFFFFFEF7, lr;
	s5 =	simm.s32 $0xFFFFFFFF;
	p2 =	slt.u32 s8, $0xFFFFF086  }
0x1c: {  	p1 =	slt.u32 s9, $0xF7A;
	s5 =	simm.s32 @!p2 $0x0  }
0x1d: {  	s5 =	simm.s32 @p1 $0x1;
	p0 =	seq.s32 s7, s2  }
0x1e: {  	s7 =	smul.u32 @!p0 $0xF7A, s2;
	p2 =	seq.s32 @!p0 s5, $0x0  }
0x1f: {  	s9 =	smul.u32 $0xF7A, s1;
	s8 =	simm.s32 @!p0 $0x1BF5;
	p2 =	por !p2, p0  }
0x20: {  	[sflag:s8] =	ssyncset.s32 @!p0 $0xFFFFF086;
	s6 =	sadd.s32 @!p0 s3, s7;
	s7 =	simm.s32 @!p0 $0x108  }
0x21: {  	s3 =	sadd.s32 s3, s9;
	s6 =	sadd.s32 @!p0 $0x88, s6;
	s7 =	simm.s32 @p2 $0x1082  }
0x22: {  	[simem:s7], [sflag:s8] =	dma.local @!p0 [hbm:s6], $0xF7A  }
0x23: {  	s9 =	sor.u32 $0xD0000000, s2;
	s6 =	simm.s32 $0x108;
	_ =	swait.ge @!p0 [sflag:s8], $0x0  }
0x24: {  	s3 =	sadd.s32 $0x88, s3;
	s6 =	simm.s32 @!p1 $0x1082;
	[sflag:s4] =	ssyncset.s32 $0xFFFFF086  }
0x25: {  	[simem:s6], [sflag:s4] =	dma.local [hbm:s3], $0xF7A  }
0x26: {  	[smem:$0x3F9F] =	sst s1;
	(tag) =	ssettag s2;
	_ =	strace s9  }
0x27: {  	s1 =	sld [smem:$0x3FAF]  }
0x28: {  	s2 =	sld [smem:$0x3FB0]  }
0x29: {  	s4 =	sld [smem:$0x3FB2]  }
0x2a: {  	p0 =	seq.s32 s5, $0x0;
	s5 =	sld [smem:$0x3FB3]  }
0x2b: {  	s6 =	sld [smem:$0x3FB4]  }
0x2c: {  	s7 =	sld [smem:$0x3FB5]  }
0x2d: {  	s3 =	simm.s32 $0x108;
	s8 =	sld [smem:$0x3FB6]  }
0x2e: {  	s3 =	simm.s32 @!p0 $0x1082;
	s9 =	sld [smem:$0x3FB7]  }
0x2f: {  	lr =	sadd.s32 s0, s3;
	s0 =	sld [smem:$0x3FAE]  }
0x30: {  	s3 =	sld [smem:$0x3FB1]  }
0x31: {  	[smem:$0x3FBA] =	sst s10  }
0x32: {  	s10 =	sld [smem:$0x3FB8];
	_ =	sdelay $0x3  }
0x33: {  	p0 =	seq.s32 s10, $0x1;
	s10 =	sld [smem:$0x3FBA];
	_ =	sdelay $0x3  }
0x34: {  	[smem:$0x3FBA] =	sst s10  }
0x35: {  	s10 =	sld [smem:$0x3FB9];
	_ =	sdelay $0x3  }
0x36: {  	p1 =	seq.s32 s10, $0x1;
	s10 =	sld [smem:$0x3FBA];
	_ =	sdelay $0x3  }
0x37: {  	[smem:$0x3FBA] =	sst s10  }
0x38: {  	s10 =	sld [smem:$0x3FBB]  }
0x39: {  	_ = 	snop;
	(pc) =	sbr.ind lr, $3  }
0x3a: {  	_ = 	snop  }
0x3b: {  	_ = 	snop  }
0x3c: {  	p2 =	seq.s32 s10, $0x1;
	s10 =	sld [smem:$0x3FBA]  }
0x3d: {  	_ =	shalt  }
0x3e: {  	_ =	shalt  }
0x3f: {  	_ =	shalt  }
0x40: {  	_ =	shalt  }
0x41: {  	_ =	shalt  }
0x42: {  	_ =	shalt  }
0x43: {  	_ =	shalt  }
0x44: {  	_ =	shalt  }
0x45: {  	_ =	shalt  }
0x46: {  	_ =	shalt  }
0x47: {  	_ =	shalt  }
0x48: {  	_ =	shalt  }
0x49: {  	_ =	shalt  }
0x4a: {  	_ =	shalt  }
0x4b: {  	_ =	shalt  }
0x4c: {  	_ =	shalt  }
0x4d: {  	_ =	shalt  }
0x4e: {  	_ =	shalt  }
0x4f: {  	_ =	shalt  }
0x50: {  	_ =	shalt  }
0x51: {  	_ =	shalt  }
0x52: {  	_ =	shalt  }
0x53: {  	_ =	shalt  }
0x54: {  	_ =	shalt  }
0x55: {  	_ =	shalt  }
0x56: {  	_ =	shalt  }
0x57: {  	_ =	shalt  }
0x58: {  	_ =	shalt  }
0x59: {  	_ =	shalt  }
0x5a: {  	_ =	shalt  }
0x5b: {  	_ =	shalt  }
0x5c: {  	_ =	shalt  }
0x5d: {  	_ =	shalt  }
0x5e: {  	_ =	shalt  }
0x5f: {  	_ =	shalt  }
0x60: {  	_ =	shalt  }
0x61: {  	_ =	shalt  }
0x62: {  	_ =	shalt  }
0x63: {  	_ =	shalt  }
0x64: {  	_ =	shalt  }
0x65: {  	_ =	shalt  }
0x66: {  	_ =	shalt  }
0x67: {  	_ =	shalt  }
0x68: {  	_ =	shalt  }
0x69: {  	_ =	shalt  }
0x6a: {  	_ =	shalt  }
0x6b: {  	_ =	shalt  }
0x6c: {  	_ =	shalt  }
0x6d: {  	_ =	shalt  }
0x6e: {  	_ =	shalt  }
0x6f: {  	_ =	shalt  }
0x70: {  	_ =	shalt  }
0x71: {  	_ =	shalt  }
0x72: {  	_ =	shalt  }
0x73: {  	_ =	shalt  }
0x74: {  	_ =	shalt  }
0x75: {  	_ =	shalt  }
0x76: {  	_ =	shalt  }
0x77: {  	_ =	shalt  }
0x78: {  	_ =	shalt  }
0x79: {  	_ =	shalt  }
0x7a: {  	_ =	shalt  }
0x7b: {  	_ =	shalt  }
0x7c: {  	_ =	shalt  }
0x7d: {  	_ =	shalt  }
0x7e: {  	_ =	shalt  }
0x7f: {  	_ =	shalt  }
0x80: {  	_ =	shalt  }
0x81: {  	_ =	shalt  }
0x82: {  	_ =	shalt  }
0x83: {  	_ =	shalt  }
0x84: {  	_ =	shalt  }
0x85: {  	_ =	shalt  }
0x86: {  	_ =	shalt  }
0x87: {  	_ =	shalt  }
.Lfunc_end0:
.L_simem_size_0:
called_computation_lowered:
.L_overlay_start_0:
0x88: {  	s2 =	sld [smem:$0x3FD9]  }
0x89: {  	s3 =	sld [smem:$0x3FFE];
	_ =	sdelay $0x1  }
0x8a: {  	s1 =	srdreg.scid  }
0x8b: {  	s0 =	sand.u32 $0x1, s1  }
0x8c: {  	s16 =	sshll.u32 s0, $0xA;
	s2 =	sadd.s32 s3, s2  }
0x8d: {  	s2 =	sadd.s32 s2, s16  }
0x8e: {  	[smem:$0x3FC6] =	sst s2  }
0x8f: {  	_ = 	snop  }
0x90: {  	(tm) =	ssettm $0x1  }
0x91: {  	s17 =	sld [smem:$0x3FFB];
	_ =	sdelay $0x3  }
0x92: {  	_ =	strace s17  }
0x93: {  	s2 =	sld [smem:$0x3FFC];
	_ =	sdelay $0x3  }
0x94: {  	_ =	strace s2  }
0x95: {  	s2 =	sld [smem:$0x3FFD];
	_ =	sdelay $0x3  }
0x96: {  	_ =	strace s2  }
0x97: {  	_ =	strace $0x8FFFFFFF  }
0x98: {  	s18 =	sld [smem:$0x3FDB];
	_ =	sdelay $0x1  }
0x99: {  	s19 =	simm.s32 $_scs_section_size  }
0x9a: {  	s4 =	simm.s32 $_size__tile_overlayer_lowered;
	s5 =	simm.s32 $_tile_overlayer_lowered  }
0x9b: {  	s22 =	simm.s32 $0x1BFF;
	s21 =	sshll.u32 s5, $0x1;
	s2 =	sadd.s32 s19, s18  }
0x9c: {  	s6 =	simm.s32 $0x0;
	s20 =	sshll.u32 s4, $0x1;
	s4 =	sadd.s32 s21, s2  }
0x9d: {  	[timem:s6], [sflag:s22] =	dma.local [hbm:s4], s20  }
0x9e: {  	_ =	swait.ge [sflag:s22], s20  }
0x9f: {  	s3 =	ssub.s32 $0x0, s20;
	[sflag:s22] =	ssyncset.done $0x0  }
0xa0: {  	[sflag:s22] =	ssyncadd.s32 s3;
	_ =	sdelay $0x1  }
0xa1: {  	s23 =	simm.s32 $0x1B8B  }
0xa2: {  	_ =	swait.ge [sflag:s23], $0x1  }
0xa3: {  	[sflag:s23] =	ssyncset.done $0x0  }
0xa4: {  	s25 =	simm.s32 $0x1B8E;
	s24 =	sld [smem:$0x3FFE];
	[sflag:s23] =	ssyncadd.s32 $0xFFFFFFFF  }
0xa5: {  	s26 =	simm.s32 $execute0_lowered;
	[smem:$0x3FD2] =	sst s25  }
0xa6: {  	s4 =	sshll.u32 s26, $0x1;
	_ =	strace $0x80000046;
	[dreg:$0x1] =	wrdreg $0xFFFFFFFF  }
0xa7: {  	s28 =	simm.s32 $_size_execute0_lowered;
	s2 =	sadd.s32 s2, s4;
	[dreg:$0x0] =	wrdreg $0x0  }
0xa8: {  	s4 =	sshll.u32 s28, $0x1;
	[dreg:$0x2] =	wrdreg s2  }
0xa9: {  	[dreg:$0x3] =	wrdreg s4  }
0xaa: {  	[dreg:$0x4] =	wrdreg $0xC0  }
0xab: {  	_ =	task [dreg:s6], $0x5FFFF  }
0xac: {  	[dreg:$0x1] =	wrdreg $0xFFFFFFFF  }
0xad: {  	[dreg:$0x0] =	wrdreg $0x60  }
0xae: {  	[dreg:$0x2] =	wrdreg s24  }
0xaf: {  	[dreg:$0x3] =	wrdreg $0x9  }
0xb0: {  	_ =	task.clear_ibuf [dreg:s6], $0x4FFFF;
	_ =	strace $0x90000046  }
0xb1: {  	s29 =	simm.s32 $0x9;
	_ =	strace $0x80000048  }
0xb2: {  	_ =	swait.ge [sflag:s29], $0x1  }
0xb3: {  	[sflag:s29] =	ssyncadd.s32 $0xFFFFFFFF  }
0xb4: {  	_ =	strace $0x90000048  }
0xb5: {  	_ =	sfence  }
0xb6: {  	s30 =	sld [smem:$0x0];
	_ =	sdelay $0x2  }
0xb7: {  	s31 =	sshll.u32 s1, $0xD;
	s1 =	sshrl.u32 s1, $0x2  }
0xb8: {  	s3 =	sand.u32 $0x4000, s31;
	s1 =	sadd.s32 s1, s30  }
0xb9: {  	s0 =	sor.u32 s3, s0;
	s1 =	sshll.u32 s1, $0x11  }
0xba: {  	s0 =	sor.u32 s1, s0  }
0xbb: {  	s0 =	sadd.s32 $0x8F2B, s0  }
0xbc: {  	[sflag:s0] =	ssyncadd.remote.s32 $0x1  }
0xbd: {  	_ =	sfence.sel $0xFFFF  }
0xbe: {  	[dreg:$0x0] =	wrdreg $0xFFFFFFFF;
	(pc) =	sbr.abs _section_cstart, $3  }
0xbf: {  	[dreg:$0x1] =	wrdreg $0xFFFFFFFF  }
0xc0: {  	_ =	task.clear_ibuf [dreg:s6], $0x2FFFF;
	_ =	strace $0x9FFFFFFF  }
0xc1: {  	(tm) =	ssettm $0x7FFFFFFF  }
tec
execute0_lowered:
.L_overlay_start_1:
0x0: {  	(tag) =	ssettag $0x1  }
0x1: {  	s1 =	srdreg.scid;
	s0 =	stileid.u32  }
0x2: {  	s4 =	rddreg [dreg:$0x0];
	s2 =	simm.s32 $0x0;
	s9 =	simm.s32 $0x10400  }
0x3: {  	s10 =	simm.s32 $0x0;
	s3 =	sand.u32 $0x1, s1;
	s1 =	rddreg [dreg:$0x1]  }
0x4: {  	s5 =	sshll.u32 s0, $0x9;
	[smem:$0x7FF] =	sst s2;
	s6 =	sshll.u32 s3, $0x8  }
0x5: {  	_ =	strace $0x80000047;
	s7 =	ssub.s32 $0x2, s3;
	s5 =	sor.u32 s6, s5  }
0x6: {  	s3 =	sadd.s32 $0xE00, s4;
	s8 =	sshrl.u32 s7, $0x1;
	s6 =	sshrl.u32 s5, $0x1  }
0x7: {  	s5 =	sshll.u32 s5, $0x4;
	s7 =	ssub.s32 s7, s8;
	s6 =	sadd.s32 s6, s4  }
0x8: {  	s8 =	simm.s32 $0x400;
	s5 =	sadd.s32 s5, s4;
	s4 =	sadd.s32 $0x2E00, s6  }
0x9: {  	s5 =	sadd.s32 $0x3E00, s5;
	s6 =	smax.u32 s7, $0x1;
	s7 =	simm.s32 $0x1  }
.LBB2_1:
0xa: {  	[tilespmem:s2], [sflag:$0x1] =	stream.linear.gather [hbm4b:s4+s2], $0x400, $0x38;
	[tilespmem:$0x18400] =	vst v63  }
0xb: {  	_ =	swait.ge [sflag:s7], $0x400  }
0xc: {  	[sflag:s7] =	ssyncset.done $0x0  }
0xd: {  	[sflag:s7] =	ssyncadd.s32 $0xFFFFFC00  }
0xe: {  	[tilespmem:s8], [sflag:$0x1] =	stream.linear.gather [hbm4b:s3+s2], $0x10000, $0x38;
	[tilespmem:$0x18400] =	vst v63  }
0xf: {  	_ =	swait.ge [sflag:s7], $0x10000  }
0x10: {  	[sflag:s7] =	ssyncset.done $0x0  }
0x11: {  	s11 =	simm.s32 $0x0;
	[sflag:s7] =	ssyncadd.s32 $0xFFFF0000  }
.LBB2_2:
0x12: {  	s12 =	sshll.u32 s11, $0x4;
	s13 =	sshll.u32 s11, $0x6  }
0x13: {  	s12 =	sand.u32 $0x70, s12;
	s13 =	sand.u32 $0x200, s13  }
0x14: {  	s12 =	sor.u32 s12, s13  }
0x15: {  	v0 =	vld [tilespmem:s12+$0x0]  }
0x16: {  	v1 =	vld [tilespmem:s12+$0x80]  }
0x17: {  	s30 =	simm.s32 $0x0;
	v2 =	vld [tilespmem:s12+$0x100]  }
0x18: {  	s31 =	sand.u32 $0x70, s30;
	s12 =	sand.u32 $0xFE00, s30  }
0x19: {  	s13 =	sor.u32 s31, s12  }
0x1a: {  	v13 =	vld [tilespmem:s13+$0x500]  }
0x1b: {  	v4 =	vbroadcast v0, $0x0  }
0x1c: {  	v16 =	vld [tilespmem:s13+$0x580];
	v7 =	vbroadcast v1, $0x0;
	v11 =	vbroadcast v2, $0x0  }
0x1d: {  	v5 =	vbroadcast v0, $0x1;
	v17 =	vbroadcast v2, $0x3  }
0x1e: {  	v18 =	vld [tilespmem:s13+$0x480];
	v9 =	vbroadcast v1, $0x1;
	v12 =	vbroadcast v2, $0x1  }
0x1f: {  	v6 =	vbroadcast v0, $0x2;
	v20 =	vmul.f32 v13, v17  }
0x20: {  	v10 =	vbroadcast v1, $0x2;
	v14 =	vbroadcast v2, $0x2  }
0x21: {  	v15 =	vbroadcast v1, $0x3;
	v19 =	vmul.f32 v13, v11;
	v25 =	vadd.f32 v16, v20;
	v20 =	vld [tilespmem:s13+$0x400]  }
0x22: {  	v3 =	vimm.f32 $-Inf;
	v21 =	vmul.f32 v13, v12;
	v13 =	vmul.f32 v13, v14  }
0x23: {  	v8 =	vbroadcast v0, $0x3;
	v24 =	vmul.f32 v18, v15;
	v22 =	vadd.f32 v16, v19  }
0x24: {  	s14 =	simm.s32 $0x10;
	s12 =	simm.s32 $0x40;
	v26 =	vmul.f32 v18, v7;
	v23 =	vadd.f32 v16, v21;
	v21 =	vadd.f32 v16, v13  }
0x25: {  	s14 =	sand.u32 $0x70, s14;
	s15 =	sand.u32 $0xFE00, s12;
	s13 =	simm.s32 $0x20;
	v19 =	vimm.f32 $-Inf;
	v16 =	vimm.f32 $-Inf;
	v13 =	vimm.f32 $-Inf  }
.LBB2_3:
0x26: {  	p0 =	sne.s32 s13, $0x3FF0;
	s14 =	sor.u32 s14, s15;
	v27 =	vmul.f32 v18, v9;
	v28 =	vmul.f32 v20, v8;
	v24 =	vadd.f32 v25, v24  }
0x27: {  	v29 =	vmul.f32 v20, v4;
	v25 =	vld [tilespmem:s14+$0x500];
	v22 =	vadd.f32 v22, v26;
	v26 =	vmul.f32 v18, v10  }
0x28: {  	v30 =	vmul.f32 v20, v5;
	v18 =	vld [tilespmem:s14+$0x480];
	v23 =	vadd.f32 v23, v27;
	v24 =	vadd.f32 v24, v28  }
0x29: {  	v28 =	vmul.f32 v20, v6;
	v27 =	vld [tilespmem:s14+$0x580];
	v22 =	vadd.f32 v22, v29;
	v21 =	vadd.f32 v21, v26  }
0x2a: {  	v23 =	vadd.f32 v23, v30;
	v3 =	vmax.f32 v3, v24  }
.Ltmp0:
0x2b: {  	v20 =	vld [tilespmem:s14+$0x400];
	v19 =	vmax.f32 v19, v22;
	v21 =	vadd.f32 v21, v28;
	(pc) =	sbr.rel @p0 .LBB2_3-.Ltmp0, $4  }
0x2c: {  	v22 =	vmul.f32 v25, v11;
	v26 =	vmul.f32 v25, v17;
	v16 =	vmax.f32 v16, v23  }
0x2d: {  	v23 =	vmul.f32 v25, v12;
	v28 =	vmul.f32 v25, v14;
	v13 =	vmax.f32 v13, v21  }
0x2e: {  	s12 =	sadd.s32 $0x40, s12;
	v24 =	vmul.f32 v18, v15;
	v22 =	vadd.f32 v27, v22;
	v25 =	vadd.f32 v27, v26  }
0x2f: {  	s15 =	sand.u32 $0xFE00, s12;
	s14 =	sand.u32 $0x70, s13;
	s13 =	sadd.s32 $0x10, s13;
	v26 =	vmul.f32 v18, v7;
	v23 =	vadd.f32 v27, v23;
	v21 =	vadd.f32 v27, v28  }
0x30: {  	s12 =	sor.u32 s14, s15  }
0x31: {  	v27 =	vmul.f32 v18, v9;
	v28 =	vmul.f32 v20, v8;
	v29 =	vld [tilespmem:s12+$0x500]  }
0x32: {  	v24 =	vadd.f32 v25, v24;
	v18 =	vmul.f32 v18, v10;
	v22 =	vadd.f32 v22, v26;
	v26 =	vld [tilespmem:s12+$0x480]  }
0x33: {  	v25 =	vmul.f32 v20, v4;
	v30 =	vmul.f32 v20, v5;
	v23 =	vadd.f32 v23, v27;
	v27 =	vld [tilespmem:s12+$0x580]  }
0x34: {  	v20 =	vmul.f32 v20, v6;
	v24 =	vadd.f32 v24, v28;
	v18 =	vadd.f32 v21, v18  }
0x35: {  	v22 =	vadd.f32 v22, v25;
	v21 =	vadd.f32 v23, v30;
	v23 =	vld [tilespmem:s12+$0x400]  }
0x36: {  	v18 =	vadd.f32 v18, v20;
	v11 =	vmul.f32 v29, v11;
	v17 =	vmul.f32 v29, v17  }
0x37: {  	v19 =	vmax.f32 v19, v22;
	v12 =	vmul.f32 v29, v12;
	v14 =	vmul.f32 v29, v14  }
0x38: {  	v15 =	vmul.f32 v26, v15;
	v7 =	vmul.f32 v26, v7;
	v11 =	vadd.f32 v27, v11  }
0x39: {  	v9 =	vmul.f32 v26, v9;
	v10 =	vmul.f32 v26, v10;
	v12 =	vadd.f32 v27, v12  }
0x3a: {  	v14 =	vadd.f32 v27, v14;
	v4 =	vmul.f32 v23, v4;
	v7 =	vadd.f32 v11, v7  }
0x3b: {  	v5 =	vmul.f32 v23, v5;
	v11 =	vadd.f32 v27, v17;
	v9 =	vadd.f32 v12, v9  }
0x3c: {  	v6 =	vmul.f32 v23, v6;
	v4 =	vadd.f32 v7, v4;
	v7 =	vadd.f32 v14, v10  }
0x3d: {  	s29 =	sshll.u32 s11, $0xB;
	v8 =	vmul.f32 v23, v8;
	v10 =	vadd.f32 v11, v15;
	v5 =	vadd.f32 v9, v5  }
0x3e: {  	s12 =	sand.u32 $0x3FFFF800, s29;
	v9 =	vmax.f32 v16, v21;
	v4 =	vmax.f32 v19, v4;
	v6 =	vadd.f32 v7, v6  }
0x3f: {  	v7 =	vmax.f32 v13, v18;
	v8 =	vadd.f32 v10, v8;
	v5 =	vmax.f32 v9, v5;
	[tilespmem:s12+$0x10400] =	vst v4  }
0x40: {  	s13 =	simm.s32 $0x0;
	v3 =	vmax.f32 v3, v24;
	[tilespmem:s12+$0x10480] =	vst v5;
	v4 =	vmax.f32 v7, v6  }
0x41: {  	s30 =	sand.u32 $0x70, s13;
	s13 =	sand.u32 $0xFE00, s13;
	v3 =	vmax.f32 v3, v8;
	[tilespmem:s12+$0x10500] =	vst v4  }
0x42: {  	s14 =	sor.u32 s30, s13;
	[tilespmem:s12+$0x10580] =	vst v3  }
0x43: {  	v15 =	vld [tilespmem:s14+$0x500]  }
0x44: {  	v12 =	vbroadcast v2, $0x5;
	v17 =	vbroadcast v2, $0x7  }
0x45: {  	v11 =	vbroadcast v2, $0x4;
	v14 =	vbroadcast v1, $0x7;
	v16 =	vld [tilespmem:s14+$0x580]  }
0x46: {  	v9 =	vbroadcast v1, $0x5;
	v10 =	vbroadcast v1, $0x6  }
0x47: {  	v13 =	vbroadcast v2, $0x6;
	v5 =	vbroadcast v0, $0x5;
	v18 =	vld [tilespmem:s14+$0x480]  }
0x48: {  	v7 =	vbroadcast v1, $0x4;
	v20 =	vmul.f32 v15, v17  }
0x49: {  	v6 =	vbroadcast v0, $0x6;
	v8 =	vbroadcast v0, $0x7  }
0x4a: {  	v4 =	vbroadcast v0, $0x4;
	v19 =	vmul.f32 v15, v11;
	v25 =	vadd.f32 v16, v20;
	v20 =	vld [tilespmem:s14+$0x400]  }
0x4b: {  	v21 =	vmul.f32 v15, v12;
	v15 =	vmul.f32 v15, v13  }
0x4c: {  	v3 =	vimm.f32 $-Inf;
	v24 =	vmul.f32 v18, v14;
	v22 =	vadd.f32 v16, v19  }
0x4d: {  	s31 =	simm.s32 $0x10;
	s13 =	simm.s32 $0x40;
	v26 =	vmul.f32 v18, v7;
	v23 =	vadd.f32 v16, v21;
	v21 =	vadd.f32 v16, v15  }
0x4e: {  	s15 =	sand.u32 $0x70, s31;
	s16 =	sand.u32 $0xFE00, s13;
	s14 =	simm.s32 $0x20;
	v19 =	vimm.f32 $-Inf;
	v16 =	vimm.f32 $-Inf;
	v15 =	vimm.f32 $-Inf  }
.LBB2_5:
0x4f: {  	p0 =	sne.s32 s14, $0x3FF0;
	s15 =	sor.u32 s15, s16;
	v27 =	vmul.f32 v18, v9;
	v28 =	vmul.f32 v20, v8;
	v24 =	vadd.f32 v25, v24  }
0x50: {  	v29 =	vmul.f32 v20, v4;
	v25 =	vld [tilespmem:s15+$0x500];
	v22 =	vadd.f32 v22, v26;
	v26 =	vmul.f32 v18, v10  }
0x51: {  	v30 =	vmul.f32 v20, v5;
	v18 =	vld [tilespmem:s15+$0x480];
	v23 =	vadd.f32 v23, v27;
	v24 =	vadd.f32 v24, v28  }
0x52: {  	v28 =	vmul.f32 v20, v6;
	v27 =	vld [tilespmem:s15+$0x580];
	v22 =	vadd.f32 v22, v29;
	v21 =	vadd.f32 v21, v26  }
0x53: {  	v23 =	vadd.f32 v23, v30;
	v3 =	vmax.f32 v3, v24  }
.Ltmp1:
0x54: {  	v20 =	vld [tilespmem:s15+$0x400];
	v19 =	vmax.f32 v19, v22;
	v21 =	vadd.f32 v21, v28;
	(pc) =	sbr.rel @p0 .LBB2_5-.Ltmp1, $4  }
0x55: {  	v22 =	vmul.f32 v25, v11;
	v26 =	vmul.f32 v25, v17;
	v16 =	vmax.f32 v16, v23  }
0x56: {  	v23 =	vmul.f32 v25, v12;
	v28 =	vmul.f32 v25, v13;
	v15 =	vmax.f32 v15, v21  }
0x57: {  	s13 =	sadd.s32 $0x40, s13;
	v24 =	vmul.f32 v18, v14;
	v22 =	vadd.f32 v27, v22;
	v25 =	vadd.f32 v27, v26  }
0x58: {  	s16 =	sand.u32 $0xFE00, s13;
	s15 =	sand.u32 $0x70, s14;
	s14 =	sadd.s32 $0x10, s14;
	v26 =	vmul.f32 v18, v7;
	v23 =	vadd.f32 v27, v23;
	v21 =	vadd.f32 v27, v28  }
0x59: {  	s13 =	sor.u32 s15, s16  }
0x5a: {  	v27 =	vmul.f32 v18, v9;
	v28 =	vmul.f32 v20, v8;
	v29 =	vld [tilespmem:s13+$0x500]  }
0x5b: {  	v24 =	vadd.f32 v25, v24;
	v18 =	vmul.f32 v18, v10;
	v22 =	vadd.f32 v22, v26;
	v26 =	vld [tilespmem:s13+$0x480]  }
0x5c: {  	v25 =	vmul.f32 v20, v4;
	v30 =	vmul.f32 v20, v5;
	v23 =	vadd.f32 v23, v27;
	v27 =	vld [tilespmem:s13+$0x580]  }
0x5d: {  	v20 =	vmul.f32 v20, v6;
	v24 =	vadd.f32 v24, v28;
	v18 =	vadd.f32 v21, v18  }
0x5e: {  	v22 =	vadd.f32 v22, v25;
	v21 =	vadd.f32 v23, v30;
	v23 =	vld [tilespmem:s13+$0x400]  }
0x5f: {  	v18 =	vadd.f32 v18, v20;
	v11 =	vmul.f32 v29, v11;
	v17 =	vmul.f32 v29, v17  }
0x60: {  	v19 =	vmax.f32 v19, v22;
	v12 =	vmul.f32 v29, v12;
	v13 =	vmul.f32 v29, v13  }
0x61: {  	v14 =	vmul.f32 v26, v14;
	v7 =	vmul.f32 v26, v7;
	v11 =	vadd.f32 v27, v11  }
0x62: {  	v9 =	vmul.f32 v26, v9;
	v10 =	vmul.f32 v26, v10;
	v12 =	vadd.f32 v27, v12  }
0x63: {  	v13 =	vadd.f32 v27, v13;
	v4 =	vmul.f32 v23, v4;
	v7 =	vadd.f32 v11, v7  }
0x64: {  	v5 =	vmul.f32 v23, v5;
	v11 =	vadd.f32 v27, v17;
	v9 =	vadd.f32 v12, v9  }
0x65: {  	v6 =	vmul.f32 v23, v6;
	v4 =	vadd.f32 v7, v4;
	v7 =	vadd.f32 v13, v10  }
0x66: {  	v8 =	vmul.f32 v23, v8;
	v10 =	vadd.f32 v11, v14;
	v5 =	vadd.f32 v9, v5  }
0x67: {  	v9 =	vmax.f32 v16, v21;
	v4 =	vmax.f32 v19, v4;
	v6 =	vadd.f32 v7, v6  }
0x68: {  	v7 =	vmax.f32 v15, v18;
	v8 =	vadd.f32 v10, v8;
	v5 =	vmax.f32 v9, v5;
	[tilespmem:s12+$0x10600] =	vst v4  }
0x69: {  	s30 =	simm.s32 $0x0;
	v3 =	vmax.f32 v3, v24;
	[tilespmem:s12+$0x10680] =	vst v5;
	v4 =	vmax.f32 v7, v6  }
0x6a: {  	s14 =	sand.u32 $0x70, s30;
	s13 =	sand.u32 $0xFE00, s30;
	v3 =	vmax.f32 v3, v8;
	[tilespmem:s12+$0x10700] =	vst v4  }
0x6b: {  	s14 =	sor.u32 s14, s13;
	[tilespmem:s12+$0x10780] =	vst v3  }
0x6c: {  	v15 =	vld [tilespmem:s14+$0x500]  }
0x6d: {  	v12 =	vbroadcast v2, $0x9;
	v17 =	vbroadcast v2, $0xB  }
0x6e: {  	v11 =	vbroadcast v2, $0x8;
	v13 =	vbroadcast v2, $0xA;
	v16 =	vld [tilespmem:s14+$0x580]  }
0x6f: {  	v14 =	vbroadcast v1, $0xB;
	v9 =	vbroadcast v1, $0x9  }
0x70: {  	v10 =	vbroadcast v1, $0xA;
	v5 =	vbroadcast v0, $0x9;
	v18 =	vld [tilespmem:s14+$0x480]  }
0x71: {  	v7 =	vbroadcast v1, $0x8;
	v20 =	vmul.f32 v15, v17  }
0x72: {  	v6 =	vbroadcast v0, $0xA;
	v8 =	vbroadcast v0, $0xB  }
0x73: {  	v4 =	vbroadcast v0, $0x8;
	v19 =	vmul.f32 v15, v11;
	v25 =	vadd.f32 v16, v20;
	v20 =	vld [tilespmem:s14+$0x400]  }
0x74: {  	v21 =	vmul.f32 v15, v12;
	v15 =	vmul.f32 v15, v13  }
0x75: {  	v3 =	vimm.f32 $-Inf;
	v24 =	vmul.f32 v18, v14;
	v22 =	vadd.f32 v16, v19  }
0x76: {  	s31 =	simm.s32 $0x10;
	s13 =	simm.s32 $0x40;
	v26 =	vmul.f32 v18, v7;
	v23 =	vadd.f32 v16, v21;
	v21 =	vadd.f32 v16, v15  }
0x77: {  	s15 =	sand.u32 $0x70, s31;
	s16 =	sand.u32 $0xFE00, s13;
	s14 =	simm.s32 $0x20;
	v19 =	vimm.f32 $-Inf;
	v16 =	vimm.f32 $-Inf;
	v15 =	vimm.f32 $-Inf  }
.LBB2_7:
0x78: {  	p0 =	sne.s32 s14, $0x3FF0;
	s15 =	sor.u32 s15, s16;
	v27 =	vmul.f32 v18, v9;
	v28 =	vmul.f32 v20, v8;
	v24 =	vadd.f32 v25, v24  }
0x79: {  	v29 =	vmul.f32 v20, v4;
	v25 =	vld [tilespmem:s15+$0x500];
	v22 =	vadd.f32 v22, v26;
	v26 =	vmul.f32 v18, v10  }
0x7a: {  	v30 =	vmul.f32 v20, v5;
	v18 =	vld [tilespmem:s15+$0x480];
	v23 =	vadd.f32 v23, v27;
	v24 =	vadd.f32 v24, v28  }
0x7b: {  	v28 =	vmul.f32 v20, v6;
	v27 =	vld [tilespmem:s15+$0x580];
	v22 =	vadd.f32 v22, v29;
	v21 =	vadd.f32 v21, v26  }
0x7c: {  	v23 =	vadd.f32 v23, v30;
	v3 =	vmax.f32 v3, v24  }
.Ltmp2:
0x7d: {  	v20 =	vld [tilespmem:s15+$0x400];
	v19 =	vmax.f32 v19, v22;
	v21 =	vadd.f32 v21, v28;
	(pc) =	sbr.rel @p0 .LBB2_7-.Ltmp2, $4  }
0x7e: {  	v22 =	vmul.f32 v25, v11;
	v26 =	vmul.f32 v25, v17;
	v16 =	vmax.f32 v16, v23  }
0x7f: {  	v23 =	vmul.f32 v25, v12;
	v28 =	vmul.f32 v25, v13;
	v15 =	vmax.f32 v15, v21  }
0x80: {  	s13 =	sadd.s32 $0x40, s13;
	v24 =	vmul.f32 v18, v14;
	v22 =	vadd.f32 v27, v22;
	v25 =	vadd.f32 v27, v26  }
0x81: {  	s16 =	sand.u32 $0xFE00, s13;
	s15 =	sand.u32 $0x70, s14;
	s14 =	sadd.s32 $0x10, s14;
	v26 =	vmul.f32 v18, v7;
	v23 =	vadd.f32 v27, v23;
	v21 =	vadd.f32 v27, v28  }
0x82: {  	s13 =	sor.u32 s15, s16  }
0x83: {  	v27 =	vmul.f32 v18, v9;
	v28 =	vmul.f32 v20, v8;
	v29 =	vld [tilespmem:s13+$0x500]  }
0x84: {  	v24 =	vadd.f32 v25, v24;
	v61 =	vmul.f32 v20, v4;
	v18 =	vmul.f32 v18, v10;
	v62 =	vld [tilespmem:s13+$0x480]  }
0x85: {  	v30 =	vmul.f32 v20, v5;
	v22 =	vadd.f32 v22, v26;
	v63 =	vld [tilespmem:s13+$0x580];
	v23 =	vadd.f32 v23, v27  }
0x86: {  	v20 =	vmul.f32 v20, v6;
	v24 =	vadd.f32 v24, v28;
	v18 =	vadd.f32 v21, v18  }
0x87: {  	v22 =	vadd.f32 v22, v61;
	v21 =	vadd.f32 v23, v30;
	v23 =	vld [tilespmem:s13+$0x400]  }
0x88: {  	v18 =	vadd.f32 v18, v20;
	v11 =	vmul.f32 v29, v11;
	v17 =	vmul.f32 v29, v17  }
0x89: {  	v19 =	vmax.f32 v19, v22;
	v12 =	vmul.f32 v29, v12;
	v13 =	vmul.f32 v29, v13  }
0x8a: {  	v14 =	vmul.f32 v62, v14;
	v7 =	vmul.f32 v62, v7;
	v11 =	vadd.f32 v63, v11  }
0x8b: {  	v9 =	vmul.f32 v62, v9;
	v10 =	vmul.f32 v62, v10;
	v12 =	vadd.f32 v63, v12  }
0x8c: {  	v13 =	vadd.f32 v63, v13;
	v4 =	vmul.f32 v23, v4;
	v7 =	vadd.f32 v11, v7  }
0x8d: {  	v5 =	vmul.f32 v23, v5;
	v11 =	vadd.f32 v63, v17;
	v9 =	vadd.f32 v12, v9  }
0x8e: {  	v6 =	vmul.f32 v23, v6;
	v4 =	vadd.f32 v7, v4;
	v7 =	vadd.f32 v13, v10  }
0x8f: {  	v8 =	vmul.f32 v23, v8;
	v10 =	vadd.f32 v11, v14;
	v5 =	vadd.f32 v9, v5  }
0x90: {  	v9 =	vmax.f32 v16, v21;
	v4 =	vmax.f32 v19, v4;
	v6 =	vadd.f32 v7, v6  }
0x91: {  	v7 =	vmax.f32 v15, v18;
	v8 =	vadd.f32 v10, v8;
	v5 =	vmax.f32 v9, v5;
	[tilespmem:s12+$0x10800] =	vst v4  }
0x92: {  	s30 =	simm.s32 $0x0;
	v3 =	vmax.f32 v3, v24;
	[tilespmem:s12+$0x10880] =	vst v5;
	v4 =	vmax.f32 v7, v6  }
0x93: {  	s14 =	sand.u32 $0x70, s30;
	s13 =	sand.u32 $0xFE00, s30;
	v3 =	vmax.f32 v3, v8;
	[tilespmem:s12+$0x10900] =	vst v4  }
0x94: {  	s14 =	sor.u32 s14, s13;
	[tilespmem:s12+$0x10980] =	vst v3  }
0x95: {  	v12 =	vld [tilespmem:s14+$0x500]  }
0x96: {  	v11 =	vbroadcast v2, $0xE;
	v14 =	vbroadcast v2, $0xF  }
0x97: {  	v9 =	vbroadcast v2, $0xC;
	v10 =	vbroadcast v2, $0xD;
	v13 =	vld [tilespmem:s14+$0x580]  }
0x98: {  	v2 =	vbroadcast v0, $0xF;
	v5 =	vbroadcast v0, $0xE  }
0x99: {  	v6 =	vbroadcast v1, $0xC;
	v7 =	vbroadcast v1, $0xD;
	v15 =	vld [tilespmem:s14+$0x480]  }
0x9a: {  	v8 =	vbroadcast v1, $0xE;
	v17 =	vmul.f32 v12, v14  }
0x9b: {  	v1 =	vbroadcast v1, $0xF;
	v3 =	vbroadcast v0, $0xC  }
0x9c: {  	v4 =	vbroadcast v0, $0xD;
	v16 =	vmul.f32 v12, v9;
	v22 =	vadd.f32 v13, v17;
	v17 =	vld [tilespmem:s14+$0x400]  }
0x9d: {  	v18 =	vmul.f32 v12, v10;
	v12 =	vmul.f32 v12, v11  }
0x9e: {  	v0 =	vimm.f32 $-Inf;
	v21 =	vmul.f32 v15, v1;
	v19 =	vadd.f32 v13, v16  }
0x9f: {  	s31 =	simm.s32 $0x10;
	s13 =	simm.s32 $0x40;
	v23 =	vmul.f32 v15, v6;
	v20 =	vadd.f32 v13, v18;
	v18 =	vadd.f32 v13, v12  }
0xa0: {  	s15 =	sand.u32 $0x70, s31;
	s16 =	sand.u32 $0xFE00, s13;
	s14 =	simm.s32 $0x20;
	v16 =	vimm.f32 $-Inf;
	v13 =	vimm.f32 $-Inf;
	v12 =	vimm.f32 $-Inf  }
.LBB2_9:
0xa1: {  	p0 =	sne.s32 s14, $0x3FF0;
	s15 =	sor.u32 s15, s16;
	v24 =	vmul.f32 v15, v7;
	v25 =	vmul.f32 v17, v2;
	v21 =	vadd.f32 v22, v21  }
0xa2: {  	v26 =	vmul.f32 v17, v3;
	v22 =	vld [tilespmem:s15+$0x500];
	v19 =	vadd.f32 v19, v23;
	v23 =	vmul.f32 v15, v8  }
0xa3: {  	v27 =	vmul.f32 v17, v4;
	v15 =	vld [tilespmem:s15+$0x480];
	v20 =	vadd.f32 v20, v24;
	v21 =	vadd.f32 v21, v25  }
0xa4: {  	v25 =	vmul.f32 v17, v5;
	v24 =	vld [tilespmem:s15+$0x580];
	v19 =	vadd.f32 v19, v26;
	v18 =	vadd.f32 v18, v23  }
0xa5: {  	v20 =	vadd.f32 v20, v27;
	v0 =	vmax.f32 v0, v21  }
.Ltmp3:
0xa6: {  	v17 =	vld [tilespmem:s15+$0x400];
	v16 =	vmax.f32 v16, v19;
	v18 =	vadd.f32 v18, v25;
	(pc) =	sbr.rel @p0 .LBB2_9-.Ltmp3, $4  }
0xa7: {  	v19 =	vmul.f32 v22, v9;
	v23 =	vmul.f32 v22, v14;
	v13 =	vmax.f32 v13, v20  }
0xa8: {  	v20 =	vmul.f32 v22, v10;
	v25 =	vmul.f32 v22, v11;
	v12 =	vmax.f32 v12, v18  }
0xa9: {  	s13 =	sadd.s32 $0x40, s13;
	v21 =	vmul.f32 v15, v1;
	v19 =	vadd.f32 v24, v19;
	v22 =	vadd.f32 v24, v23  }
0xaa: {  	s16 =	sand.u32 $0xFE00, s13;
	s15 =	sand.u32 $0x70, s14;
	s14 =	sadd.s32 $0x10, s14;
	v23 =	vmul.f32 v15, v6;
	v20 =	vadd.f32 v24, v20;
	v18 =	vadd.f32 v24, v25  }
0xab: {  	s13 =	sor.u32 s15, s16  }
0xac: {  	v24 =	vmul.f32 v15, v7;
	v25 =	vmul.f32 v17, v2;
	v26 =	vld [tilespmem:s13+$0x500]  }
0xad: {  	v21 =	vadd.f32 v22, v21;
	v45 =	vmul.f32 v17, v3;
	v47 =	vmul.f32 v15, v8;
	v46 =	vld [tilespmem:s13+$0x480]  }
0xae: {  	v27 =	vmul.f32 v17, v4;
	v19 =	vadd.f32 v19, v23;
	v48 =	vld [tilespmem:s13+$0x580];
	v20 =	vadd.f32 v20, v24  }
0xaf: {  	v49 =	vmul.f32 v17, v5;
	v51 =	vld [tilespmem:s13+$0x400];
	v21 =	vadd.f32 v21, v25;
	v15 =	vadd.f32 v18, v47  }
0xb0: {  	v19 =	vadd.f32 v19, v45;
	v50 =	vadd.f32 v20, v27  }
0xb1: {  	v15 =	vadd.f32 v15, v49;
	v9 =	vmul.f32 v26, v9;
	v14 =	vmul.f32 v26, v14  }
0xb2: {  	v16 =	vmax.f32 v16, v19;
	v10 =	vmul.f32 v26, v10;
	v11 =	vmul.f32 v26, v11  }
0xb3: {  	v1 =	vmul.f32 v46, v1;
	v6 =	vmul.f32 v46, v6;
	v9 =	vadd.f32 v48, v9  }
0xb4: {  	v52 =	vmul.f32 v46, v7;
	v53 =	vmul.f32 v51, v3;
	v10 =	vadd.f32 v48, v10  }
0xb5: {  	v54 =	vmul.f32 v46, v8;
	v11 =	vadd.f32 v48, v11;
	v6 =	vadd.f32 v9, v6  }
0xb6: {  	v56 =	vmul.f32 v51, v4;
	v55 =	vadd.f32 v48, v14;
	v7 =	vadd.f32 v10, v52  }
0xb7: {  	s11 =	sadd.s32 $0x1, s11;
	v57 =	vmul.f32 v51, v5;
	v58 =	vadd.f32 v11, v54;
	v3 =	vadd.f32 v6, v53  }
0xb8: {  	p0 =	sne.s32 s11, $0x10;
	v59 =	vmul.f32 v51, v2;
	v1 =	vadd.f32 v55, v1;
	v4 =	vadd.f32 v7, v56  }
.Ltmp4:
0xb9: {  	v60 =	vmax.f32 v13, v50;
	v5 =	vadd.f32 v58, v57;
	v3 =	vmax.f32 v16, v3;
	(pc) =	sbr.rel @p0 .LBB2_2-.Ltmp4, $4  }
0xba: {  	v61 =	vmax.f32 v12, v15;
	v1 =	vadd.f32 v1, v59;
	v62 =	vmax.f32 v60, v4;
	[tilespmem:s12+$0x10A00] =	vst v3  }
0xbb: {  	v0 =	vmax.f32 v0, v21;
	v63 =	vmax.f32 v61, v5;
	[tilespmem:s12+$0x10A80] =	vst v62  }
0xbc: {  	v0 =	vmax.f32 v0, v1;
	[tilespmem:s12+$0x10B00] =	vst v63  }
0xbd: {  	[tilespmem:s12+$0x10B80] =	vst v0  }
0xbe: {  	s10 =	sadd.s32 $0x1, s10  }
0xbf: {  	p0 =	sne.s32 s10, s6  }
.Ltmp5:
0xc0: {  	_ = 	snop;
	(pc) =	sbr.rel @p0 .LBB2_1-.Ltmp5, $4  }
0xc1: {  	[hbm4b:s5+s2] =	stream.linear.scatter [tilespmem:s9], [sflag:$0x1], $0x8000, $0x38;
	[tilespmem:$0x18400] =	vst v63  }
0xc2: {  	_ =	swait.ge [sflag:s7], $0x8000  }
0xc3: {  	[sflag:s7] =	ssyncset.done $0x0  }
0xc4: {  	[sflag:s7] =	ssyncadd.s32 $0xFFFF8000  }
0xc5: {  	_ =	sfence.sel $0x180000  }
0xc6: {  	[bflag:$0x0] =	sbarrier.arrive $0xFFFF  }
0xc7: {  	p0 =	sne.s32 s0, $0x0;
	_ =	strace $0x90000047  }
0xc8: {  	s0 =	sadd.s32 @!p0 $0x100000, s1;
	[bflag:$0x2] =	sbarrier.arrive $0xFFFF  }
0xc9: {  	[sflag:s0] =	ssyncadd.tile.s32 @!p0 $0x1;
	_ =	shalt  }
.Lfunc_end2:
_tile_overlayer_lowered:
.L_overlay_start_2:
0xca: {  	(tag) =	ssettag $0x2  }
0xcb: {  	s0 =	rddreg [dreg:$0x0];
	s2 =	stileid.u32  }
0xcc: {  	s1 =	rddreg [dreg:$0x1];
	p0 =	sne.s32 s2, $0x0  }
0xcd: {  	s3 =	rddreg [dreg:$0x2];
	[bflag:$0x3] =	sbarrier.arrive $0xFFFF;
	s2 =	simm.s32 @!p0 $0x1C01  }
0xce: {  	[timem:s3], [sflag:s2] =	dma.local @!p0 [hbm:s0], s1  }
0xcf: {  	s0 =	simm.s32 @!p0 $0x1  }
0xd0: {  	_ =	swait.ge @!p0 [sflag:s0], s1  }
0xd1: {  	s1 =	ssub.s32 @!p0 $0x0, s1;
	[sflag:s0] =	ssyncset.done @!p0 $0x0  }
0xd2: {  	[sflag:s0] =	ssyncadd.s32 @!p0 s1  }
0xd3: {  	[bflag:$0x3] =	sbarrier.arrive $0xFFFF  }
0xd4: {  	_ =	shalt  }

</sc_bundles>
